<compile_context>
chip_gen: v7x
topology: tpu7x:2x2x1
jax: 0.10.2.dev20260603
libtpu: 0.0.44.dev20260713+nightly
codegen_flags: <defaults>
</compile_context>

<pallas_src>
import functools

import jax
import jax.numpy as jnp
from jax import lax
from jax.experimental import pallas as pl
from jax.experimental.pallas import tpu as pltpu
from jax.experimental.pallas import tpu_sc as plsc

N = 10000
DH = 128
E = 320000
NC = 2
NS = 16
NW = NC * NS
EPW = E // NW
K = 80
NCHUNK = EPW // K
SSTG = 25
NSTG = NCHUNK // SSTG
NPAIR = (SSTG - 1) // 2
NPAD = 10240
DEG_SLICE = NPAD // NS
ROWS_PER_TILE = NPAD // NS
RZ = 16

R = 2000
GRID = N // R

_sc_mesh = plsc.VectorSubcoreMesh(core_axis_name="c", subcore_axis_name="s")



@functools.partial(
    pl.kernel,
    out_type=jax.ShapeDtypeStruct((NC, NPAD), jnp.float32),
    mesh=_sc_mesh,
    scratch_types=[
        pltpu.VMEM((NSTG, SSTG, K), jnp.int32),
        pltpu.VMEM((K,), jnp.float32),
        pltpu.VMEM((DEG_SLICE,), jnp.float32),
        pltpu.VMEM_SHARED((NPAD,), jnp.float32),
    ],
)
def _deg_kernel(eidx_hbm, out_hbm, dst_v, ones_v, zbuf, deg_sh):
    c = lax.axis_index("c")
    s = lax.axis_index("s")
    w = c * NS + s
    pltpu.sync_copy(eidx_hbm.at[1, w], dst_v)
    for i in range(K // 16):
        ones_v[pl.ds(i * 16, 16)] = jnp.ones((16,), jnp.float32)
    for i in range(DEG_SLICE // 16):
        zbuf[pl.ds(i * 16, 16)] = jnp.zeros((16,), jnp.float32)
    pltpu.sync_copy(zbuf, deg_sh.at[pl.ds(s * DEG_SLICE, DEG_SLICE)])
    plsc.subcore_barrier()

    def body(j, carry):
        pltpu.sync_copy(ones_v, deg_sh.at[dst_v.at[j // SSTG, j % SSTG]], add=True)
        return carry

    lax.fori_loop(0, NCHUNK, body, 0)
    plsc.subcore_barrier()
    pltpu.sync_copy(deg_sh.at[pl.ds(s * DEG_SLICE, DEG_SLICE)],
                    out_hbm.at[c, pl.ds(s * DEG_SLICE, DEG_SLICE)])


@functools.partial(
    pl.kernel,
    out_type=jax.ShapeDtypeStruct((NC, NPAD, DH), jnp.float32),
    mesh=_sc_mesh,
    scratch_types=[
        pltpu.VMEM((SSTG, K), jnp.int32),
        pltpu.VMEM((SSTG, K), jnp.int32),
        pltpu.VMEM((K, DH), jnp.float32),
        pltpu.VMEM((K, DH), jnp.float32),
        pltpu.VMEM((K, DH), jnp.float32),
        pltpu.VMEM_SHARED((NPAD, DH), jnp.float32),
        pltpu.SemaphoreType.DMA,
        pltpu.SemaphoreType.DMA,
        pltpu.SemaphoreType.DMA,
        pltpu.SemaphoreType.DMA,
        pltpu.SemaphoreType.DMA,
        pltpu.SemaphoreType.DMA,
    ],
)
def _agg_kernel(g_hbm, eidx_hbm, zeros_hbm, out_hbm,
                src_v, dst_v, r0, r1, r2, acc_sh,
                sg0, sg1, sg2, ss0, ss1, ss2):
    c = lax.axis_index("c")
    s = lax.axis_index("s")
    w = c * NS + s
    pltpu.sync_copy(zeros_hbm,
                    acc_sh.at[pl.ds(s * ROWS_PER_TILE, ROWS_PER_TILE)])
    plsc.subcore_barrier()

    bufs = (r0, r1, r2)
    sgs = (sg0, sg1, sg2)
    sss = (ss0, ss1, ss2)

    def start_g(j, b):
        pltpu.async_copy(g_hbm.at[src_v.at[j]], bufs[b], sgs[b])

    def wait_g(b):
        pltpu.make_async_copy(g_hbm.at[pl.ds(0, K)], bufs[b], sgs[b]).wait()

    def start_s(j, b):
        pltpu.async_copy(bufs[b], acc_sh.at[dst_v.at[j]], sss[b], add=True)

    def wait_s(b):
        pltpu.make_async_copy(bufs[b], acc_sh.at[dst_v.at[0]], sss[b]).wait()

    def stage(st, carry):
        pltpu.sync_copy(eidx_hbm.at[0, w, st], src_v)
        pltpu.sync_copy(eidx_hbm.at[1, w, st], dst_v)
        for b in range(3):
            start_g(b, b)

        def group(i, carry2):
            j0 = 3 * i
            for b in range(3):
                wait_g(b)
                start_s(j0 + b, b)
                wait_s(b)
                start_g(j0 + b + 3, b)
            return carry2

        lax.fori_loop(0, (SSTG - 4) // 3, group, 0)
        wait_g(0); start_s(SSTG - 4, 0); wait_s(0); start_g(SSTG - 1, 0)
        wait_g(1); start_s(SSTG - 3, 1); wait_s(1)
        wait_g(2); start_s(SSTG - 2, 2); wait_s(2)
        wait_g(0); start_s(SSTG - 1, 0); wait_s(0)
        return carry

    lax.fori_loop(0, NSTG, stage, 0)
    plsc.subcore_barrier()
    pltpu.sync_copy(acc_sh.at[pl.ds(s * ROWS_PER_TILE, ROWS_PER_TILE)],
                    out_hbm.at[c, pl.ds(s * ROWS_PER_TILE, ROWS_PER_TILE)])



def _dinv(deg_ref):
    return lax.rsqrt(deg_ref[0] + deg_ref[1] + 1.0)


def _tc_pre_body(deg_ref, x_ref, w1_ref, g1_ref):
    g1_ref[...] = _dinv(deg_ref) * jnp.dot(
        x_ref[...], w1_ref[...], preferred_element_type=jnp.float32)


def _tc_mid_body(deg_ref, acc_ref, g1_ref, b1_ref, w2_ref, g2_ref):
    dinv = _dinv(deg_ref)
    a = acc_ref[0] + acc_ref[1] + g1_ref[...]
    h = jnp.maximum(dinv * a + b1_ref[...], 0.0)
    g2_ref[...] = dinv * jnp.dot(h, w2_ref[...],
                                 preferred_element_type=jnp.float32)


def _tc_post_body(deg_ref, acc_ref, g2_ref, b2_ref, out_ref):
    dinv = _dinv(deg_ref)
    a = acc_ref[0] + acc_ref[1] + g2_ref[...]
    out_ref[...] = jnp.maximum(dinv * a + b2_ref[...], 0.0)


_deg_spec = pl.BlockSpec((NC, R, 1), lambda i: (0, i, 0))
_row_spec = pl.BlockSpec((R, DH), lambda i: (i, 0))
_acc_spec = pl.BlockSpec((NC, R, DH), lambda i: (0, i, 0))
_w_spec = pl.BlockSpec((DH, DH), lambda i: (0, 0))
_b_spec = pl.BlockSpec((1, DH), lambda i: (0, 0))

_tc_pre = pl.pallas_call(
    _tc_pre_body,
    grid=(GRID,),
    in_specs=[_deg_spec, _row_spec, _w_spec],
    out_specs=_row_spec,
    out_shape=jax.ShapeDtypeStruct((N, DH), jnp.float32),
)

_tc_mid = pl.pallas_call(
    _tc_mid_body,
    grid=(GRID,),
    in_specs=[_deg_spec, _acc_spec, _row_spec, _b_spec, _w_spec],
    out_specs=_row_spec,
    out_shape=jax.ShapeDtypeStruct((N, DH), jnp.float32),
)

_tc_post = pl.pallas_call(
    _tc_post_body,
    grid=(GRID,),
    in_specs=[_deg_spec, _acc_spec, _row_spec, _b_spec],
    out_specs=_row_spec,
    out_shape=jax.ShapeDtypeStruct((N, DH), jnp.float32),
)


def kernel(x, edge_index, W1, b1, W2, b2):
    eidx = edge_index.reshape(2, NW, NSTG, SSTG, K)
    b1r = b1.reshape(1, DH)
    b2r = b2.reshape(1, DH)
    zrows = jnp.zeros((ROWS_PER_TILE, DH), jnp.float32)

    degp = _deg_kernel(eidx).reshape(NC, NPAD, 1)
    g1 = _tc_pre(degp, x, W1)
    acc1 = _agg_kernel(g1, eidx, zrows)
    g2 = _tc_mid(degp, acc1, g1, b1r, W2)
    acc2 = _agg_kernel(g2, eidx, zrows)
    return _tc_post(degp, acc2, g2, b2r)

# --- scband reference (transcript-rebuilt; emitter-appended) ---
"""Pipeline reference for scband-attribute-decoder-11570641896117 (READ-ONLY COPY).

The authoritative reference and input builder live on the scoring server;
editing this copy changes nothing except your own understanding.
"""

import jax, jax.numpy as jnp
import numpy as np

N = 10000
E = 320000
NHID = 128
NFEAT = 128


def _glorot(key, shape):
    fan_in, fan_out = shape[0], shape[1]
    limit = np.sqrt(6.0 / (fan_in + fan_out))
    return jax.random.uniform(key, shape, jnp.float32, -limit, limit)


def setup_inputs(seed: int = 0) -> dict:
    key = jax.random.key(seed)
    k1, k2, k3, k4 = jax.random.split(key, 4)
    x = jax.random.normal(k1, (N, NHID), jnp.float32)
    edge_index = jax.random.randint(k2, (2, E), 0, N, jnp.int32)
    W1 = _glorot(k3, (NHID, NHID))
    b1 = jnp.zeros((NHID,), jnp.float32)
    W2 = _glorot(k4, (NHID, NFEAT))
    b2 = jnp.zeros((NFEAT,), jnp.float32)
    return {"x": x, "edge_index": edge_index, "W1": W1, "b1": b1, "W2": W2, "b2": b2}


def _gcn_conv(h, edge_index, W, b, n_nodes):
    # PyG GCNConv: add self-loops, symmetric deg^-1/2 normalization, sum aggregation
    src = edge_index[0]
    dst = edge_index[1]
    loop = jnp.arange(n_nodes, dtype=src.dtype)
    src = jnp.concatenate([src, loop])
    dst = jnp.concatenate([dst, loop])
    ew = jnp.ones(src.shape[0], jnp.float32)
    deg = jnp.zeros((n_nodes,), jnp.float32).at[dst].add(ew)
    dinv = jnp.where(deg > 0, jax.lax.rsqrt(jnp.maximum(deg, 1e-12)), 0.0)
    norm = dinv[src] * dinv[dst]
    hW = h @ W
    msg = hW[src] * norm[:, None]
    out = jnp.zeros((n_nodes, W.shape[1]), jnp.float32).at[dst].add(msg)
    return out + b


def reference(x, edge_index, W1, b1, W2, b2):
    n = x.shape[0]
    h = jax.nn.relu(_gcn_conv(x, edge_index, W1, b1, n))
    # F.dropout with training=False is identity (eval mode)
    out = jax.nn.relu(_gcn_conv(h, edge_index, W2, b2, n))
    return out

if __name__ == "__main__":
    import jax
    _d = setup_inputs()
    print(jax.jit(kernel)(*tuple(_d.values())))

</pallas_src>

<mosaic_0001>
#map = affine_map<(d0, d1) -> (0, 0)>
#map1 = affine_map<(d0, d1) -> (0, 0, 0, 0, 0)>
#map2 = affine_map<(d0, d1) -> (0, 0, 0)>
module attributes {stable_mosaic.version = 14 : i64} {
  func.func @_agg_kernel(%arg0: i32, %arg1: i32, %arg2: memref<10000x128xf32, #tpu.memory_space<hbm>>, %arg3: memref<2x32x5x25x80xi32, #tpu.memory_space<hbm>>, %arg4: memref<640x128xf32, #tpu.memory_space<hbm>>, %arg5: memref<2x10240x128xf32, #tpu.memory_space<hbm>>, %arg6: memref<25x80xi32, #tpu.memory_space<vmem>>, %arg7: memref<25x80xi32, #tpu.memory_space<vmem>>, %arg8: memref<80x128xf32, #tpu.memory_space<vmem>>, %arg9: memref<80x128xf32, #tpu.memory_space<vmem>>, %arg10: memref<80x128xf32, #tpu.memory_space<vmem>>, %arg11: memref<10240x128xf32, #tpu.memory_space<vmem_shared>>, %arg12: memref<!tpu.dma_semaphore, #tpu.memory_space<semaphore_mem>>, %arg13: memref<!tpu.dma_semaphore, #tpu.memory_space<semaphore_mem>>, %arg14: memref<!tpu.dma_semaphore, #tpu.memory_space<semaphore_mem>>, %arg15: memref<!tpu.dma_semaphore, #tpu.memory_space<semaphore_mem>>, %arg16: memref<!tpu.dma_semaphore, #tpu.memory_space<semaphore_mem>>, %arg17: memref<!tpu.dma_semaphore, #tpu.memory_space<semaphore_mem>>) attributes {dimension_semantics = [#tpu.dimension_semantics<core_parallel>, #tpu.dimension_semantics<subcore_parallel>], iteration_bounds = array<i64: 2, 16>, scalar_prefetch = 0 : i64, scratch_operands = 12 : i64, tpu.core_type = #tpu.core_type<sc_vector_subcore>, window_params = [{transform_indices = #map}, {transform_indices = #map1}, {transform_indices = #map}, {transform_indices = #map2}]} {
    %mul3A = arith.constant 16 : i32
    %mul3A_0 = arith.muli %arg0, %mul3A : i32
    %add3A = arith.addi %mul3A_0, %arg1 : i32
    %mul3A_1 = arith.constant 640 : i32
    %mul3A_2 = arith.muli %arg1, %mul3A_1 : i32
    "tpu.region"() ({
      %run_scoped3A = tpu.sem_alloc : memref<!tpu.dma_semaphore, #tpu.memory_space<semaphore_mem>>
      %dma_start3A = arith.constant 0 : i32
      %dma_start3A_13 = tpu.memref_slice %arg11[%mul3A_2, %dma_start3A] : memref<10240x128xf32, #tpu.memory_space<vmem_shared>> -> memref<640x128xf32, #tpu.memory_space<vmem_shared>>
      tpu.enqueue_dma source(%arg4 : memref<640x128xf32, #tpu.memory_space<hbm>>) target(%dma_start3A_13 : memref<640x128xf32, #tpu.memory_space<vmem_shared>>) target_semaphore(%run_scoped3A : memref<!tpu.dma_semaphore, #tpu.memory_space<semaphore_mem>>)
      %dma_wait3A = arith.constant 0 : i32
      %dma_wait3A_14 = tpu.memref_slice %arg11[%mul3A_2, %dma_wait3A] : memref<10240x128xf32, #tpu.memory_space<vmem_shared>> -> memref<640x128xf32, #tpu.memory_space<vmem_shared>>
      tpu.wait_dma2 semaphore(%run_scoped3A : memref<!tpu.dma_semaphore, #tpu.memory_space<semaphore_mem>>) src(%arg4 : memref<640x128xf32, #tpu.memory_space<hbm>>) dst(%dma_wait3A_14 : memref<640x128xf32, #tpu.memory_space<vmem_shared>>)
      tpu.yield
    }) : () -> ()
    %barrier3A = arith.constant 0 : index
    tpu.barrier barrier_id(%barrier3A)
    %scan3A = arith.constant 0 : i32
    %scan3A_3 = arith.constant 0 : i32
    %scan3A_4 = arith.constant 5 : i32
    %scan3A_5 = arith.addi %scan3A_3, %scan3A_4 : i32
    %scan3A_6 = arith.constant 1 : i32
    scf.for %scan3A_13 = %scan3A_3 to %scan3A_5 step %scan3A_6  : i32 {
      %run_scoped3A = arith.constant 0 : i32
      "tpu.region"() ({
        %run_scoped3A_127 = tpu.sem_alloc : memref<!tpu.dma_semaphore, #tpu.memory_space<semaphore_mem>>
        %dma_start3A_128 = arith.constant 0 : i32
        %dma_start3A_129 = arith.constant 0 : i32
        %dma_start3A_130 = tpu.memref_slice %arg3[%run_scoped3A, %add3A, %scan3A_13, %dma_start3A_128, %dma_start3A_129] : memref<2x32x5x25x80xi32, #tpu.memory_space<hbm>> -> memref<1x1x1x25x80xi32, #tpu.memory_space<hbm>>
        %dma_start3A_131 = tpu.memref_squeeze %dma_start3A_130 : memref<1x1x1x25x80xi32, #tpu.memory_space<hbm>> -> memref<25x80xi32, #tpu.memory_space<hbm>>
        %dma_start3A_132 = arith.constant 0 : i32
        %dma_start3A_133 = arith.constant 0 : i32
        %dma_start3A_134 = tpu.memref_slice %arg3[%run_scoped3A, %add3A, %scan3A_13, %dma_start3A_132, %dma_start3A_133] : memref<2x32x5x25x80xi32, #tpu.memory_space<hbm>> -> memref<1x1x1x25x80xi32, #tpu.memory_space<hbm>>
        %dma_start3A_135 = tpu.memref_squeeze %dma_start3A_134 : memref<1x1x1x25x80xi32, #tpu.memory_space<hbm>> -> memref<25x80xi32, #tpu.memory_space<hbm>>
        tpu.enqueue_dma source(%dma_start3A_135 : memref<25x80xi32, #tpu.memory_space<hbm>>) target(%arg6 : memref<25x80xi32, #tpu.memory_space<vmem>>) target_semaphore(%run_scoped3A_127 : memref<!tpu.dma_semaphore, #tpu.memory_space<semaphore_mem>>)
        %dma_wait3A_136 = arith.constant 0 : i32
        %dma_wait3A_137 = arith.constant 0 : i32
        %dma_wait3A_138 = tpu.memref_slice %arg3[%run_scoped3A, %add3A, %scan3A_13, %dma_wait3A_136, %dma_wait3A_137] : memref<2x32x5x25x80xi32, #tpu.memory_space<hbm>> -> memref<1x1x1x25x80xi32, #tpu.memory_space<hbm>>
        %dma_wait3A_139 = tpu.memref_squeeze %dma_wait3A_138 : memref<1x1x1x25x80xi32, #tpu.memory_space<hbm>> -> memref<25x80xi32, #tpu.memory_space<hbm>>
        %dma_wait3A_140 = arith.constant 0 : i32
        %dma_wait3A_141 = arith.constant 0 : i32
        %dma_wait3A_142 = tpu.memref_slice %arg3[%run_scoped3A, %add3A, %scan3A_13, %dma_wait3A_140, %dma_wait3A_141] : memref<2x32x5x25x80xi32, #tpu.memory_space<hbm>> -> memref<1x1x1x25x80xi32, #tpu.memory_space<hbm>>
        %dma_wait3A_143 = tpu.memref_squeeze %dma_wait3A_142 : memref<1x1x1x25x80xi32, #tpu.memory_space<hbm>> -> memref<25x80xi32, #tpu.memory_space<hbm>>
        tpu.wait_dma2 semaphore(%run_scoped3A_127 : memref<!tpu.dma_semaphore, #tpu.memory_space<semaphore_mem>>) src(%dma_wait3A_143 : memref<25x80xi32, #tpu.memory_space<hbm>>) dst(%arg6 : memref<25x80xi32, #tpu.memory_space<vmem>>)
        tpu.yield
      }) : () -> ()
      %run_scoped3A_14 = arith.constant 1 : i32
      "tpu.region"() ({
        %run_scoped3A_127 = tpu.sem_alloc : memref<!tpu.dma_semaphore, #tpu.memory_space<semaphore_mem>>
        %dma_start3A_128 = arith.constant 0 : i32
        %dma_start3A_129 = arith.constant 0 : i32
        %dma_start3A_130 = tpu.memref_slice %arg3[%run_scoped3A_14, %add3A, %scan3A_13, %dma_start3A_128, %dma_start3A_129] : memref<2x32x5x25x80xi32, #tpu.memory_space<hbm>> -> memref<1x1x1x25x80xi32, #tpu.memory_space<hbm>>
        %dma_start3A_131 = tpu.memref_squeeze %dma_start3A_130 : memref<1x1x1x25x80xi32, #tpu.memory_space<hbm>> -> memref<25x80xi32, #tpu.memory_space<hbm>>
        %dma_start3A_132 = arith.constant 0 : i32
        %dma_start3A_133 = arith.constant 0 : i32
        %dma_start3A_134 = tpu.memref_slice %arg3[%run_scoped3A_14, %add3A, %scan3A_13, %dma_start3A_132, %dma_start3A_133] : memref<2x32x5x25x80xi32, #tpu.memory_space<hbm>> -> memref<1x1x1x25x80xi32, #tpu.memory_space<hbm>>
        %dma_start3A_135 = tpu.memref_squeeze %dma_start3A_134 : memref<1x1x1x25x80xi32, #tpu.memory_space<hbm>> -> memref<25x80xi32, #tpu.memory_space<hbm>>
        tpu.enqueue_dma source(%dma_start3A_135 : memref<25x80xi32, #tpu.memory_space<hbm>>) target(%arg7 : memref<25x80xi32, #tpu.memory_space<vmem>>) target_semaphore(%run_scoped3A_127 : memref<!tpu.dma_semaphore, #tpu.memory_space<semaphore_mem>>)
        %dma_wait3A_136 = arith.constant 0 : i32
        %dma_wait3A_137 = arith.constant 0 : i32
        %dma_wait3A_138 = tpu.memref_slice %arg3[%run_scoped3A_14, %add3A, %scan3A_13, %dma_wait3A_136, %dma_wait3A_137] : memref<2x32x5x25x80xi32, #tpu.memory_space<hbm>> -> memref<1x1x1x25x80xi32, #tpu.memory_space<hbm>>
        %dma_wait3A_139 = tpu.memref_squeeze %dma_wait3A_138 : memref<1x1x1x25x80xi32, #tpu.memory_space<hbm>> -> memref<25x80xi32, #tpu.memory_space<hbm>>
        %dma_wait3A_140 = arith.constant 0 : i32
        %dma_wait3A_141 = arith.constant 0 : i32
        %dma_wait3A_142 = tpu.memref_slice %arg3[%run_scoped3A_14, %add3A, %scan3A_13, %dma_wait3A_140, %dma_wait3A_141] : memref<2x32x5x25x80xi32, #tpu.memory_space<hbm>> -> memref<1x1x1x25x80xi32, #tpu.memory_space<hbm>>
        %dma_wait3A_143 = tpu.memref_squeeze %dma_wait3A_142 : memref<1x1x1x25x80xi32, #tpu.memory_space<hbm>> -> memref<25x80xi32, #tpu.memory_space<hbm>>
        tpu.wait_dma2 semaphore(%run_scoped3A_127 : memref<!tpu.dma_semaphore, #tpu.memory_space<semaphore_mem>>) src(%dma_wait3A_143 : memref<25x80xi32, #tpu.memory_space<hbm>>) dst(%arg7 : memref<25x80xi32, #tpu.memory_space<vmem>>)
        tpu.yield
      }) : () -> ()
      %dma_start3A = arith.constant 0 : i32
      %dma_start3A_15 = arith.constant 0 : i32
      %dma_start3A_16 = tpu.memref_slice %arg6[%dma_start3A, %dma_start3A_15] : memref<25x80xi32, #tpu.memory_space<vmem>> -> memref<1x80xi32, #tpu.memory_space<vmem>>
      %dma_start3A_17 = tpu.memref_squeeze %dma_start3A_16 : memref<1x80xi32, #tpu.memory_space<vmem>> -> memref<80xi32, #tpu.memory_space<vmem>>
      %dma_start3A_18 = arith.constant 0 : i32
      %dma_start3A_19 = arith.constant 0 : i32
      %dma_start3A_20 = tpu.memref_slice %arg2[%dma_start3A_18, %dma_start3A_19] : memref<10000x128xf32, #tpu.memory_space<hbm>> -> memref<10000x128xf32, #tpu.memory_space<hbm>>
      tpu.enqueue_indirect_dma source(%dma_start3A_20 : memref<10000x128xf32, #tpu.memory_space<hbm>>) target(%arg8 : memref<80x128xf32, #tpu.memory_space<vmem>>) offsets(%dma_start3A_17 : memref<80xi32, #tpu.memory_space<vmem>>) semaphore(%arg12 : memref<!tpu.dma_semaphore, #tpu.memory_space<semaphore_mem>>)
      %dma_start3A_21 = arith.constant 1 : i32
      %dma_start3A_22 = arith.constant 0 : i32
      %dma_start3A_23 = tpu.memref_slice %arg6[%dma_start3A_21, %dma_start3A_22] : memref<25x80xi32, #tpu.memory_space<vmem>> -> memref<1x80xi32, #tpu.memory_space<vmem>>
      %dma_start3A_24 = tpu.memref_squeeze %dma_start3A_23 : memref<1x80xi32, #tpu.memory_space<vmem>> -> memref<80xi32, #tpu.memory_space<vmem>>
      %dma_start3A_25 = arith.constant 0 : i32
      %dma_start3A_26 = arith.constant 0 : i32
      %dma_start3A_27 = tpu.memref_slice %arg2[%dma_start3A_25, %dma_start3A_26] : memref<10000x128xf32, #tpu.memory_space<hbm>> -> memref<10000x128xf32, #tpu.memory_space<hbm>>
      tpu.enqueue_indirect_dma source(%dma_start3A_27 : memref<10000x128xf32, #tpu.memory_space<hbm>>) target(%arg9 : memref<80x128xf32, #tpu.memory_space<vmem>>) offsets(%dma_start3A_24 : memref<80xi32, #tpu.memory_space<vmem>>) semaphore(%arg13 : memref<!tpu.dma_semaphore, #tpu.memory_space<semaphore_mem>>)
      %dma_start3A_28 = arith.constant 2 : i32
      %dma_start3A_29 = arith.constant 0 : i32
      %dma_start3A_30 = tpu.memref_slice %arg6[%dma_start3A_28, %dma_start3A_29] : memref<25x80xi32, #tpu.memory_space<vmem>> -> memref<1x80xi32, #tpu.memory_space<vmem>>
      %dma_start3A_31 = tpu.memref_squeeze %dma_start3A_30 : memref<1x80xi32, #tpu.memory_space<vmem>> -> memref<80xi32, #tpu.memory_space<vmem>>
      %dma_start3A_32 = arith.constant 0 : i32
      %dma_start3A_33 = arith.constant 0 : i32
      %dma_start3A_34 = tpu.memref_slice %arg2[%dma_start3A_32, %dma_start3A_33] : memref<10000x128xf32, #tpu.memory_space<hbm>> -> memref<10000x128xf32, #tpu.memory_space<hbm>>
      tpu.enqueue_indirect_dma source(%dma_start3A_34 : memref<10000x128xf32, #tpu.memory_space<hbm>>) target(%arg10 : memref<80x128xf32, #tpu.memory_space<vmem>>) offsets(%dma_start3A_31 : memref<80xi32, #tpu.memory_space<vmem>>) semaphore(%arg14 : memref<!tpu.dma_semaphore, #tpu.memory_space<semaphore_mem>>)
      %scan3A_35 = arith.constant 0 : i32
      %scan3A_36 = arith.constant 0 : i32
      %scan3A_37 = arith.constant 7 : i32
      %scan3A_38 = arith.addi %scan3A_36, %scan3A_37 : i32
      %scan3A_39 = arith.constant 1 : i32
      scf.for %scan3A_127 = %scan3A_36 to %scan3A_38 step %scan3A_39  : i32 {
        %mul3A_128 = arith.constant 3 : i32
        %mul3A_129 = arith.muli %mul3A_128, %scan3A_127 : i32
        %dma_wait3A_130 = arith.constant 0 : i32
        %dma_wait3A_131 = arith.constant 0 : i32
        %dma_wait3A_132 = tpu.memref_slice %arg2[%dma_wait3A_130, %dma_wait3A_131] : memref<10000x128xf32, #tpu.memory_space<hbm>> -> memref<80x128xf32, #tpu.memory_space<hbm>>
        %dma_wait3A_133 = arith.constant 0 : i32
        %dma_wait3A_134 = arith.constant 0 : i32
        %dma_wait3A_135 = tpu.memref_slice %arg2[%dma_wait3A_133, %dma_wait3A_134] : memref<10000x128xf32, #tpu.memory_space<hbm>> -> memref<80x128xf32, #tpu.memory_space<hbm>>
        tpu.wait_dma2 semaphore(%arg12 : memref<!tpu.dma_semaphore, #tpu.memory_space<semaphore_mem>>) src(%dma_wait3A_135 : memref<80x128xf32, #tpu.memory_space<hbm>>) dst(%arg8 : memref<80x128xf32, #tpu.memory_space<vmem>>)
        %add3A_136 = arith.constant 0 : i32
        %add3A_137 = arith.addi %mul3A_129, %add3A_136 : i32
        %dma_start3A_138 = arith.constant 0 : i32
        %dma_start3A_139 = tpu.memref_slice %arg7[%add3A_137, %dma_start3A_138] : memref<25x80xi32, #tpu.memory_space<vmem>> -> memref<1x80xi32, #tpu.memory_space<vmem>>
        %dma_start3A_140 = tpu.memref_squeeze %dma_start3A_139 : memref<1x80xi32, #tpu.memory_space<vmem>> -> memref<80xi32, #tpu.memory_space<vmem>>
        %dma_start3A_141 = arith.constant 0 : i32
        %dma_start3A_142 = arith.constant 0 : i32
        %dma_start3A_143 = tpu.memref_slice %arg11[%dma_start3A_141, %dma_start3A_142] : memref<10240x128xf32, #tpu.memory_space<vmem_shared>> -> memref<10240x128xf32, #tpu.memory_space<vmem_shared>>
        tpu.enqueue_indirect_dma source(%arg8 : memref<80x128xf32, #tpu.memory_space<vmem>>) target(%dma_start3A_143 : memref<10240x128xf32, #tpu.memory_space<vmem_shared>>) offsets(%dma_start3A_140 : memref<80xi32, #tpu.memory_space<vmem>>) semaphore(%arg15 : memref<!tpu.dma_semaphore, #tpu.memory_space<semaphore_mem>>) {add = true}
        %dma_wait3A_144 = arith.constant 0 : i32
        %dma_wait3A_145 = arith.constant 0 : i32
        %dma_wait3A_146 = tpu.memref_slice %arg7[%dma_wait3A_144, %dma_wait3A_145] : memref<25x80xi32, #tpu.memory_space<vmem>> -> memref<1x80xi32, #tpu.memory_space<vmem>>
        %dma_wait3A_147 = tpu.memref_squeeze %dma_wait3A_146 : memref<1x80xi32, #tpu.memory_space<vmem>> -> memref<80xi32, #tpu.memory_space<vmem>>
        %dma_wait3A_148 = arith.constant 0 : i32
        %dma_wait3A_149 = arith.constant 0 : i32
        %dma_wait3A_150 = tpu.memref_slice %arg11[%dma_wait3A_148, %dma_wait3A_149] : memref<10240x128xf32, #tpu.memory_space<vmem_shared>> -> memref<10240x128xf32, #tpu.memory_space<vmem_shared>>
        tpu.wait_indirect_dma semaphore(%arg15 : memref<!tpu.dma_semaphore, #tpu.memory_space<semaphore_mem>>) src(%arg8 : memref<80x128xf32, #tpu.memory_space<vmem>>) dst(%dma_wait3A_150 : memref<10240x128xf32, #tpu.memory_space<vmem_shared>>)
        %add3A_151 = arith.constant 0 : i32
        %add3A_152 = arith.addi %mul3A_129, %add3A_151 : i32
        %add3A_153 = arith.constant 3 : i32
        %add3A_154 = arith.addi %add3A_152, %add3A_153 : i32
        %dma_start3A_155 = arith.constant 0 : i32
        %dma_start3A_156 = tpu.memref_slice %arg6[%add3A_154, %dma_start3A_155] : memref<25x80xi32, #tpu.memory_space<vmem>> -> memref<1x80xi32, #tpu.memory_space<vmem>>
        %dma_start3A_157 = tpu.memref_squeeze %dma_start3A_156 : memref<1x80xi32, #tpu.memory_space<vmem>> -> memref<80xi32, #tpu.memory_space<vmem>>
        %dma_start3A_158 = arith.constant 0 : i32
        %dma_start3A_159 = arith.constant 0 : i32
        %dma_start3A_160 = tpu.memref_slice %arg2[%dma_start3A_158, %dma_start3A_159] : memref<10000x128xf32, #tpu.memory_space<hbm>> -> memref<10000x128xf32, #tpu.memory_space<hbm>>
        tpu.enqueue_indirect_dma source(%dma_start3A_160 : memref<10000x128xf32, #tpu.memory_space<hbm>>) target(%arg8 : memref<80x128xf32, #tpu.memory_space<vmem>>) offsets(%dma_start3A_157 : memref<80xi32, #tpu.memory_space<vmem>>) semaphore(%arg12 : memref<!tpu.dma_semaphore, #tpu.memory_space<semaphore_mem>>)
        %dma_wait3A_161 = arith.constant 0 : i32
        %dma_wait3A_162 = arith.constant 0 : i32
        %dma_wait3A_163 = tpu.memref_slice %arg2[%dma_wait3A_161, %dma_wait3A_162] : memref<10000x128xf32, #tpu.memory_space<hbm>> -> memref<80x128xf32, #tpu.memory_space<hbm>>
        %dma_wait3A_164 = arith.constant 0 : i32
        %dma_wait3A_165 = arith.constant 0 : i32
        %dma_wait3A_166 = tpu.memref_slice %arg2[%dma_wait3A_164, %dma_wait3A_165] : memref<10000x128xf32, #tpu.memory_space<hbm>> -> memref<80x128xf32, #tpu.memory_space<hbm>>
        tpu.wait_dma2 semaphore(%arg13 : memref<!tpu.dma_semaphore, #tpu.memory_space<semaphore_mem>>) src(%dma_wait3A_166 : memref<80x128xf32, #tpu.memory_space<hbm>>) dst(%arg9 : memref<80x128xf32, #tpu.memory_space<vmem>>)
        %add3A_167 = arith.constant 1 : i32
        %add3A_168 = arith.addi %mul3A_129, %add3A_167 : i32
        %dma_start3A_169 = arith.constant 0 : i32
        %dma_start3A_170 = tpu.memref_slice %arg7[%add3A_168, %dma_start3A_169] : memref<25x80xi32, #tpu.memory_space<vmem>> -> memref<1x80xi32, #tpu.memory_space<vmem>>
        %dma_start3A_171 = tpu.memref_squeeze %dma_start3A_170 : memref<1x80xi32, #tpu.memory_space<vmem>> -> memref<80xi32, #tpu.memory_space<vmem>>
        %dma_start3A_172 = arith.constant 0 : i32
        %dma_start3A_173 = arith.constant 0 : i32
        %dma_start3A_174 = tpu.memref_slice %arg11[%dma_start3A_172, %dma_start3A_173] : memref<10240x128xf32, #tpu.memory_space<vmem_shared>> -> memref<10240x128xf32, #tpu.memory_space<vmem_shared>>
        tpu.enqueue_indirect_dma source(%arg9 : memref<80x128xf32, #tpu.memory_space<vmem>>) target(%dma_start3A_174 : memref<10240x128xf32, #tpu.memory_space<vmem_shared>>) offsets(%dma_start3A_171 : memref<80xi32, #tpu.memory_space<vmem>>) semaphore(%arg16 : memref<!tpu.dma_semaphore, #tpu.memory_space<semaphore_mem>>) {add = true}
        %dma_wait3A_175 = arith.constant 0 : i32
        %dma_wait3A_176 = arith.constant 0 : i32
        %dma_wait3A_177 = tpu.memref_slice %arg7[%dma_wait3A_175, %dma_wait3A_176] : memref<25x80xi32, #tpu.memory_space<vmem>> -> memref<1x80xi32, #tpu.memory_space<vmem>>
        %dma_wait3A_178 = tpu.memref_squeeze %dma_wait3A_177 : memref<1x80xi32, #tpu.memory_space<vmem>> -> memref<80xi32, #tpu.memory_space<vmem>>
        %dma_wait3A_179 = arith.constant 0 : i32
        %dma_wait3A_180 = arith.constant 0 : i32
        %dma_wait3A_181 = tpu.memref_slice %arg11[%dma_wait3A_179, %dma_wait3A_180] : memref<10240x128xf32, #tpu.memory_space<vmem_shared>> -> memref<10240x128xf32, #tpu.memory_space<vmem_shared>>
        tpu.wait_indirect_dma semaphore(%arg16 : memref<!tpu.dma_semaphore, #tpu.memory_space<semaphore_mem>>) src(%arg9 : memref<80x128xf32, #tpu.memory_space<vmem>>) dst(%dma_wait3A_181 : memref<10240x128xf32, #tpu.memory_space<vmem_shared>>)
        %add3A_182 = arith.constant 1 : i32
        %add3A_183 = arith.addi %mul3A_129, %add3A_182 : i32
        %add3A_184 = arith.constant 3 : i32
        %add3A_185 = arith.addi %add3A_183, %add3A_184 : i32
        %dma_start3A_186 = arith.constant 0 : i32
        %dma_start3A_187 = tpu.memref_slice %arg6[%add3A_185, %dma_start3A_186] : memref<25x80xi32, #tpu.memory_space<vmem>> -> memref<1x80xi32, #tpu.memory_space<vmem>>
        %dma_start3A_188 = tpu.memref_squeeze %dma_start3A_187 : memref<1x80xi32, #tpu.memory_space<vmem>> -> memref<80xi32, #tpu.memory_space<vmem>>
        %dma_start3A_189 = arith.constant 0 : i32
        %dma_start3A_190 = arith.constant 0 : i32
        %dma_start3A_191 = tpu.memref_slice %arg2[%dma_start3A_189, %dma_start3A_190] : memref<10000x128xf32, #tpu.memory_space<hbm>> -> memref<10000x128xf32, #tpu.memory_space<hbm>>
        tpu.enqueue_indirect_dma source(%dma_start3A_191 : memref<10000x128xf32, #tpu.memory_space<hbm>>) target(%arg9 : memref<80x128xf32, #tpu.memory_space<vmem>>) offsets(%dma_start3A_188 : memref<80xi32, #tpu.memory_space<vmem>>) semaphore(%arg13 : memref<!tpu.dma_semaphore, #tpu.memory_space<semaphore_mem>>)
        %dma_wait3A_192 = arith.constant 0 : i32
        %dma_wait3A_193 = arith.constant 0 : i32
        %dma_wait3A_194 = tpu.memref_slice %arg2[%dma_wait3A_192, %dma_wait3A_193] : memref<10000x128xf32, #tpu.memory_space<hbm>> -> memref<80x128xf32, #tpu.memory_space<hbm>>
        %dma_wait3A_195 = arith.constant 0 : i32
        %dma_wait3A_196 = arith.constant 0 : i32
        %dma_wait3A_197 = tpu.memref_slice %arg2[%dma_wait3A_195, %dma_wait3A_196] : memref<10000x128xf32, #tpu.memory_space<hbm>> -> memref<80x128xf32, #tpu.memory_space<hbm>>
        tpu.wait_dma2 semaphore(%arg14 : memref<!tpu.dma_semaphore, #tpu.memory_space<semaphore_mem>>) src(%dma_wait3A_197 : memref<80x128xf32, #tpu.memory_space<hbm>>) dst(%arg10 : memref<80x128xf32, #tpu.memory_space<vmem>>)
        %add3A_198 = arith.constant 2 : i32
        %add3A_199 = arith.addi %mul3A_129, %add3A_198 : i32
        %dma_start3A_200 = arith.constant 0 : i32
        %dma_start3A_201 = tpu.memref_slice %arg7[%add3A_199, %dma_start3A_200] : memref<25x80xi32, #tpu.memory_space<vmem>> -> memref<1x80xi32, #tpu.memory_space<vmem>>
        %dma_start3A_202 = tpu.memref_squeeze %dma_start3A_201 : memref<1x80xi32, #tpu.memory_space<vmem>> -> memref<80xi32, #tpu.memory_space<vmem>>
        %dma_start3A_203 = arith.constant 0 : i32
        %dma_start3A_204 = arith.constant 0 : i32
        %dma_start3A_205 = tpu.memref_slice %arg11[%dma_start3A_203, %dma_start3A_204] : memref<10240x128xf32, #tpu.memory_space<vmem_shared>> -> memref<10240x128xf32, #tpu.memory_space<vmem_shared>>
        tpu.enqueue_indirect_dma source(%arg10 : memref<80x128xf32, #tpu.memory_space<vmem>>) target(%dma_start3A_205 : memref<10240x128xf32, #tpu.memory_space<vmem_shared>>) offsets(%dma_start3A_202 : memref<80xi32, #tpu.memory_space<vmem>>) semaphore(%arg17 : memref<!tpu.dma_semaphore, #tpu.memory_space<semaphore_mem>>) {add = true}
        %dma_wait3A_206 = arith.constant 0 : i32
        %dma_wait3A_207 = arith.constant 0 : i32
        %dma_wait3A_208 = tpu.memref_slice %arg7[%dma_wait3A_206, %dma_wait3A_207] : memref<25x80xi32, #tpu.memory_space<vmem>> -> memref<1x80xi32, #tpu.memory_space<vmem>>
        %dma_wait3A_209 = tpu.memref_squeeze %dma_wait3A_208 : memref<1x80xi32, #tpu.memory_space<vmem>> -> memref<80xi32, #tpu.memory_space<vmem>>
        %dma_wait3A_210 = arith.constant 0 : i32
        %dma_wait3A_211 = arith.constant 0 : i32
        %dma_wait3A_212 = tpu.memref_slice %arg11[%dma_wait3A_210, %dma_wait3A_211] : memref<10240x128xf32, #tpu.memory_space<vmem_shared>> -> memref<10240x128xf32, #tpu.memory_space<vmem_shared>>
        tpu.wait_indirect_dma semaphore(%arg17 : memref<!tpu.dma_semaphore, #tpu.memory_space<semaphore_mem>>) src(%arg10 : memref<80x128xf32, #tpu.memory_space<vmem>>) dst(%dma_wait3A_212 : memref<10240x128xf32, #tpu.memory_space<vmem_shared>>)
        %add3A_213 = arith.constant 2 : i32
        %add3A_214 = arith.addi %mul3A_129, %add3A_213 : i32
        %add3A_215 = arith.constant 3 : i32
        %add3A_216 = arith.addi %add3A_214, %add3A_215 : i32
        %dma_start3A_217 = arith.constant 0 : i32
        %dma_start3A_218 = tpu.memref_slice %arg6[%add3A_216, %dma_start3A_217] : memref<25x80xi32, #tpu.memory_space<vmem>> -> memref<1x80xi32, #tpu.memory_space<vmem>>
        %dma_start3A_219 = tpu.memref_squeeze %dma_start3A_218 : memref<1x80xi32, #tpu.memory_space<vmem>> -> memref<80xi32, #tpu.memory_space<vmem>>
        %dma_start3A_220 = arith.constant 0 : i32
        %dma_start3A_221 = arith.constant 0 : i32
        %dma_start3A_222 = tpu.memref_slice %arg2[%dma_start3A_220, %dma_start3A_221] : memref<10000x128xf32, #tpu.memory_space<hbm>> -> memref<10000x128xf32, #tpu.memory_space<hbm>>
        tpu.enqueue_indirect_dma source(%dma_start3A_222 : memref<10000x128xf32, #tpu.memory_space<hbm>>) target(%arg10 : memref<80x128xf32, #tpu.memory_space<vmem>>) offsets(%dma_start3A_219 : memref<80xi32, #tpu.memory_space<vmem>>) semaphore(%arg14 : memref<!tpu.dma_semaphore, #tpu.memory_space<semaphore_mem>>)
      }
      %scan3A_40 = arith.constant 7 : i32
      %dma_wait3A = arith.constant 0 : i32
      %dma_wait3A_41 = arith.constant 0 : i32
      %dma_wait3A_42 = tpu.memref_slice %arg2[%dma_wait3A, %dma_wait3A_41] : memref<10000x128xf32, #tpu.memory_space<hbm>> -> memref<80x128xf32, #tpu.memory_space<hbm>>
      %dma_wait3A_43 = arith.constant 0 : i32
      %dma_wait3A_44 = arith.constant 0 : i32
      %dma_wait3A_45 = tpu.memref_slice %arg2[%dma_wait3A_43, %dma_wait3A_44] : memref<10000x128xf32, #tpu.memory_space<hbm>> -> memref<80x128xf32, #tpu.memory_space<hbm>>
      tpu.wait_dma2 semaphore(%arg12 : memref<!tpu.dma_semaphore, #tpu.memory_space<semaphore_mem>>) src(%dma_wait3A_45 : memref<80x128xf32, #tpu.memory_space<hbm>>) dst(%arg8 : memref<80x128xf32, #tpu.memory_space<vmem>>)
      %dma_start3A_46 = arith.constant 21 : i32
      %dma_start3A_47 = arith.constant 0 : i32
      %dma_start3A_48 = tpu.memref_slice %arg7[%dma_start3A_46, %dma_start3A_47] : memref<25x80xi32, #tpu.memory_space<vmem>> -> memref<1x80xi32, #tpu.memory_space<vmem>>
      %dma_start3A_49 = tpu.memref_squeeze %dma_start3A_48 : memref<1x80xi32, #tpu.memory_space<vmem>> -> memref<80xi32, #tpu.memory_space<vmem>>
      %dma_start3A_50 = arith.constant 0 : i32
      %dma_start3A_51 = arith.constant 0 : i32
      %dma_start3A_52 = tpu.memref_slice %arg11[%dma_start3A_50, %dma_start3A_51] : memref<10240x128xf32, #tpu.memory_space<vmem_shared>> -> memref<10240x128xf32, #tpu.memory_space<vmem_shared>>
      tpu.enqueue_indirect_dma source(%arg8 : memref<80x128xf32, #tpu.memory_space<vmem>>) target(%dma_start3A_52 : memref<10240x128xf32, #tpu.memory_space<vmem_shared>>) offsets(%dma_start3A_49 : memref<80xi32, #tpu.memory_space<vmem>>) semaphore(%arg15 : memref<!tpu.dma_semaphore, #tpu.memory_space<semaphore_mem>>) {add = true}
      %dma_wait3A_53 = arith.constant 0 : i32
      %dma_wait3A_54 = arith.constant 0 : i32
      %dma_wait3A_55 = tpu.memref_slice %arg7[%dma_wait3A_53, %dma_wait3A_54] : memref<25x80xi32, #tpu.memory_space<vmem>> -> memref<1x80xi32, #tpu.memory_space<vmem>>
      %dma_wait3A_56 = tpu.memref_squeeze %dma_wait3A_55 : memref<1x80xi32, #tpu.memory_space<vmem>> -> memref<80xi32, #tpu.memory_space<vmem>>
      %dma_wait3A_57 = arith.constant 0 : i32
      %dma_wait3A_58 = arith.constant 0 : i32
      %dma_wait3A_59 = tpu.memref_slice %arg11[%dma_wait3A_57, %dma_wait3A_58] : memref<10240x128xf32, #tpu.memory_space<vmem_shared>> -> memref<10240x128xf32, #tpu.memory_space<vmem_shared>>
      tpu.wait_indirect_dma semaphore(%arg15 : memref<!tpu.dma_semaphore, #tpu.memory_space<semaphore_mem>>) src(%arg8 : memref<80x128xf32, #tpu.memory_space<vmem>>) dst(%dma_wait3A_59 : memref<10240x128xf32, #tpu.memory_space<vmem_shared>>)
      %dma_start3A_60 = arith.constant 24 : i32
      %dma_start3A_61 = arith.constant 0 : i32
      %dma_start3A_62 = tpu.memref_slice %arg6[%dma_start3A_60, %dma_start3A_61] : memref<25x80xi32, #tpu.memory_space<vmem>> -> memref<1x80xi32, #tpu.memory_space<vmem>>
      %dma_start3A_63 = tpu.memref_squeeze %dma_start3A_62 : memref<1x80xi32, #tpu.memory_space<vmem>> -> memref<80xi32, #tpu.memory_space<vmem>>
      %dma_start3A_64 = arith.constant 0 : i32
      %dma_start3A_65 = arith.constant 0 : i32
      %dma_start3A_66 = tpu.memref_slice %arg2[%dma_start3A_64, %dma_start3A_65] : memref<10000x128xf32, #tpu.memory_space<hbm>> -> memref<10000x128xf32, #tpu.memory_space<hbm>>
      tpu.enqueue_indirect_dma source(%dma_start3A_66 : memref<10000x128xf32, #tpu.memory_space<hbm>>) target(%arg8 : memref<80x128xf32, #tpu.memory_space<vmem>>) offsets(%dma_start3A_63 : memref<80xi32, #tpu.memory_space<vmem>>) semaphore(%arg12 : memref<!tpu.dma_semaphore, #tpu.memory_space<semaphore_mem>>)
      %dma_wait3A_67 = arith.constant 0 : i32
      %dma_wait3A_68 = arith.constant 0 : i32
      %dma_wait3A_69 = tpu.memref_slice %arg2[%dma_wait3A_67, %dma_wait3A_68] : memref<10000x128xf32, #tpu.memory_space<hbm>> -> memref<80x128xf32, #tpu.memory_space<hbm>>
      %dma_wait3A_70 = arith.constant 0 : i32
      %dma_wait3A_71 = arith.constant 0 : i32
      %dma_wait3A_72 = tpu.memref_slice %arg2[%dma_wait3A_70, %dma_wait3A_71] : memref<10000x128xf32, #tpu.memory_space<hbm>> -> memref<80x128xf32, #tpu.memory_space<hbm>>
      tpu.wait_dma2 semaphore(%arg13 : memref<!tpu.dma_semaphore, #tpu.memory_space<semaphore_mem>>) src(%dma_wait3A_72 : memref<80x128xf32, #tpu.memory_space<hbm>>) dst(%arg9 : memref<80x128xf32, #tpu.memory_space<vmem>>)
      %dma_start3A_73 = arith.constant 22 : i32
      %dma_start3A_74 = arith.constant 0 : i32
      %dma_start3A_75 = tpu.memref_slice %arg7[%dma_start3A_73, %dma_start3A_74] : memref<25x80xi32, #tpu.memory_space<vmem>> -> memref<1x80xi32, #tpu.memory_space<vmem>>
      %dma_start3A_76 = tpu.memref_squeeze %dma_start3A_75 : memref<1x80xi32, #tpu.memory_space<vmem>> -> memref<80xi32, #tpu.memory_space<vmem>>
      %dma_start3A_77 = arith.constant 0 : i32
      %dma_start3A_78 = arith.constant 0 : i32
      %dma_start3A_79 = tpu.memref_slice %arg11[%dma_start3A_77, %dma_start3A_78] : memref<10240x128xf32, #tpu.memory_space<vmem_shared>> -> memref<10240x128xf32, #tpu.memory_space<vmem_shared>>
      tpu.enqueue_indirect_dma source(%arg9 : memref<80x128xf32, #tpu.memory_space<vmem>>) target(%dma_start3A_79 : memref<10240x128xf32, #tpu.memory_space<vmem_shared>>) offsets(%dma_start3A_76 : memref<80xi32, #tpu.memory_space<vmem>>) semaphore(%arg16 : memref<!tpu.dma_semaphore, #tpu.memory_space<semaphore_mem>>) {add = true}
      %dma_wait3A_80 = arith.constant 0 : i32
      %dma_wait3A_81 = arith.constant 0 : i32
      %dma_wait3A_82 = tpu.memref_slice %arg7[%dma_wait3A_80, %dma_wait3A_81] : memref<25x80xi32, #tpu.memory_space<vmem>> -> memref<1x80xi32, #tpu.memory_space<vmem>>
      %dma_wait3A_83 = tpu.memref_squeeze %dma_wait3A_82 : memref<1x80xi32, #tpu.memory_space<vmem>> -> memref<80xi32, #tpu.memory_space<vmem>>
      %dma_wait3A_84 = arith.constant 0 : i32
      %dma_wait3A_85 = arith.constant 0 : i32
      %dma_wait3A_86 = tpu.memref_slice %arg11[%dma_wait3A_84, %dma_wait3A_85] : memref<10240x128xf32, #tpu.memory_space<vmem_shared>> -> memref<10240x128xf32, #tpu.memory_space<vmem_shared>>
      tpu.wait_indirect_dma semaphore(%arg16 : memref<!tpu.dma_semaphore, #tpu.memory_space<semaphore_mem>>) src(%arg9 : memref<80x128xf32, #tpu.memory_space<vmem>>) dst(%dma_wait3A_86 : memref<10240x128xf32, #tpu.memory_space<vmem_shared>>)
      %dma_wait3A_87 = arith.constant 0 : i32
      %dma_wait3A_88 = arith.constant 0 : i32
      %dma_wait3A_89 = tpu.memref_slice %arg2[%dma_wait3A_87, %dma_wait3A_88] : memref<10000x128xf32, #tpu.memory_space<hbm>> -> memref<80x128xf32, #tpu.memory_space<hbm>>
      %dma_wait3A_90 = arith.constant 0 : i32
      %dma_wait3A_91 = arith.constant 0 : i32
      %dma_wait3A_92 = tpu.memref_slice %arg2[%dma_wait3A_90, %dma_wait3A_91] : memref<10000x128xf32, #tpu.memory_space<hbm>> -> memref<80x128xf32, #tpu.memory_space<hbm>>
      tpu.wait_dma2 semaphore(%arg14 : memref<!tpu.dma_semaphore, #tpu.memory_space<semaphore_mem>>) src(%dma_wait3A_92 : memref<80x128xf32, #tpu.memory_space<hbm>>) dst(%arg10 : memref<80x128xf32, #tpu.memory_space<vmem>>)
      %dma_start3A_93 = arith.constant 23 : i32
      %dma_start3A_94 = arith.constant 0 : i32
      %dma_start3A_95 = tpu.memref_slice %arg7[%dma_start3A_93, %dma_start3A_94] : memref<25x80xi32, #tpu.memory_space<vmem>> -> memref<1x80xi32, #tpu.memory_space<vmem>>
      %dma_start3A_96 = tpu.memref_squeeze %dma_start3A_95 : memref<1x80xi32, #tpu.memory_space<vmem>> -> memref<80xi32, #tpu.memory_space<vmem>>
      %dma_start3A_97 = arith.constant 0 : i32
      %dma_start3A_98 = arith.constant 0 : i32
      %dma_start3A_99 = tpu.memref_slice %arg11[%dma_start3A_97, %dma_start3A_98] : memref<10240x128xf32, #tpu.memory_space<vmem_shared>> -> memref<10240x128xf32, #tpu.memory_space<vmem_shared>>
      tpu.enqueue_indirect_dma source(%arg10 : memref<80x128xf32, #tpu.memory_space<vmem>>) target(%dma_start3A_99 : memref<10240x128xf32, #tpu.memory_space<vmem_shared>>) offsets(%dma_start3A_96 : memref<80xi32, #tpu.memory_space<vmem>>) semaphore(%arg17 : memref<!tpu.dma_semaphore, #tpu.memory_space<semaphore_mem>>) {add = true}
      %dma_wait3A_100 = arith.constant 0 : i32
      %dma_wait3A_101 = arith.constant 0 : i32
      %dma_wait3A_102 = tpu.memref_slice %arg7[%dma_wait3A_100, %dma_wait3A_101] : memref<25x80xi32, #tpu.memory_space<vmem>> -> memref<1x80xi32, #tpu.memory_space<vmem>>
      %dma_wait3A_103 = tpu.memref_squeeze %dma_wait3A_102 : memref<1x80xi32, #tpu.memory_space<vmem>> -> memref<80xi32, #tpu.memory_space<vmem>>
      %dma_wait3A_104 = arith.constant 0 : i32
      %dma_wait3A_105 = arith.constant 0 : i32
      %dma_wait3A_106 = tpu.memref_slice %arg11[%dma_wait3A_104, %dma_wait3A_105] : memref<10240x128xf32, #tpu.memory_space<vmem_shared>> -> memref<10240x128xf32, #tpu.memory_space<vmem_shared>>
      tpu.wait_indirect_dma semaphore(%arg17 : memref<!tpu.dma_semaphore, #tpu.memory_space<semaphore_mem>>) src(%arg10 : memref<80x128xf32, #tpu.memory_space<vmem>>) dst(%dma_wait3A_106 : memref<10240x128xf32, #tpu.memory_space<vmem_shared>>)
      %dma_wait3A_107 = arith.constant 0 : i32
      %dma_wait3A_108 = arith.constant 0 : i32
      %dma_wait3A_109 = tpu.memref_slice %arg2[%dma_wait3A_107, %dma_wait3A_108] : memref<10000x128xf32, #tpu.memory_space<hbm>> -> memref<80x128xf32, #tpu.memory_space<hbm>>
      %dma_wait3A_110 = arith.constant 0 : i32
      %dma_wait3A_111 = arith.constant 0 : i32
      %dma_wait3A_112 = tpu.memref_slice %arg2[%dma_wait3A_110, %dma_wait3A_111] : memref<10000x128xf32, #tpu.memory_space<hbm>> -> memref<80x128xf32, #tpu.memory_space<hbm>>
      tpu.wait_dma2 semaphore(%arg12 : memref<!tpu.dma_semaphore, #tpu.memory_space<semaphore_mem>>) src(%dma_wait3A_112 : memref<80x128xf32, #tpu.memory_space<hbm>>) dst(%arg8 : memref<80x128xf32, #tpu.memory_space<vmem>>)
      %dma_start3A_113 = arith.constant 24 : i32
      %dma_start3A_114 = arith.constant 0 : i32
      %dma_start3A_115 = tpu.memref_slice %arg7[%dma_start3A_113, %dma_start3A_114] : memref<25x80xi32, #tpu.memory_space<vmem>> -> memref<1x80xi32, #tpu.memory_space<vmem>>
      %dma_start3A_116 = tpu.memref_squeeze %dma_start3A_115 : memref<1x80xi32, #tpu.memory_space<vmem>> -> memref<80xi32, #tpu.memory_space<vmem>>
      %dma_start3A_117 = arith.constant 0 : i32
      %dma_start3A_118 = arith.constant 0 : i32
      %dma_start3A_119 = tpu.memref_slice %arg11[%dma_start3A_117, %dma_start3A_118] : memref<10240x128xf32, #tpu.memory_space<vmem_shared>> -> memref<10240x128xf32, #tpu.memory_space<vmem_shared>>
      tpu.enqueue_indirect_dma source(%arg8 : memref<80x128xf32, #tpu.memory_space<vmem>>) target(%dma_start3A_119 : memref<10240x128xf32, #tpu.memory_space<vmem_shared>>) offsets(%dma_start3A_116 : memref<80xi32, #tpu.memory_space<vmem>>) semaphore(%arg15 : memref<!tpu.dma_semaphore, #tpu.memory_space<semaphore_mem>>) {add = true}
      %dma_wait3A_120 = arith.constant 0 : i32
      %dma_wait3A_121 = arith.constant 0 : i32
      %dma_wait3A_122 = tpu.memref_slice %arg7[%dma_wait3A_120, %dma_wait3A_121] : memref<25x80xi32, #tpu.memory_space<vmem>> -> memref<1x80xi32, #tpu.memory_space<vmem>>
      %dma_wait3A_123 = tpu.memref_squeeze %dma_wait3A_122 : memref<1x80xi32, #tpu.memory_space<vmem>> -> memref<80xi32, #tpu.memory_space<vmem>>
      %dma_wait3A_124 = arith.constant 0 : i32
      %dma_wait3A_125 = arith.constant 0 : i32
      %dma_wait3A_126 = tpu.memref_slice %arg11[%dma_wait3A_124, %dma_wait3A_125] : memref<10240x128xf32, #tpu.memory_space<vmem_shared>> -> memref<10240x128xf32, #tpu.memory_space<vmem_shared>>
      tpu.wait_indirect_dma semaphore(%arg15 : memref<!tpu.dma_semaphore, #tpu.memory_space<semaphore_mem>>) src(%arg8 : memref<80x128xf32, #tpu.memory_space<vmem>>) dst(%dma_wait3A_126 : memref<10240x128xf32, #tpu.memory_space<vmem_shared>>)
    }
    %scan3A_7 = arith.constant 5 : i32
    %barrier3A_8 = arith.constant 0 : index
    tpu.barrier barrier_id(%barrier3A_8)
    %mul3A_9 = arith.constant 640 : i32
    %mul3A_10 = arith.muli %arg1, %mul3A_9 : i32
    %mul3A_11 = arith.constant 640 : i32
    %mul3A_12 = arith.muli %arg1, %mul3A_11 : i32
    "tpu.region"() ({
      %run_scoped3A = tpu.sem_alloc : memref<!tpu.dma_semaphore, #tpu.memory_space<semaphore_mem>>
      %dma_start3A = arith.constant 0 : i32
      %dma_start3A_13 = tpu.memref_slice %arg5[%arg0, %mul3A_12, %dma_start3A] : memref<2x10240x128xf32, #tpu.memory_space<hbm>> -> memref<1x640x128xf32, #tpu.memory_space<hbm>>
      %dma_start3A_14 = tpu.memref_squeeze %dma_start3A_13 : memref<1x640x128xf32, #tpu.memory_space<hbm>> -> memref<640x128xf32, #tpu.memory_space<hbm>>
      %dma_start3A_15 = arith.constant 0 : i32
      %dma_start3A_16 = tpu.memref_slice %arg11[%mul3A_10, %dma_start3A_15] : memref<10240x128xf32, #tpu.memory_space<vmem_shared>> -> memref<640x128xf32, #tpu.memory_space<vmem_shared>>
      tpu.enqueue_dma source(%dma_start3A_16 : memref<640x128xf32, #tpu.memory_space<vmem_shared>>) target(%dma_start3A_14 : memref<640x128xf32, #tpu.memory_space<hbm>>) target_semaphore(%run_scoped3A : memref<!tpu.dma_semaphore, #tpu.memory_space<semaphore_mem>>)
      %dma_wait3A = arith.constant 0 : i32
      %dma_wait3A_17 = tpu.memref_slice %arg5[%arg0, %mul3A_12, %dma_wait3A] : memref<2x10240x128xf32, #tpu.memory_space<hbm>> -> memref<1x640x128xf32, #tpu.memory_space<hbm>>
      %dma_wait3A_18 = tpu.memref_squeeze %dma_wait3A_17 : memref<1x640x128xf32, #tpu.memory_space<hbm>> -> memref<640x128xf32, #tpu.memory_space<hbm>>
      %dma_wait3A_19 = arith.constant 0 : i32
      %dma_wait3A_20 = tpu.memref_slice %arg11[%mul3A_10, %dma_wait3A_19] : memref<10240x128xf32, #tpu.memory_space<vmem_shared>> -> memref<640x128xf32, #tpu.memory_space<vmem_shared>>
      tpu.wait_dma2 semaphore(%run_scoped3A : memref<!tpu.dma_semaphore, #tpu.memory_space<semaphore_mem>>) src(%dma_wait3A_20 : memref<640x128xf32, #tpu.memory_space<vmem_shared>>) dst(%dma_wait3A_18 : memref<640x128xf32, #tpu.memory_space<hbm>>)
      tpu.yield
    }) : () -> ()
    return
  }
}

#map = affine_map<(d0, d1) -> (0, 0, 0, 0, 0)>
#map1 = affine_map<(d0, d1) -> (0, 0)>
module attributes {stable_mosaic.version = 14 : i64} {
  func.func @_deg_kernel(%arg0: i32, %arg1: i32, %arg2: memref<2x32x5x25x80xi32, #tpu.memory_space<hbm>>, %arg3: memref<2x10240xf32, #tpu.memory_space<hbm>>, %arg4: memref<5x25x80xi32, #tpu.memory_space<vmem>>, %arg5: memref<80xf32, #tpu.memory_space<vmem>>, %arg6: memref<640xf32, #tpu.memory_space<vmem>>, %arg7: memref<10240xf32, #tpu.memory_space<vmem_shared>>) attributes {dimension_semantics = [#tpu.dimension_semantics<core_parallel>, #tpu.dimension_semantics<subcore_parallel>], iteration_bounds = array<i64: 2, 16>, scalar_prefetch = 0 : i64, scratch_operands = 4 : i64, tpu.core_type = #tpu.core_type<sc_vector_subcore>, window_params = [{transform_indices = #map}, {transform_indices = #map1}]} {
    %mul3A = arith.constant 16 : i32
    %mul3A_0 = arith.muli %arg0, %mul3A : i32
    %add3A = arith.addi %mul3A_0, %arg1 : i32
    %run_scoped3A = arith.constant 1 : i32
    "tpu.region"() ({
      %run_scoped3A_281 = tpu.sem_alloc : memref<!tpu.dma_semaphore, #tpu.memory_space<semaphore_mem>>
      %dma_start3A = arith.constant 0 : i32
      %dma_start3A_282 = arith.constant 0 : i32
      %dma_start3A_283 = arith.constant 0 : i32
      %dma_start3A_284 = tpu.memref_slice %arg2[%run_scoped3A, %add3A, %dma_start3A, %dma_start3A_282, %dma_start3A_283] : memref<2x32x5x25x80xi32, #tpu.memory_space<hbm>> -> memref<1x1x5x25x80xi32, #tpu.memory_space<hbm>>
      %dma_start3A_285 = tpu.memref_squeeze %dma_start3A_284 : memref<1x1x5x25x80xi32, #tpu.memory_space<hbm>> -> memref<5x25x80xi32, #tpu.memory_space<hbm>>
      %dma_start3A_286 = arith.constant 0 : i32
      %dma_start3A_287 = arith.constant 0 : i32
      %dma_start3A_288 = arith.constant 0 : i32
      %dma_start3A_289 = tpu.memref_slice %arg2[%run_scoped3A, %add3A, %dma_start3A_286, %dma_start3A_287, %dma_start3A_288] : memref<2x32x5x25x80xi32, #tpu.memory_space<hbm>> -> memref<1x1x5x25x80xi32, #tpu.memory_space<hbm>>
      %dma_start3A_290 = tpu.memref_squeeze %dma_start3A_289 : memref<1x1x5x25x80xi32, #tpu.memory_space<hbm>> -> memref<5x25x80xi32, #tpu.memory_space<hbm>>
      tpu.enqueue_dma source(%dma_start3A_290 : memref<5x25x80xi32, #tpu.memory_space<hbm>>) target(%arg4 : memref<5x25x80xi32, #tpu.memory_space<vmem>>) target_semaphore(%run_scoped3A_281 : memref<!tpu.dma_semaphore, #tpu.memory_space<semaphore_mem>>)
      %dma_wait3A = arith.constant 0 : i32
      %dma_wait3A_291 = arith.constant 0 : i32
      %dma_wait3A_292 = arith.constant 0 : i32
      %dma_wait3A_293 = tpu.memref_slice %arg2[%run_scoped3A, %add3A, %dma_wait3A, %dma_wait3A_291, %dma_wait3A_292] : memref<2x32x5x25x80xi32, #tpu.memory_space<hbm>> -> memref<1x1x5x25x80xi32, #tpu.memory_space<hbm>>
      %dma_wait3A_294 = tpu.memref_squeeze %dma_wait3A_293 : memref<1x1x5x25x80xi32, #tpu.memory_space<hbm>> -> memref<5x25x80xi32, #tpu.memory_space<hbm>>
      %dma_wait3A_295 = arith.constant 0 : i32
      %dma_wait3A_296 = arith.constant 0 : i32
      %dma_wait3A_297 = arith.constant 0 : i32
      %dma_wait3A_298 = tpu.memref_slice %arg2[%run_scoped3A, %add3A, %dma_wait3A_295, %dma_wait3A_296, %dma_wait3A_297] : memref<2x32x5x25x80xi32, #tpu.memory_space<hbm>> -> memref<1x1x5x25x80xi32, #tpu.memory_space<hbm>>
      %dma_wait3A_299 = tpu.memref_squeeze %dma_wait3A_298 : memref<1x1x5x25x80xi32, #tpu.memory_space<hbm>> -> memref<5x25x80xi32, #tpu.memory_space<hbm>>
      tpu.wait_dma2 semaphore(%run_scoped3A_281 : memref<!tpu.dma_semaphore, #tpu.memory_space<semaphore_mem>>) src(%dma_wait3A_299 : memref<5x25x80xi32, #tpu.memory_space<hbm>>) dst(%arg4 : memref<5x25x80xi32, #tpu.memory_space<vmem>>)
      tpu.yield
    }) : () -> ()
    %broadcast_in_dim3A = arith.constant 1.000000e+00 : f32
    %broadcast_in_dim3A_1 = vector.broadcast %broadcast_in_dim3A : f32 to vector<16xf32>
    %swap3A = arith.constant 0 : index
    %swap3A_2 = tpu.vector_load %arg5[%swap3A] {strides = array<i32>} : memref<80xf32, #tpu.memory_space<vmem>>, vector<16xf32>,
    %swap3A_3 = vector.shape_cast %swap3A_2 : vector<16xf32> to vector<16xf32>
    %swap3A_4 = vector.shape_cast %broadcast_in_dim3A_1 : vector<16xf32> to vector<16xf32>
    tpu.vector_store %arg5[%swap3A], %swap3A_4 {strides = array<i32>} : memref<80xf32, #tpu.memory_space<vmem>>, vector<16xf32>,
    %broadcast_in_dim3A_5 = arith.constant 1.000000e+00 : f32
    %broadcast_in_dim3A_6 = vector.broadcast %broadcast_in_dim3A_5 : f32 to vector<16xf32>
    %swap3A_7 = arith.constant 16 : index
    %swap3A_8 = tpu.vector_load %arg5[%swap3A_7] {strides = array<i32>} : memref<80xf32, #tpu.memory_space<vmem>>, vector<16xf32>,
    %swap3A_9 = vector.shape_cast %swap3A_8 : vector<16xf32> to vector<16xf32>
    %swap3A_10 = vector.shape_cast %broadcast_in_dim3A_6 : vector<16xf32> to vector<16xf32>
    tpu.vector_store %arg5[%swap3A_7], %swap3A_10 {strides = array<i32>} : memref<80xf32, #tpu.memory_space<vmem>>, vector<16xf32>,
    %broadcast_in_dim3A_11 = arith.constant 1.000000e+00 : f32
    %broadcast_in_dim3A_12 = vector.broadcast %broadcast_in_dim3A_11 : f32 to vector<16xf32>
    %swap3A_13 = arith.constant 32 : index
    %swap3A_14 = tpu.vector_load %arg5[%swap3A_13] {strides = array<i32>} : memref<80xf32, #tpu.memory_space<vmem>>, vector<16xf32>,
    %swap3A_15 = vector.shape_cast %swap3A_14 : vector<16xf32> to vector<16xf32>
    %swap3A_16 = vector.shape_cast %broadcast_in_dim3A_12 : vector<16xf32> to vector<16xf32>
    tpu.vector_store %arg5[%swap3A_13], %swap3A_16 {strides = array<i32>} : memref<80xf32, #tpu.memory_space<vmem>>, vector<16xf32>,
    %broadcast_in_dim3A_17 = arith.constant 1.000000e+00 : f32
    %broadcast_in_dim3A_18 = vector.broadcast %broadcast_in_dim3A_17 : f32 to vector<16xf32>
    %swap3A_19 = arith.constant 48 : index
    %swap3A_20 = tpu.vector_load %arg5[%swap3A_19] {strides = array<i32>} : memref<80xf32, #tpu.memory_space<vmem>>, vector<16xf32>,
    %swap3A_21 = vector.shape_cast %swap3A_20 : vector<16xf32> to vector<16xf32>
    %swap3A_22 = vector.shape_cast %broadcast_in_dim3A_18 : vector<16xf32> to vector<16xf32>
    tpu.vector_store %arg5[%swap3A_19], %swap3A_22 {strides = array<i32>} : memref<80xf32, #tpu.memory_space<vmem>>, vector<16xf32>,
    %broadcast_in_dim3A_23 = arith.constant 1.000000e+00 : f32
    %broadcast_in_dim3A_24 = vector.broadcast %broadcast_in_dim3A_23 : f32 to vector<16xf32>
    %swap3A_25 = arith.constant 64 : index
    %swap3A_26 = tpu.vector_load %arg5[%swap3A_25] {strides = array<i32>} : memref<80xf32, #tpu.memory_space<vmem>>, vector<16xf32>,
    %swap3A_27 = vector.shape_cast %swap3A_26 : vector<16xf32> to vector<16xf32>
    %swap3A_28 = vector.shape_cast %broadcast_in_dim3A_24 : vector<16xf32> to vector<16xf32>
    tpu.vector_store %arg5[%swap3A_25], %swap3A_28 {strides = array<i32>} : memref<80xf32, #tpu.memory_space<vmem>>, vector<16xf32>,
    %broadcast_in_dim3A_29 = arith.constant 0.000000e+00 : f32
    %broadcast_in_dim3A_30 = vector.broadcast %broadcast_in_dim3A_29 : f32 to vector<16xf32>
    %swap3A_31 = arith.constant 0 : index
    %swap3A_32 = tpu.vector_load %arg6[%swap3A_31] {strides = array<i32>} : memref<640xf32, #tpu.memory_space<vmem>>, vector<16xf32>,
    %swap3A_33 = vector.shape_cast %swap3A_32 : vector<16xf32> to vector<16xf32>
    %swap3A_34 = vector.shape_cast %broadcast_in_dim3A_30 : vector<16xf32> to vector<16xf32>
    tpu.vector_store %arg6[%swap3A_31], %swap3A_34 {strides = array<i32>} : memref<640xf32, #tpu.memory_space<vmem>>, vector<16xf32>,
    %broadcast_in_dim3A_35 = arith.constant 0.000000e+00 : f32
    %broadcast_in_dim3A_36 = vector.broadcast %broadcast_in_dim3A_35 : f32 to vector<16xf32>
    %swap3A_37 = arith.constant 16 : index
    %swap3A_38 = tpu.vector_load %arg6[%swap3A_37] {strides = array<i32>} : memref<640xf32, #tpu.memory_space<vmem>>, vector<16xf32>,
    %swap3A_39 = vector.shape_cast %swap3A_38 : vector<16xf32> to vector<16xf32>
    %swap3A_40 = vector.shape_cast %broadcast_in_dim3A_36 : vector<16xf32> to vector<16xf32>
    tpu.vector_store %arg6[%swap3A_37], %swap3A_40 {strides = array<i32>} : memref<640xf32, #tpu.memory_space<vmem>>, vector<16xf32>,
    %broadcast_in_dim3A_41 = arith.constant 0.000000e+00 : f32
    %broadcast_in_dim3A_42 = vector.broadcast %broadcast_in_dim3A_41 : f32 to vector<16xf32>
    %swap3A_43 = arith.constant 32 : index
    %swap3A_44 = tpu.vector_load %arg6[%swap3A_43] {strides = array<i32>} : memref<640xf32, #tpu.memory_space<vmem>>, vector<16xf32>,
    %swap3A_45 = vector.shape_cast %swap3A_44 : vector<16xf32> to vector<16xf32>
    %swap3A_46 = vector.shape_cast %broadcast_in_dim3A_42 : vector<16xf32> to vector<16xf32>
    tpu.vector_store %arg6[%swap3A_43], %swap3A_46 {strides = array<i32>} : memref<640xf32, #tpu.memory_space<vmem>>, vector<16xf32>,
    %broadcast_in_dim3A_47 = arith.constant 0.000000e+00 : f32
    %broadcast_in_dim3A_48 = vector.broadcast %broadcast_in_dim3A_47 : f32 to vector<16xf32>
    %swap3A_49 = arith.constant 48 : index
    %swap3A_50 = tpu.vector_load %arg6[%swap3A_49] {strides = array<i32>} : memref<640xf32, #tpu.memory_space<vmem>>, vector<16xf32>,
    %swap3A_51 = vector.shape_cast %swap3A_50 : vector<16xf32> to vector<16xf32>
    %swap3A_52 = vector.shape_cast %broadcast_in_dim3A_48 : vector<16xf32> to vector<16xf32>
    tpu.vector_store %arg6[%swap3A_49], %swap3A_52 {strides = array<i32>} : memref<640xf32, #tpu.memory_space<vmem>>, vector<16xf32>,
    %broadcast_in_dim3A_53 = arith.constant 0.000000e+00 : f32
    %broadcast_in_dim3A_54 = vector.broadcast %broadcast_in_dim3A_53 : f32 to vector<16xf32>
    %swap3A_55 = arith.constant 64 : index
    %swap3A_56 = tpu.vector_load %arg6[%swap3A_55] {strides = array<i32>} : memref<640xf32, #tpu.memory_space<vmem>>, vector<16xf32>,
    %swap3A_57 = vector.shape_cast %swap3A_56 : vector<16xf32> to vector<16xf32>
    %swap3A_58 = vector.shape_cast %broadcast_in_dim3A_54 : vector<16xf32> to vector<16xf32>
    tpu.vector_store %arg6[%swap3A_55], %swap3A_58 {strides = array<i32>} : memref<640xf32, #tpu.memory_space<vmem>>, vector<16xf32>,
    %broadcast_in_dim3A_59 = arith.constant 0.000000e+00 : f32
    %broadcast_in_dim3A_60 = vector.broadcast %broadcast_in_dim3A_59 : f32 to vector<16xf32>
    %swap3A_61 = arith.constant 80 : index
    %swap3A_62 = tpu.vector_load %arg6[%swap3A_61] {strides = array<i32>} : memref<640xf32, #tpu.memory_space<vmem>>, vector<16xf32>,
    %swap3A_63 = vector.shape_cast %swap3A_62 : vector<16xf32> to vector<16xf32>
    %swap3A_64 = vector.shape_cast %broadcast_in_dim3A_60 : vector<16xf32> to vector<16xf32>
    tpu.vector_store %arg6[%swap3A_61], %swap3A_64 {strides = array<i32>} : memref<640xf32, #tpu.memory_space<vmem>>, vector<16xf32>,
    %broadcast_in_dim3A_65 = arith.constant 0.000000e+00 : f32
    %broadcast_in_dim3A_66 = vector.broadcast %broadcast_in_dim3A_65 : f32 to vector<16xf32>
    %swap3A_67 = arith.constant 96 : index
    %swap3A_68 = tpu.vector_load %arg6[%swap3A_67] {strides = array<i32>} : memref<640xf32, #tpu.memory_space<vmem>>, vector<16xf32>,
    %swap3A_69 = vector.shape_cast %swap3A_68 : vector<16xf32> to vector<16xf32>
    %swap3A_70 = vector.shape_cast %broadcast_in_dim3A_66 : vector<16xf32> to vector<16xf32>
    tpu.vector_store %arg6[%swap3A_67], %swap3A_70 {strides = array<i32>} : memref<640xf32, #tpu.memory_space<vmem>>, vector<16xf32>,
    %broadcast_in_dim3A_71 = arith.constant 0.000000e+00 : f32
    %broadcast_in_dim3A_72 = vector.broadcast %broadcast_in_dim3A_71 : f32 to vector<16xf32>
    %swap3A_73 = arith.constant 112 : index
    %swap3A_74 = tpu.vector_load %arg6[%swap3A_73] {strides = array<i32>} : memref<640xf32, #tpu.memory_space<vmem>>, vector<16xf32>,
    %swap3A_75 = vector.shape_cast %swap3A_74 : vector<16xf32> to vector<16xf32>
    %swap3A_76 = vector.shape_cast %broadcast_in_dim3A_72 : vector<16xf32> to vector<16xf32>
    tpu.vector_store %arg6[%swap3A_73], %swap3A_76 {strides = array<i32>} : memref<640xf32, #tpu.memory_space<vmem>>, vector<16xf32>,
    %broadcast_in_dim3A_77 = arith.constant 0.000000e+00 : f32
    %broadcast_in_dim3A_78 = vector.broadcast %broadcast_in_dim3A_77 : f32 to vector<16xf32>
    %swap3A_79 = arith.constant 128 : index
    %swap3A_80 = tpu.vector_load %arg6[%swap3A_79] {strides = array<i32>} : memref<640xf32, #tpu.memory_space<vmem>>, vector<16xf32>,
    %swap3A_81 = vector.shape_cast %swap3A_80 : vector<16xf32> to vector<16xf32>
    %swap3A_82 = vector.shape_cast %broadcast_in_dim3A_78 : vector<16xf32> to vector<16xf32>
    tpu.vector_store %arg6[%swap3A_79], %swap3A_82 {strides = array<i32>} : memref<640xf32, #tpu.memory_space<vmem>>, vector<16xf32>,
    %broadcast_in_dim3A_83 = arith.constant 0.000000e+00 : f32
    %broadcast_in_dim3A_84 = vector.broadcast %broadcast_in_dim3A_83 : f32 to vector<16xf32>
    %swap3A_85 = arith.constant 144 : index
    %swap3A_86 = tpu.vector_load %arg6[%swap3A_85] {strides = array<i32>} : memref<640xf32, #tpu.memory_space<vmem>>, vector<16xf32>,
    %swap3A_87 = vector.shape_cast %swap3A_86 : vector<16xf32> to vector<16xf32>
    %swap3A_88 = vector.shape_cast %broadcast_in_dim3A_84 : vector<16xf32> to vector<16xf32>
    tpu.vector_store %arg6[%swap3A_85], %swap3A_88 {strides = array<i32>} : memref<640xf32, #tpu.memory_space<vmem>>, vector<16xf32>,
    %broadcast_in_dim3A_89 = arith.constant 0.000000e+00 : f32
    %broadcast_in_dim3A_90 = vector.broadcast %broadcast_in_dim3A_89 : f32 to vector<16xf32>
    %swap3A_91 = arith.constant 160 : index
    %swap3A_92 = tpu.vector_load %arg6[%swap3A_91] {strides = array<i32>} : memref<640xf32, #tpu.memory_space<vmem>>, vector<16xf32>,
    %swap3A_93 = vector.shape_cast %swap3A_92 : vector<16xf32> to vector<16xf32>
    %swap3A_94 = vector.shape_cast %broadcast_in_dim3A_90 : vector<16xf32> to vector<16xf32>
    tpu.vector_store %arg6[%swap3A_91], %swap3A_94 {strides = array<i32>} : memref<640xf32, #tpu.memory_space<vmem>>, vector<16xf32>,
    %broadcast_in_dim3A_95 = arith.constant 0.000000e+00 : f32
    %broadcast_in_dim3A_96 = vector.broadcast %broadcast_in_dim3A_95 : f32 to vector<16xf32>
    %swap3A_97 = arith.constant 176 : index
    %swap3A_98 = tpu.vector_load %arg6[%swap3A_97] {strides = array<i32>} : memref<640xf32, #tpu.memory_space<vmem>>, vector<16xf32>,
    %swap3A_99 = vector.shape_cast %swap3A_98 : vector<16xf32> to vector<16xf32>
    %swap3A_100 = vector.shape_cast %broadcast_in_dim3A_96 : vector<16xf32> to vector<16xf32>
    tpu.vector_store %arg6[%swap3A_97], %swap3A_100 {strides = array<i32>} : memref<640xf32, #tpu.memory_space<vmem>>, vector<16xf32>,
    %broadcast_in_dim3A_101 = arith.constant 0.000000e+00 : f32
    %broadcast_in_dim3A_102 = vector.broadcast %broadcast_in_dim3A_101 : f32 to vector<16xf32>
    %swap3A_103 = arith.constant 192 : index
    %swap3A_104 = tpu.vector_load %arg6[%swap3A_103] {strides = array<i32>} : memref<640xf32, #tpu.memory_space<vmem>>, vector<16xf32>,
    %swap3A_105 = vector.shape_cast %swap3A_104 : vector<16xf32> to vector<16xf32>
    %swap3A_106 = vector.shape_cast %broadcast_in_dim3A_102 : vector<16xf32> to vector<16xf32>
    tpu.vector_store %arg6[%swap3A_103], %swap3A_106 {strides = array<i32>} : memref<640xf32, #tpu.memory_space<vmem>>, vector<16xf32>,
    %broadcast_in_dim3A_107 = arith.constant 0.000000e+00 : f32
    %broadcast_in_dim3A_108 = vector.broadcast %broadcast_in_dim3A_107 : f32 to vector<16xf32>
    %swap3A_109 = arith.constant 208 : index
    %swap3A_110 = tpu.vector_load %arg6[%swap3A_109] {strides = array<i32>} : memref<640xf32, #tpu.memory_space<vmem>>, vector<16xf32>,
    %swap3A_111 = vector.shape_cast %swap3A_110 : vector<16xf32> to vector<16xf32>
    %swap3A_112 = vector.shape_cast %broadcast_in_dim3A_108 : vector<16xf32> to vector<16xf32>
    tpu.vector_store %arg6[%swap3A_109], %swap3A_112 {strides = array<i32>} : memref<640xf32, #tpu.memory_space<vmem>>, vector<16xf32>,
    %broadcast_in_dim3A_113 = arith.constant 0.000000e+00 : f32
    %broadcast_in_dim3A_114 = vector.broadcast %broadcast_in_dim3A_113 : f32 to vector<16xf32>
    %swap3A_115 = arith.constant 224 : index
    %swap3A_116 = tpu.vector_load %arg6[%swap3A_115] {strides = array<i32>} : memref<640xf32, #tpu.memory_space<vmem>>, vector<16xf32>,
    %swap3A_117 = vector.shape_cast %swap3A_116 : vector<16xf32> to vector<16xf32>
    %swap3A_118 = vector.shape_cast %broadcast_in_dim3A_114 : vector<16xf32> to vector<16xf32>
    tpu.vector_store %arg6[%swap3A_115], %swap3A_118 {strides = array<i32>} : memref<640xf32, #tpu.memory_space<vmem>>, vector<16xf32>,
    %broadcast_in_dim3A_119 = arith.constant 0.000000e+00 : f32
    %broadcast_in_dim3A_120 = vector.broadcast %broadcast_in_dim3A_119 : f32 to vector<16xf32>
    %swap3A_121 = arith.constant 240 : index
    %swap3A_122 = tpu.vector_load %arg6[%swap3A_121] {strides = array<i32>} : memref<640xf32, #tpu.memory_space<vmem>>, vector<16xf32>,
    %swap3A_123 = vector.shape_cast %swap3A_122 : vector<16xf32> to vector<16xf32>
    %swap3A_124 = vector.shape_cast %broadcast_in_dim3A_120 : vector<16xf32> to vector<16xf32>
    tpu.vector_store %arg6[%swap3A_121], %swap3A_124 {strides = array<i32>} : memref<640xf32, #tpu.memory_space<vmem>>, vector<16xf32>,
    %broadcast_in_dim3A_125 = arith.constant 0.000000e+00 : f32
    %broadcast_in_dim3A_126 = vector.broadcast %broadcast_in_dim3A_125 : f32 to vector<16xf32>
    %swap3A_127 = arith.constant 256 : index
    %swap3A_128 = tpu.vector_load %arg6[%swap3A_127] {strides = array<i32>} : memref<640xf32, #tpu.memory_space<vmem>>, vector<16xf32>,
    %swap3A_129 = vector.shape_cast %swap3A_128 : vector<16xf32> to vector<16xf32>
    %swap3A_130 = vector.shape_cast %broadcast_in_dim3A_126 : vector<16xf32> to vector<16xf32>
    tpu.vector_store %arg6[%swap3A_127], %swap3A_130 {strides = array<i32>} : memref<640xf32, #tpu.memory_space<vmem>>, vector<16xf32>,
    %broadcast_in_dim3A_131 = arith.constant 0.000000e+00 : f32
    %broadcast_in_dim3A_132 = vector.broadcast %broadcast_in_dim3A_131 : f32 to vector<16xf32>
    %swap3A_133 = arith.constant 272 : index
    %swap3A_134 = tpu.vector_load %arg6[%swap3A_133] {strides = array<i32>} : memref<640xf32, #tpu.memory_space<vmem>>, vector<16xf32>,
    %swap3A_135 = vector.shape_cast %swap3A_134 : vector<16xf32> to vector<16xf32>
    %swap3A_136 = vector.shape_cast %broadcast_in_dim3A_132 : vector<16xf32> to vector<16xf32>
    tpu.vector_store %arg6[%swap3A_133], %swap3A_136 {strides = array<i32>} : memref<640xf32, #tpu.memory_space<vmem>>, vector<16xf32>,
    %broadcast_in_dim3A_137 = arith.constant 0.000000e+00 : f32
    %broadcast_in_dim3A_138 = vector.broadcast %broadcast_in_dim3A_137 : f32 to vector<16xf32>
    %swap3A_139 = arith.constant 288 : index
    %swap3A_140 = tpu.vector_load %arg6[%swap3A_139] {strides = array<i32>} : memref<640xf32, #tpu.memory_space<vmem>>, vector<16xf32>,
    %swap3A_141 = vector.shape_cast %swap3A_140 : vector<16xf32> to vector<16xf32>
    %swap3A_142 = vector.shape_cast %broadcast_in_dim3A_138 : vector<16xf32> to vector<16xf32>
    tpu.vector_store %arg6[%swap3A_139], %swap3A_142 {strides = array<i32>} : memref<640xf32, #tpu.memory_space<vmem>>, vector<16xf32>,
    %broadcast_in_dim3A_143 = arith.constant 0.000000e+00 : f32
    %broadcast_in_dim3A_144 = vector.broadcast %broadcast_in_dim3A_143 : f32 to vector<16xf32>
    %swap3A_145 = arith.constant 304 : index
    %swap3A_146 = tpu.vector_load %arg6[%swap3A_145] {strides = array<i32>} : memref<640xf32, #tpu.memory_space<vmem>>, vector<16xf32>,
    %swap3A_147 = vector.shape_cast %swap3A_146 : vector<16xf32> to vector<16xf32>
    %swap3A_148 = vector.shape_cast %broadcast_in_dim3A_144 : vector<16xf32> to vector<16xf32>
    tpu.vector_store %arg6[%swap3A_145], %swap3A_148 {strides = array<i32>} : memref<640xf32, #tpu.memory_space<vmem>>, vector<16xf32>,
    %broadcast_in_dim3A_149 = arith.constant 0.000000e+00 : f32
    %broadcast_in_dim3A_150 = vector.broadcast %broadcast_in_dim3A_149 : f32 to vector<16xf32>
    %swap3A_151 = arith.constant 320 : index
    %swap3A_152 = tpu.vector_load %arg6[%swap3A_151] {strides = array<i32>} : memref<640xf32, #tpu.memory_space<vmem>>, vector<16xf32>,
    %swap3A_153 = vector.shape_cast %swap3A_152 : vector<16xf32> to vector<16xf32>
    %swap3A_154 = vector.shape_cast %broadcast_in_dim3A_150 : vector<16xf32> to vector<16xf32>
    tpu.vector_store %arg6[%swap3A_151], %swap3A_154 {strides = array<i32>} : memref<640xf32, #tpu.memory_space<vmem>>, vector<16xf32>,
    %broadcast_in_dim3A_155 = arith.constant 0.000000e+00 : f32
    %broadcast_in_dim3A_156 = vector.broadcast %broadcast_in_dim3A_155 : f32 to vector<16xf32>
    %swap3A_157 = arith.constant 336 : index
    %swap3A_158 = tpu.vector_load %arg6[%swap3A_157] {strides = array<i32>} : memref<640xf32, #tpu.memory_space<vmem>>, vector<16xf32>,
    %swap3A_159 = vector.shape_cast %swap3A_158 : vector<16xf32> to vector<16xf32>
    %swap3A_160 = vector.shape_cast %broadcast_in_dim3A_156 : vector<16xf32> to vector<16xf32>
    tpu.vector_store %arg6[%swap3A_157], %swap3A_160 {strides = array<i32>} : memref<640xf32, #tpu.memory_space<vmem>>, vector<16xf32>,
    %broadcast_in_dim3A_161 = arith.constant 0.000000e+00 : f32
    %broadcast_in_dim3A_162 = vector.broadcast %broadcast_in_dim3A_161 : f32 to vector<16xf32>
    %swap3A_163 = arith.constant 352 : index
    %swap3A_164 = tpu.vector_load %arg6[%swap3A_163] {strides = array<i32>} : memref<640xf32, #tpu.memory_space<vmem>>, vector<16xf32>,
    %swap3A_165 = vector.shape_cast %swap3A_164 : vector<16xf32> to vector<16xf32>
    %swap3A_166 = vector.shape_cast %broadcast_in_dim3A_162 : vector<16xf32> to vector<16xf32>
    tpu.vector_store %arg6[%swap3A_163], %swap3A_166 {strides = array<i32>} : memref<640xf32, #tpu.memory_space<vmem>>, vector<16xf32>,
    %broadcast_in_dim3A_167 = arith.constant 0.000000e+00 : f32
    %broadcast_in_dim3A_168 = vector.broadcast %broadcast_in_dim3A_167 : f32 to vector<16xf32>
    %swap3A_169 = arith.constant 368 : index
    %swap3A_170 = tpu.vector_load %arg6[%swap3A_169] {strides = array<i32>} : memref<640xf32, #tpu.memory_space<vmem>>, vector<16xf32>,
    %swap3A_171 = vector.shape_cast %swap3A_170 : vector<16xf32> to vector<16xf32>
    %swap3A_172 = vector.shape_cast %broadcast_in_dim3A_168 : vector<16xf32> to vector<16xf32>
    tpu.vector_store %arg6[%swap3A_169], %swap3A_172 {strides = array<i32>} : memref<640xf32, #tpu.memory_space<vmem>>, vector<16xf32>,
    %broadcast_in_dim3A_173 = arith.constant 0.000000e+00 : f32
    %broadcast_in_dim3A_174 = vector.broadcast %broadcast_in_dim3A_173 : f32 to vector<16xf32>
    %swap3A_175 = arith.constant 384 : index
    %swap3A_176 = tpu.vector_load %arg6[%swap3A_175] {strides = array<i32>} : memref<640xf32, #tpu.memory_space<vmem>>, vector<16xf32>,
    %swap3A_177 = vector.shape_cast %swap3A_176 : vector<16xf32> to vector<16xf32>
    %swap3A_178 = vector.shape_cast %broadcast_in_dim3A_174 : vector<16xf32> to vector<16xf32>
    tpu.vector_store %arg6[%swap3A_175], %swap3A_178 {strides = array<i32>} : memref<640xf32, #tpu.memory_space<vmem>>, vector<16xf32>,
    %broadcast_in_dim3A_179 = arith.constant 0.000000e+00 : f32
    %broadcast_in_dim3A_180 = vector.broadcast %broadcast_in_dim3A_179 : f32 to vector<16xf32>
    %swap3A_181 = arith.constant 400 : index
    %swap3A_182 = tpu.vector_load %arg6[%swap3A_181] {strides = array<i32>} : memref<640xf32, #tpu.memory_space<vmem>>, vector<16xf32>,
    %swap3A_183 = vector.shape_cast %swap3A_182 : vector<16xf32> to vector<16xf32>
    %swap3A_184 = vector.shape_cast %broadcast_in_dim3A_180 : vector<16xf32> to vector<16xf32>
    tpu.vector_store %arg6[%swap3A_181], %swap3A_184 {strides = array<i32>} : memref<640xf32, #tpu.memory_space<vmem>>, vector<16xf32>,
    %broadcast_in_dim3A_185 = arith.constant 0.000000e+00 : f32
    %broadcast_in_dim3A_186 = vector.broadcast %broadcast_in_dim3A_185 : f32 to vector<16xf32>
    %swap3A_187 = arith.constant 416 : index
    %swap3A_188 = tpu.vector_load %arg6[%swap3A_187] {strides = array<i32>} : memref<640xf32, #tpu.memory_space<vmem>>, vector<16xf32>,
    %swap3A_189 = vector.shape_cast %swap3A_188 : vector<16xf32> to vector<16xf32>
    %swap3A_190 = vector.shape_cast %broadcast_in_dim3A_186 : vector<16xf32> to vector<16xf32>
    tpu.vector_store %arg6[%swap3A_187], %swap3A_190 {strides = array<i32>} : memref<640xf32, #tpu.memory_space<vmem>>, vector<16xf32>,
    %broadcast_in_dim3A_191 = arith.constant 0.000000e+00 : f32
    %broadcast_in_dim3A_192 = vector.broadcast %broadcast_in_dim3A_191 : f32 to vector<16xf32>
    %swap3A_193 = arith.constant 432 : index
    %swap3A_194 = tpu.vector_load %arg6[%swap3A_193] {strides = array<i32>} : memref<640xf32, #tpu.memory_space<vmem>>, vector<16xf32>,
    %swap3A_195 = vector.shape_cast %swap3A_194 : vector<16xf32> to vector<16xf32>
    %swap3A_196 = vector.shape_cast %broadcast_in_dim3A_192 : vector<16xf32> to vector<16xf32>
    tpu.vector_store %arg6[%swap3A_193], %swap3A_196 {strides = array<i32>} : memref<640xf32, #tpu.memory_space<vmem>>, vector<16xf32>,
    %broadcast_in_dim3A_197 = arith.constant 0.000000e+00 : f32
    %broadcast_in_dim3A_198 = vector.broadcast %broadcast_in_dim3A_197 : f32 to vector<16xf32>
    %swap3A_199 = arith.constant 448 : index
    %swap3A_200 = tpu.vector_load %arg6[%swap3A_199] {strides = array<i32>} : memref<640xf32, #tpu.memory_space<vmem>>, vector<16xf32>,
    %swap3A_201 = vector.shape_cast %swap3A_200 : vector<16xf32> to vector<16xf32>
    %swap3A_202 = vector.shape_cast %broadcast_in_dim3A_198 : vector<16xf32> to vector<16xf32>
    tpu.vector_store %arg6[%swap3A_199], %swap3A_202 {strides = array<i32>} : memref<640xf32, #tpu.memory_space<vmem>>, vector<16xf32>,
    %broadcast_in_dim3A_203 = arith.constant 0.000000e+00 : f32
    %broadcast_in_dim3A_204 = vector.broadcast %broadcast_in_dim3A_203 : f32 to vector<16xf32>
    %swap3A_205 = arith.constant 464 : index
    %swap3A_206 = tpu.vector_load %arg6[%swap3A_205] {strides = array<i32>} : memref<640xf32, #tpu.memory_space<vmem>>, vector<16xf32>,
    %swap3A_207 = vector.shape_cast %swap3A_206 : vector<16xf32> to vector<16xf32>
    %swap3A_208 = vector.shape_cast %broadcast_in_dim3A_204 : vector<16xf32> to vector<16xf32>
    tpu.vector_store %arg6[%swap3A_205], %swap3A_208 {strides = array<i32>} : memref<640xf32, #tpu.memory_space<vmem>>, vector<16xf32>,
    %broadcast_in_dim3A_209 = arith.constant 0.000000e+00 : f32
    %broadcast_in_dim3A_210 = vector.broadcast %broadcast_in_dim3A_209 : f32 to vector<16xf32>
    %swap3A_211 = arith.constant 480 : index
    %swap3A_212 = tpu.vector_load %arg6[%swap3A_211] {strides = array<i32>} : memref<640xf32, #tpu.memory_space<vmem>>, vector<16xf32>,
    %swap3A_213 = vector.shape_cast %swap3A_212 : vector<16xf32> to vector<16xf32>
    %swap3A_214 = vector.shape_cast %broadcast_in_dim3A_210 : vector<16xf32> to vector<16xf32>
    tpu.vector_store %arg6[%swap3A_211], %swap3A_214 {strides = array<i32>} : memref<640xf32, #tpu.memory_space<vmem>>, vector<16xf32>,
    %broadcast_in_dim3A_215 = arith.constant 0.000000e+00 : f32
    %broadcast_in_dim3A_216 = vector.broadcast %broadcast_in_dim3A_215 : f32 to vector<16xf32>
    %swap3A_217 = arith.constant 496 : index
    %swap3A_218 = tpu.vector_load %arg6[%swap3A_217] {strides = array<i32>} : memref<640xf32, #tpu.memory_space<vmem>>, vector<16xf32>,
    %swap3A_219 = vector.shape_cast %swap3A_218 : vector<16xf32> to vector<16xf32>
    %swap3A_220 = vector.shape_cast %broadcast_in_dim3A_216 : vector<16xf32> to vector<16xf32>
    tpu.vector_store %arg6[%swap3A_217], %swap3A_220 {strides = array<i32>} : memref<640xf32, #tpu.memory_space<vmem>>, vector<16xf32>,
    %broadcast_in_dim3A_221 = arith.constant 0.000000e+00 : f32
    %broadcast_in_dim3A_222 = vector.broadcast %broadcast_in_dim3A_221 : f32 to vector<16xf32>
    %swap3A_223 = arith.constant 512 : index
    %swap3A_224 = tpu.vector_load %arg6[%swap3A_223] {strides = array<i32>} : memref<640xf32, #tpu.memory_space<vmem>>, vector<16xf32>,
    %swap3A_225 = vector.shape_cast %swap3A_224 : vector<16xf32> to vector<16xf32>
    %swap3A_226 = vector.shape_cast %broadcast_in_dim3A_222 : vector<16xf32> to vector<16xf32>
    tpu.vector_store %arg6[%swap3A_223], %swap3A_226 {strides = array<i32>} : memref<640xf32, #tpu.memory_space<vmem>>, vector<16xf32>,
    %broadcast_in_dim3A_227 = arith.constant 0.000000e+00 : f32
    %broadcast_in_dim3A_228 = vector.broadcast %broadcast_in_dim3A_227 : f32 to vector<16xf32>
    %swap3A_229 = arith.constant 528 : index
    %swap3A_230 = tpu.vector_load %arg6[%swap3A_229] {strides = array<i32>} : memref<640xf32, #tpu.memory_space<vmem>>, vector<16xf32>,
    %swap3A_231 = vector.shape_cast %swap3A_230 : vector<16xf32> to vector<16xf32>
    %swap3A_232 = vector.shape_cast %broadcast_in_dim3A_228 : vector<16xf32> to vector<16xf32>
    tpu.vector_store %arg6[%swap3A_229], %swap3A_232 {strides = array<i32>} : memref<640xf32, #tpu.memory_space<vmem>>, vector<16xf32>,
    %broadcast_in_dim3A_233 = arith.constant 0.000000e+00 : f32
    %broadcast_in_dim3A_234 = vector.broadcast %broadcast_in_dim3A_233 : f32 to vector<16xf32>
    %swap3A_235 = arith.constant 544 : index
    %swap3A_236 = tpu.vector_load %arg6[%swap3A_235] {strides = array<i32>} : memref<640xf32, #tpu.memory_space<vmem>>, vector<16xf32>,
    %swap3A_237 = vector.shape_cast %swap3A_236 : vector<16xf32> to vector<16xf32>
    %swap3A_238 = vector.shape_cast %broadcast_in_dim3A_234 : vector<16xf32> to vector<16xf32>
    tpu.vector_store %arg6[%swap3A_235], %swap3A_238 {strides = array<i32>} : memref<640xf32, #tpu.memory_space<vmem>>, vector<16xf32>,
    %broadcast_in_dim3A_239 = arith.constant 0.000000e+00 : f32
    %broadcast_in_dim3A_240 = vector.broadcast %broadcast_in_dim3A_239 : f32 to vector<16xf32>
    %swap3A_241 = arith.constant 560 : index
    %swap3A_242 = tpu.vector_load %arg6[%swap3A_241] {strides = array<i32>} : memref<640xf32, #tpu.memory_space<vmem>>, vector<16xf32>,
    %swap3A_243 = vector.shape_cast %swap3A_242 : vector<16xf32> to vector<16xf32>
    %swap3A_244 = vector.shape_cast %broadcast_in_dim3A_240 : vector<16xf32> to vector<16xf32>
    tpu.vector_store %arg6[%swap3A_241], %swap3A_244 {strides = array<i32>} : memref<640xf32, #tpu.memory_space<vmem>>, vector<16xf32>,
    %broadcast_in_dim3A_245 = arith.constant 0.000000e+00 : f32
    %broadcast_in_dim3A_246 = vector.broadcast %broadcast_in_dim3A_245 : f32 to vector<16xf32>
    %swap3A_247 = arith.constant 576 : index
    %swap3A_248 = tpu.vector_load %arg6[%swap3A_247] {strides = array<i32>} : memref<640xf32, #tpu.memory_space<vmem>>, vector<16xf32>,
    %swap3A_249 = vector.shape_cast %swap3A_248 : vector<16xf32> to vector<16xf32>
    %swap3A_250 = vector.shape_cast %broadcast_in_dim3A_246 : vector<16xf32> to vector<16xf32>
    tpu.vector_store %arg6[%swap3A_247], %swap3A_250 {strides = array<i32>} : memref<640xf32, #tpu.memory_space<vmem>>, vector<16xf32>,
    %broadcast_in_dim3A_251 = arith.constant 0.000000e+00 : f32
    %broadcast_in_dim3A_252 = vector.broadcast %broadcast_in_dim3A_251 : f32 to vector<16xf32>
    %swap3A_253 = arith.constant 592 : index
    %swap3A_254 = tpu.vector_load %arg6[%swap3A_253] {strides = array<i32>} : memref<640xf32, #tpu.memory_space<vmem>>, vector<16xf32>,
    %swap3A_255 = vector.shape_cast %swap3A_254 : vector<16xf32> to vector<16xf32>
    %swap3A_256 = vector.shape_cast %broadcast_in_dim3A_252 : vector<16xf32> to vector<16xf32>
    tpu.vector_store %arg6[%swap3A_253], %swap3A_256 {strides = array<i32>} : memref<640xf32, #tpu.memory_space<vmem>>, vector<16xf32>,
    %broadcast_in_dim3A_257 = arith.constant 0.000000e+00 : f32
    %broadcast_in_dim3A_258 = vector.broadcast %broadcast_in_dim3A_257 : f32 to vector<16xf32>
    %swap3A_259 = arith.constant 608 : index
    %swap3A_260 = tpu.vector_load %arg6[%swap3A_259] {strides = array<i32>} : memref<640xf32, #tpu.memory_space<vmem>>, vector<16xf32>,
    %swap3A_261 = vector.shape_cast %swap3A_260 : vector<16xf32> to vector<16xf32>
    %swap3A_262 = vector.shape_cast %broadcast_in_dim3A_258 : vector<16xf32> to vector<16xf32>
    tpu.vector_store %arg6[%swap3A_259], %swap3A_262 {strides = array<i32>} : memref<640xf32, #tpu.memory_space<vmem>>, vector<16xf32>,
    %broadcast_in_dim3A_263 = arith.constant 0.000000e+00 : f32
    %broadcast_in_dim3A_264 = vector.broadcast %broadcast_in_dim3A_263 : f32 to vector<16xf32>
    %swap3A_265 = arith.constant 624 : index
    %swap3A_266 = tpu.vector_load %arg6[%swap3A_265] {strides = array<i32>} : memref<640xf32, #tpu.memory_space<vmem>>, vector<16xf32>,
    %swap3A_267 = vector.shape_cast %swap3A_266 : vector<16xf32> to vector<16xf32>
    %swap3A_268 = vector.shape_cast %broadcast_in_dim3A_264 : vector<16xf32> to vector<16xf32>
    tpu.vector_store %arg6[%swap3A_265], %swap3A_268 {strides = array<i32>} : memref<640xf32, #tpu.memory_space<vmem>>, vector<16xf32>,
    %mul3A_269 = arith.constant 640 : i32
    %mul3A_270 = arith.muli %arg1, %mul3A_269 : i32
    "tpu.region"() ({
      %run_scoped3A_281 = tpu.sem_alloc : memref<!tpu.dma_semaphore, #tpu.memory_space<semaphore_mem>>
      %dma_start3A = tpu.memref_slice %arg7[%mul3A_270] : memref<10240xf32, #tpu.memory_space<vmem_shared>> -> memref<640xf32, #tpu.memory_space<vmem_shared>>
      %dma_start3A_282 = tpu.memref_slice %arg7[%mul3A_270] : memref<10240xf32, #tpu.memory_space<vmem_shared>> -> memref<640xf32, #tpu.memory_space<vmem_shared>>
      tpu.enqueue_dma source(%arg6 : memref<640xf32, #tpu.memory_space<vmem>>) target(%dma_start3A_282 : memref<640xf32, #tpu.memory_space<vmem_shared>>) target_semaphore(%run_scoped3A_281 : memref<!tpu.dma_semaphore, #tpu.memory_space<semaphore_mem>>)
      %dma_wait3A = tpu.memref_slice %arg7[%mul3A_270] : memref<10240xf32, #tpu.memory_space<vmem_shared>> -> memref<640xf32, #tpu.memory_space<vmem_shared>>
      %dma_wait3A_283 = tpu.memref_slice %arg7[%mul3A_270] : memref<10240xf32, #tpu.memory_space<vmem_shared>> -> memref<640xf32, #tpu.memory_space<vmem_shared>>
      tpu.wait_dma2 semaphore(%run_scoped3A_281 : memref<!tpu.dma_semaphore, #tpu.memory_space<semaphore_mem>>) src(%arg6 : memref<640xf32, #tpu.memory_space<vmem>>) dst(%dma_wait3A_283 : memref<640xf32, #tpu.memory_space<vmem_shared>>)
      tpu.yield
    }) : () -> ()
    %barrier3A = arith.constant 0 : index
    tpu.barrier barrier_id(%barrier3A)
    %scan3A = arith.constant 0 : i32
    %scan3A_271 = arith.constant 0 : i32
    %scan3A_272 = arith.constant 125 : i32
    %scan3A_273 = arith.addi %scan3A_271, %scan3A_272 : i32
    %scan3A_274 = arith.constant 1 : i32
    scf.for %scan3A_281 = %scan3A_271 to %scan3A_273 step %scan3A_274  : i32 {
      %jit3A = arith.constant 25 : i32
      %div3A = arith.divsi %scan3A_281, %jit3A : i32
      %sign3A = arith.constant 0 : i32
      %sign3A_282 = arith.cmpi sgt, %scan3A_281, %sign3A : i32
      %sign3A_283 = arith.extui %sign3A_282 : i1 to i32
      %sign3A_284 = arith.constant 0 : i32
      %sign3A_285 = arith.cmpi slt, %scan3A_281, %sign3A_284 : i32
      %sign3A_286 = arith.extui %sign3A_285 : i1 to i32
      %sign3A_287 = arith.subi %sign3A_283, %sign3A_286 : i32
      %sign3A_288 = arith.constant 0 : i32
      %sign3A_289 = arith.cmpi sgt, %jit3A, %sign3A_288 : i32
      %sign3A_290 = arith.extui %sign3A_289 : i1 to i32
      %sign3A_291 = arith.constant 0 : i32
      %sign3A_292 = arith.cmpi slt, %jit3A, %sign3A_291 : i32
      %sign3A_293 = arith.extui %sign3A_292 : i1 to i32
      %sign3A_294 = arith.subi %sign3A_290, %sign3A_293 : i32
      %ne3A = arith.cmpi ne, %sign3A_287, %sign3A_294 : i32
      %rem3A = arith.remsi %scan3A_281, %jit3A : i32
      %ne3A_295 = arith.constant 0 : i32
      %ne3A_296 = arith.cmpi ne, %rem3A, %ne3A_295 : i32
      %and3A = arith.andi %ne3A, %ne3A_296 : i1
      %sub3A = arith.constant 1 : i32
      %sub3A_297 = arith.subi %div3A, %sub3A : i32
      %select_n3A = arith.select %and3A, %sub3A_297, %div3A : i32
      %jit3A_298 = arith.constant 25 : i32
      %eq3A = arith.constant 0 : i32
      %eq3A_299 = arith.cmpi eq, %jit3A_298, %eq3A : i32
      %jit3A_300 = arith.constant 1 : i32
      %select_n3A_301 = arith.select %eq3A_299, %jit3A_300, %jit3A_298 : i32
      %rem3A_302 = arith.remsi %scan3A_281, %select_n3A_301 : i32
      %ne3A_303 = arith.constant 0 : i32
      %ne3A_304 = arith.cmpi ne, %rem3A_302, %ne3A_303 : i32
      %lt3A = arith.constant 0 : i32
      %lt3A_305 = arith.cmpi slt, %rem3A_302, %lt3A : i32
      %lt3A_306 = arith.constant 0 : i32
      %lt3A_307 = arith.cmpi slt, %select_n3A_301, %lt3A_306 : i32
      %ne3A_308 = arith.xori %lt3A_305, %lt3A_307 : i1
      %and3A_309 = arith.andi %ne3A_308, %ne3A_304 : i1
      %add3A_310 = arith.addi %rem3A_302, %select_n3A_301 : i32
      %select_n3A_311 = arith.select %and3A_309, %add3A_310, %rem3A_302 : i32
      "tpu.region"() ({
        %run_scoped3A_312 = tpu.sem_alloc : memref<!tpu.dma_semaphore, #tpu.memory_space<semaphore_mem>>
        %dma_start3A = arith.constant 0 : i32
        %dma_start3A_313 = tpu.memref_slice %arg4[%select_n3A, %select_n3A_311, %dma_start3A] : memref<5x25x80xi32, #tpu.memory_space<vmem>> -> memref<1x1x80xi32, #tpu.memory_space<vmem>>
        %dma_start3A_314 = tpu.memref_squeeze %dma_start3A_313 : memref<1x1x80xi32, #tpu.memory_space<vmem>> -> memref<80xi32, #tpu.memory_space<vmem>>
        %dma_start3A_315 = arith.constant 0 : i32
        %dma_start3A_316 = tpu.memref_slice %arg7[%dma_start3A_315] : memref<10240xf32, #tpu.memory_space<vmem_shared>> -> memref<10240xf32, #tpu.memory_space<vmem_shared>>
        tpu.enqueue_indirect_dma source(%arg5 : memref<80xf32, #tpu.memory_space<vmem>>) target(%dma_start3A_316 : memref<10240xf32, #tpu.memory_space<vmem_shared>>) offsets(%dma_start3A_314 : memref<80xi32, #tpu.memory_space<vmem>>) semaphore(%run_scoped3A_312 : memref<!tpu.dma_semaphore, #tpu.memory_space<semaphore_mem>>) {add = true}
        %dma_wait3A = arith.constant 0 : i32
        %dma_wait3A_317 = tpu.memref_slice %arg4[%select_n3A, %select_n3A_311, %dma_wait3A] : memref<5x25x80xi32, #tpu.memory_space<vmem>> -> memref<1x1x80xi32, #tpu.memory_space<vmem>>
        %dma_wait3A_318 = tpu.memref_squeeze %dma_wait3A_317 : memref<1x1x80xi32, #tpu.memory_space<vmem>> -> memref<80xi32, #tpu.memory_space<vmem>>
        %dma_wait3A_319 = arith.constant 0 : i32
        %dma_wait3A_320 = tpu.memref_slice %arg7[%dma_wait3A_319] : memref<10240xf32, #tpu.memory_space<vmem_shared>> -> memref<10240xf32, #tpu.memory_space<vmem_shared>>
        tpu.wait_indirect_dma semaphore(%run_scoped3A_312 : memref<!tpu.dma_semaphore, #tpu.memory_space<semaphore_mem>>) src(%arg5 : memref<80xf32, #tpu.memory_space<vmem>>) dst(%dma_wait3A_320 : memref<10240xf32, #tpu.memory_space<vmem_shared>>)
        tpu.yield
      }) : () -> ()
    }
    %scan3A_275 = arith.constant 125 : i32
    %barrier3A_276 = arith.constant 0 : index
    tpu.barrier barrier_id(%barrier3A_276)
    %mul3A_277 = arith.constant 640 : i32
    %mul3A_278 = arith.muli %arg1, %mul3A_277 : i32
    %mul3A_279 = arith.constant 640 : i32
    %mul3A_280 = arith.muli %arg1, %mul3A_279 : i32
    "tpu.region"() ({
      %run_scoped3A_281 = tpu.sem_alloc : memref<!tpu.dma_semaphore, #tpu.memory_space<semaphore_mem>>
      %dma_start3A = tpu.memref_slice %arg3[%arg0, %mul3A_280] : memref<2x10240xf32, #tpu.memory_space<hbm>> -> memref<1x640xf32, #tpu.memory_space<hbm>>
      %dma_start3A_282 = tpu.memref_squeeze %dma_start3A : memref<1x640xf32, #tpu.memory_space<hbm>> -> memref<640xf32, #tpu.memory_space<hbm>>
      %dma_start3A_283 = tpu.memref_slice %arg7[%mul3A_278] : memref<10240xf32, #tpu.memory_space<vmem_shared>> -> memref<640xf32, #tpu.memory_space<vmem_shared>>
      tpu.enqueue_dma source(%dma_start3A_283 : memref<640xf32, #tpu.memory_space<vmem_shared>>) target(%dma_start3A_282 : memref<640xf32, #tpu.memory_space<hbm>>) target_semaphore(%run_scoped3A_281 : memref<!tpu.dma_semaphore, #tpu.memory_space<semaphore_mem>>)
      %dma_wait3A = tpu.memref_slice %arg3[%arg0, %mul3A_280] : memref<2x10240xf32, #tpu.memory_space<hbm>> -> memref<1x640xf32, #tpu.memory_space<hbm>>
      %dma_wait3A_284 = tpu.memref_squeeze %dma_wait3A : memref<1x640xf32, #tpu.memory_space<hbm>> -> memref<640xf32, #tpu.memory_space<hbm>>
      %dma_wait3A_285 = tpu.memref_slice %arg7[%mul3A_278] : memref<10240xf32, #tpu.memory_space<vmem_shared>> -> memref<640xf32, #tpu.memory_space<vmem_shared>>
      tpu.wait_dma2 semaphore(%run_scoped3A_281 : memref<!tpu.dma_semaphore, #tpu.memory_space<semaphore_mem>>) src(%dma_wait3A_285 : memref<640xf32, #tpu.memory_space<vmem_shared>>) dst(%dma_wait3A_284 : memref<640xf32, #tpu.memory_space<hbm>>)
      tpu.yield
    }) : () -> ()
    return
  }
}

#map = affine_map<(d0, d1) -> (0, 0)>
#map1 = affine_map<(d0, d1) -> (0, 0, 0, 0, 0)>
#map2 = affine_map<(d0, d1) -> (0, 0, 0)>
module attributes {stable_mosaic.version = 14 : i64} {
  func.func @_agg_kernel(%arg0: i32, %arg1: i32, %arg2: memref<10000x128xf32, #tpu.memory_space<hbm>>, %arg3: memref<2x32x5x25x80xi32, #tpu.memory_space<hbm>>, %arg4: memref<640x128xf32, #tpu.memory_space<hbm>>, %arg5: memref<2x10240x128xf32, #tpu.memory_space<hbm>>, %arg6: memref<25x80xi32, #tpu.memory_space<vmem>>, %arg7: memref<25x80xi32, #tpu.memory_space<vmem>>, %arg8: memref<80x128xf32, #tpu.memory_space<vmem>>, %arg9: memref<80x128xf32, #tpu.memory_space<vmem>>, %arg10: memref<80x128xf32, #tpu.memory_space<vmem>>, %arg11: memref<10240x128xf32, #tpu.memory_space<vmem_shared>>, %arg12: memref<!tpu.dma_semaphore, #tpu.memory_space<semaphore_mem>>, %arg13: memref<!tpu.dma_semaphore, #tpu.memory_space<semaphore_mem>>, %arg14: memref<!tpu.dma_semaphore, #tpu.memory_space<semaphore_mem>>, %arg15: memref<!tpu.dma_semaphore, #tpu.memory_space<semaphore_mem>>, %arg16: memref<!tpu.dma_semaphore, #tpu.memory_space<semaphore_mem>>, %arg17: memref<!tpu.dma_semaphore, #tpu.memory_space<semaphore_mem>>) attributes {dimension_semantics = [#tpu.dimension_semantics<core_parallel>, #tpu.dimension_semantics<subcore_parallel>], iteration_bounds = array<i64: 2, 16>, scalar_prefetch = 0 : i64, scratch_operands = 12 : i64, tpu.core_type = #tpu.core_type<sc_vector_subcore>, window_params = [{transform_indices = #map}, {transform_indices = #map1}, {transform_indices = #map}, {transform_indices = #map2}]} {
    %mul3A = arith.constant 16 : i32
    %mul3A_0 = arith.muli %arg0, %mul3A : i32
    %add3A = arith.addi %mul3A_0, %arg1 : i32
    %mul3A_1 = arith.constant 640 : i32
    %mul3A_2 = arith.muli %arg1, %mul3A_1 : i32
    "tpu.region"() ({
      %run_scoped3A = tpu.sem_alloc : memref<!tpu.dma_semaphore, #tpu.memory_space<semaphore_mem>>
      %dma_start3A = arith.constant 0 : i32
      %dma_start3A_13 = tpu.memref_slice %arg11[%mul3A_2, %dma_start3A] : memref<10240x128xf32, #tpu.memory_space<vmem_shared>> -> memref<640x128xf32, #tpu.memory_space<vmem_shared>>
      tpu.enqueue_dma source(%arg4 : memref<640x128xf32, #tpu.memory_space<hbm>>) target(%dma_start3A_13 : memref<640x128xf32, #tpu.memory_space<vmem_shared>>) target_semaphore(%run_scoped3A : memref<!tpu.dma_semaphore, #tpu.memory_space<semaphore_mem>>)
      %dma_wait3A = arith.constant 0 : i32
      %dma_wait3A_14 = tpu.memref_slice %arg11[%mul3A_2, %dma_wait3A] : memref<10240x128xf32, #tpu.memory_space<vmem_shared>> -> memref<640x128xf32, #tpu.memory_space<vmem_shared>>
      tpu.wait_dma2 semaphore(%run_scoped3A : memref<!tpu.dma_semaphore, #tpu.memory_space<semaphore_mem>>) src(%arg4 : memref<640x128xf32, #tpu.memory_space<hbm>>) dst(%dma_wait3A_14 : memref<640x128xf32, #tpu.memory_space<vmem_shared>>)
      tpu.yield
    }) : () -> ()
    %barrier3A = arith.constant 0 : index
    tpu.barrier barrier_id(%barrier3A)
    %scan3A = arith.constant 0 : i32
    %scan3A_3 = arith.constant 0 : i32
    %scan3A_4 = arith.constant 5 : i32
    %scan3A_5 = arith.addi %scan3A_3, %scan3A_4 : i32
    %scan3A_6 = arith.constant 1 : i32
    scf.for %scan3A_13 = %scan3A_3 to %scan3A_5 step %scan3A_6  : i32 {
      %run_scoped3A = arith.constant 0 : i32
      "tpu.region"() ({
        %run_scoped3A_127 = tpu.sem_alloc : memref<!tpu.dma_semaphore, #tpu.memory_space<semaphore_mem>>
        %dma_start3A_128 = arith.constant 0 : i32
        %dma_start3A_129 = arith.constant 0 : i32
        %dma_start3A_130 = tpu.memref_slice %arg3[%run_scoped3A, %add3A, %scan3A_13, %dma_start3A_128, %dma_start3A_129] : memref<2x32x5x25x80xi32, #tpu.memory_space<hbm>> -> memref<1x1x1x25x80xi32, #tpu.memory_space<hbm>>
        %dma_start3A_131 = tpu.memref_squeeze %dma_start3A_130 : memref<1x1x1x25x80xi32, #tpu.memory_space<hbm>> -> memref<25x80xi32, #tpu.memory_space<hbm>>
        %dma_start3A_132 = arith.constant 0 : i32
        %dma_start3A_133 = arith.constant 0 : i32
        %dma_start3A_134 = tpu.memref_slice %arg3[%run_scoped3A, %add3A, %scan3A_13, %dma_start3A_132, %dma_start3A_133] : memref<2x32x5x25x80xi32, #tpu.memory_space<hbm>> -> memref<1x1x1x25x80xi32, #tpu.memory_space<hbm>>
        %dma_start3A_135 = tpu.memref_squeeze %dma_start3A_134 : memref<1x1x1x25x80xi32, #tpu.memory_space<hbm>> -> memref<25x80xi32, #tpu.memory_space<hbm>>
        tpu.enqueue_dma source(%dma_start3A_135 : memref<25x80xi32, #tpu.memory_space<hbm>>) target(%arg6 : memref<25x80xi32, #tpu.memory_space<vmem>>) target_semaphore(%run_scoped3A_127 : memref<!tpu.dma_semaphore, #tpu.memory_space<semaphore_mem>>)
        %dma_wait3A_136 = arith.constant 0 : i32
        %dma_wait3A_137 = arith.constant 0 : i32
        %dma_wait3A_138 = tpu.memref_slice %arg3[%run_scoped3A, %add3A, %scan3A_13, %dma_wait3A_136, %dma_wait3A_137] : memref<2x32x5x25x80xi32, #tpu.memory_space<hbm>> -> memref<1x1x1x25x80xi32, #tpu.memory_space<hbm>>
        %dma_wait3A_139 = tpu.memref_squeeze %dma_wait3A_138 : memref<1x1x1x25x80xi32, #tpu.memory_space<hbm>> -> memref<25x80xi32, #tpu.memory_space<hbm>>
        %dma_wait3A_140 = arith.constant 0 : i32
        %dma_wait3A_141 = arith.constant 0 : i32
        %dma_wait3A_142 = tpu.memref_slice %arg3[%run_scoped3A, %add3A, %scan3A_13, %dma_wait3A_140, %dma_wait3A_141] : memref<2x32x5x25x80xi32, #tpu.memory_space<hbm>> -> memref<1x1x1x25x80xi32, #tpu.memory_space<hbm>>
        %dma_wait3A_143 = tpu.memref_squeeze %dma_wait3A_142 : memref<1x1x1x25x80xi32, #tpu.memory_space<hbm>> -> memref<25x80xi32, #tpu.memory_space<hbm>>
        tpu.wait_dma2 semaphore(%run_scoped3A_127 : memref<!tpu.dma_semaphore, #tpu.memory_space<semaphore_mem>>) src(%dma_wait3A_143 : memref<25x80xi32, #tpu.memory_space<hbm>>) dst(%arg6 : memref<25x80xi32, #tpu.memory_space<vmem>>)
        tpu.yield
      }) : () -> ()
      %run_scoped3A_14 = arith.constant 1 : i32
      "tpu.region"() ({
        %run_scoped3A_127 = tpu.sem_alloc : memref<!tpu.dma_semaphore, #tpu.memory_space<semaphore_mem>>
        %dma_start3A_128 = arith.constant 0 : i32
        %dma_start3A_129 = arith.constant 0 : i32
        %dma_start3A_130 = tpu.memref_slice %arg3[%run_scoped3A_14, %add3A, %scan3A_13, %dma_start3A_128, %dma_start3A_129] : memref<2x32x5x25x80xi32, #tpu.memory_space<hbm>> -> memref<1x1x1x25x80xi32, #tpu.memory_space<hbm>>
        %dma_start3A_131 = tpu.memref_squeeze %dma_start3A_130 : memref<1x1x1x25x80xi32, #tpu.memory_space<hbm>> -> memref<25x80xi32, #tpu.memory_space<hbm>>
        %dma_start3A_132 = arith.constant 0 : i32
        %dma_start3A_133 = arith.constant 0 : i32
        %dma_start3A_134 = tpu.memref_slice %arg3[%run_scoped3A_14, %add3A, %scan3A_13, %dma_start3A_132, %dma_start3A_133] : memref<2x32x5x25x80xi32, #tpu.memory_space<hbm>> -> memref<1x1x1x25x80xi32, #tpu.memory_space<hbm>>
        %dma_start3A_135 = tpu.memref_squeeze %dma_start3A_134 : memref<1x1x1x25x80xi32, #tpu.memory_space<hbm>> -> memref<25x80xi32, #tpu.memory_space<hbm>>
        tpu.enqueue_dma source(%dma_start3A_135 : memref<25x80xi32, #tpu.memory_space<hbm>>) target(%arg7 : memref<25x80xi32, #tpu.memory_space<vmem>>) target_semaphore(%run_scoped3A_127 : memref<!tpu.dma_semaphore, #tpu.memory_space<semaphore_mem>>)
        %dma_wait3A_136 = arith.constant 0 : i32
        %dma_wait3A_137 = arith.constant 0 : i32
        %dma_wait3A_138 = tpu.memref_slice %arg3[%run_scoped3A_14, %add3A, %scan3A_13, %dma_wait3A_136, %dma_wait3A_137] : memref<2x32x5x25x80xi32, #tpu.memory_space<hbm>> -> memref<1x1x1x25x80xi32, #tpu.memory_space<hbm>>
        %dma_wait3A_139 = tpu.memref_squeeze %dma_wait3A_138 : memref<1x1x1x25x80xi32, #tpu.memory_space<hbm>> -> memref<25x80xi32, #tpu.memory_space<hbm>>
        %dma_wait3A_140 = arith.constant 0 : i32
        %dma_wait3A_141 = arith.constant 0 : i32
        %dma_wait3A_142 = tpu.memref_slice %arg3[%run_scoped3A_14, %add3A, %scan3A_13, %dma_wait3A_140, %dma_wait3A_141] : memref<2x32x5x25x80xi32, #tpu.memory_space<hbm>> -> memref<1x1x1x25x80xi32, #tpu.memory_space<hbm>>
        %dma_wait3A_143 = tpu.memref_squeeze %dma_wait3A_142 : memref<1x1x1x25x80xi32, #tpu.memory_space<hbm>> -> memref<25x80xi32, #tpu.memory_space<hbm>>
        tpu.wait_dma2 semaphore(%run_scoped3A_127 : memref<!tpu.dma_semaphore, #tpu.memory_space<semaphore_mem>>) src(%dma_wait3A_143 : memref<25x80xi32, #tpu.memory_space<hbm>>) dst(%arg7 : memref<25x80xi32, #tpu.memory_space<vmem>>)
        tpu.yield
      }) : () -> ()
      %dma_start3A = arith.constant 0 : i32
      %dma_start3A_15 = arith.constant 0 : i32
      %dma_start3A_16 = tpu.memref_slice %arg6[%dma_start3A, %dma_start3A_15] : memref<25x80xi32, #tpu.memory_space<vmem>> -> memref<1x80xi32, #tpu.memory_space<vmem>>
      %dma_start3A_17 = tpu.memref_squeeze %dma_start3A_16 : memref<1x80xi32, #tpu.memory_space<vmem>> -> memref<80xi32, #tpu.memory_space<vmem>>
      %dma_start3A_18 = arith.constant 0 : i32
      %dma_start3A_19 = arith.constant 0 : i32
      %dma_start3A_20 = tpu.memref_slice %arg2[%dma_start3A_18, %dma_start3A_19] : memref<10000x128xf32, #tpu.memory_space<hbm>> -> memref<10000x128xf32, #tpu.memory_space<hbm>>
      tpu.enqueue_indirect_dma source(%dma_start3A_20 : memref<10000x128xf32, #tpu.memory_space<hbm>>) target(%arg8 : memref<80x128xf32, #tpu.memory_space<vmem>>) offsets(%dma_start3A_17 : memref<80xi32, #tpu.memory_space<vmem>>) semaphore(%arg12 : memref<!tpu.dma_semaphore, #tpu.memory_space<semaphore_mem>>)
      %dma_start3A_21 = arith.constant 1 : i32
      %dma_start3A_22 = arith.constant 0 : i32
      %dma_start3A_23 = tpu.memref_slice %arg6[%dma_start3A_21, %dma_start3A_22] : memref<25x80xi32, #tpu.memory_space<vmem>> -> memref<1x80xi32, #tpu.memory_space<vmem>>
      %dma_start3A_24 = tpu.memref_squeeze %dma_start3A_23 : memref<1x80xi32, #tpu.memory_space<vmem>> -> memref<80xi32, #tpu.memory_space<vmem>>
      %dma_start3A_25 = arith.constant 0 : i32
      %dma_start3A_26 = arith.constant 0 : i32
      %dma_start3A_27 = tpu.memref_slice %arg2[%dma_start3A_25, %dma_start3A_26] : memref<10000x128xf32, #tpu.memory_space<hbm>> -> memref<10000x128xf32, #tpu.memory_space<hbm>>
      tpu.enqueue_indirect_dma source(%dma_start3A_27 : memref<10000x128xf32, #tpu.memory_space<hbm>>) target(%arg9 : memref<80x128xf32, #tpu.memory_space<vmem>>) offsets(%dma_start3A_24 : memref<80xi32, #tpu.memory_space<vmem>>) semaphore(%arg13 : memref<!tpu.dma_semaphore, #tpu.memory_space<semaphore_mem>>)
      %dma_start3A_28 = arith.constant 2 : i32
      %dma_start3A_29 = arith.constant 0 : i32
      %dma_start3A_30 = tpu.memref_slice %arg6[%dma_start3A_28, %dma_start3A_29] : memref<25x80xi32, #tpu.memory_space<vmem>> -> memref<1x80xi32, #tpu.memory_space<vmem>>
      %dma_start3A_31 = tpu.memref_squeeze %dma_start3A_30 : memref<1x80xi32, #tpu.memory_space<vmem>> -> memref<80xi32, #tpu.memory_space<vmem>>
      %dma_start3A_32 = arith.constant 0 : i32
      %dma_start3A_33 = arith.constant 0 : i32
      %dma_start3A_34 = tpu.memref_slice %arg2[%dma_start3A_32, %dma_start3A_33] : memref<10000x128xf32, #tpu.memory_space<hbm>> -> memref<10000x128xf32, #tpu.memory_space<hbm>>
      tpu.enqueue_indirect_dma source(%dma_start3A_34 : memref<10000x128xf32, #tpu.memory_space<hbm>>) target(%arg10 : memref<80x128xf32, #tpu.memory_space<vmem>>) offsets(%dma_start3A_31 : memref<80xi32, #tpu.memory_space<vmem>>) semaphore(%arg14 : memref<!tpu.dma_semaphore, #tpu.memory_space<semaphore_mem>>)
      %scan3A_35 = arith.constant 0 : i32
      %scan3A_36 = arith.constant 0 : i32
      %scan3A_37 = arith.constant 7 : i32
      %scan3A_38 = arith.addi %scan3A_36, %scan3A_37 : i32
      %scan3A_39 = arith.constant 1 : i32
      scf.for %scan3A_127 = %scan3A_36 to %scan3A_38 step %scan3A_39  : i32 {
        %mul3A_128 = arith.constant 3 : i32
        %mul3A_129 = arith.muli %mul3A_128, %scan3A_127 : i32
        %dma_wait3A_130 = arith.constant 0 : i32
        %dma_wait3A_131 = arith.constant 0 : i32
        %dma_wait3A_132 = tpu.memref_slice %arg2[%dma_wait3A_130, %dma_wait3A_131] : memref<10000x128xf32, #tpu.memory_space<hbm>> -> memref<80x128xf32, #tpu.memory_space<hbm>>
        %dma_wait3A_133 = arith.constant 0 : i32
        %dma_wait3A_134 = arith.constant 0 : i32
        %dma_wait3A_135 = tpu.memref_slice %arg2[%dma_wait3A_133, %dma_wait3A_134] : memref<10000x128xf32, #tpu.memory_space<hbm>> -> memref<80x128xf32, #tpu.memory_space<hbm>>
        tpu.wait_dma2 semaphore(%arg12 : memref<!tpu.dma_semaphore, #tpu.memory_space<semaphore_mem>>) src(%dma_wait3A_135 : memref<80x128xf32, #tpu.memory_space<hbm>>) dst(%arg8 : memref<80x128xf32, #tpu.memory_space<vmem>>)
        %add3A_136 = arith.constant 0 : i32
        %add3A_137 = arith.addi %mul3A_129, %add3A_136 : i32
        %dma_start3A_138 = arith.constant 0 : i32
        %dma_start3A_139 = tpu.memref_slice %arg7[%add3A_137, %dma_start3A_138] : memref<25x80xi32, #tpu.memory_space<vmem>> -> memref<1x80xi32, #tpu.memory_space<vmem>>
        %dma_start3A_140 = tpu.memref_squeeze %dma_start3A_139 : memref<1x80xi32, #tpu.memory_space<vmem>> -> memref<80xi32, #tpu.memory_space<vmem>>
        %dma_start3A_141 = arith.constant 0 : i32
        %dma_start3A_142 = arith.constant 0 : i32
        %dma_start3A_143 = tpu.memref_slice %arg11[%dma_start3A_141, %dma_start3A_142] : memref<10240x128xf32, #tpu.memory_space<vmem_shared>> -> memref<10240x128xf32, #tpu.memory_space<vmem_shared>>
        tpu.enqueue_indirect_dma source(%arg8 : memref<80x128xf32, #tpu.memory_space<vmem>>) target(%dma_start3A_143 : memref<10240x128xf32, #tpu.memory_space<vmem_shared>>) offsets(%dma_start3A_140 : memref<80xi32, #tpu.memory_space<vmem>>) semaphore(%arg15 : memref<!tpu.dma_semaphore, #tpu.memory_space<semaphore_mem>>) {add = true}
        %dma_wait3A_144 = arith.constant 0 : i32
        %dma_wait3A_145 = arith.constant 0 : i32
        %dma_wait3A_146 = tpu.memref_slice %arg7[%dma_wait3A_144, %dma_wait3A_145] : memref<25x80xi32, #tpu.memory_space<vmem>> -> memref<1x80xi32, #tpu.memory_space<vmem>>
        %dma_wait3A_147 = tpu.memref_squeeze %dma_wait3A_146 : memref<1x80xi32, #tpu.memory_space<vmem>> -> memref<80xi32, #tpu.memory_space<vmem>>
        %dma_wait3A_148 = arith.constant 0 : i32
        %dma_wait3A_149 = arith.constant 0 : i32
        %dma_wait3A_150 = tpu.memref_slice %arg11[%dma_wait3A_148, %dma_wait3A_149] : memref<10240x128xf32, #tpu.memory_space<vmem_shared>> -> memref<10240x128xf32, #tpu.memory_space<vmem_shared>>
        tpu.wait_indirect_dma semaphore(%arg15 : memref<!tpu.dma_semaphore, #tpu.memory_space<semaphore_mem>>) src(%arg8 : memref<80x128xf32, #tpu.memory_space<vmem>>) dst(%dma_wait3A_150 : memref<10240x128xf32, #tpu.memory_space<vmem_shared>>)
        %add3A_151 = arith.constant 0 : i32
        %add3A_152 = arith.addi %mul3A_129, %add3A_151 : i32
        %add3A_153 = arith.constant 3 : i32
        %add3A_154 = arith.addi %add3A_152, %add3A_153 : i32
        %dma_start3A_155 = arith.constant 0 : i32
        %dma_start3A_156 = tpu.memref_slice %arg6[%add3A_154, %dma_start3A_155] : memref<25x80xi32, #tpu.memory_space<vmem>> -> memref<1x80xi32, #tpu.memory_space<vmem>>
        %dma_start3A_157 = tpu.memref_squeeze %dma_start3A_156 : memref<1x80xi32, #tpu.memory_space<vmem>> -> memref<80xi32, #tpu.memory_space<vmem>>
        %dma_start3A_158 = arith.constant 0 : i32
        %dma_start3A_159 = arith.constant 0 : i32
        %dma_start3A_160 = tpu.memref_slice %arg2[%dma_start3A_158, %dma_start3A_159] : memref<10000x128xf32, #tpu.memory_space<hbm>> -> memref<10000x128xf32, #tpu.memory_space<hbm>>
        tpu.enqueue_indirect_dma source(%dma_start3A_160 : memref<10000x128xf32, #tpu.memory_space<hbm>>) target(%arg8 : memref<80x128xf32, #tpu.memory_space<vmem>>) offsets(%dma_start3A_157 : memref<80xi32, #tpu.memory_space<vmem>>) semaphore(%arg12 : memref<!tpu.dma_semaphore, #tpu.memory_space<semaphore_mem>>)
        %dma_wait3A_161 = arith.constant 0 : i32
        %dma_wait3A_162 = arith.constant 0 : i32
        %dma_wait3A_163 = tpu.memref_slice %arg2[%dma_wait3A_161, %dma_wait3A_162] : memref<10000x128xf32, #tpu.memory_space<hbm>> -> memref<80x128xf32, #tpu.memory_space<hbm>>
        %dma_wait3A_164 = arith.constant 0 : i32
        %dma_wait3A_165 = arith.constant 0 : i32
        %dma_wait3A_166 = tpu.memref_slice %arg2[%dma_wait3A_164, %dma_wait3A_165] : memref<10000x128xf32, #tpu.memory_space<hbm>> -> memref<80x128xf32, #tpu.memory_space<hbm>>
        tpu.wait_dma2 semaphore(%arg13 : memref<!tpu.dma_semaphore, #tpu.memory_space<semaphore_mem>>) src(%dma_wait3A_166 : memref<80x128xf32, #tpu.memory_space<hbm>>) dst(%arg9 : memref<80x128xf32, #tpu.memory_space<vmem>>)
        %add3A_167 = arith.constant 1 : i32
        %add3A_168 = arith.addi %mul3A_129, %add3A_167 : i32
        %dma_start3A_169 = arith.constant 0 : i32
        %dma_start3A_170 = tpu.memref_slice %arg7[%add3A_168, %dma_start3A_169] : memref<25x80xi32, #tpu.memory_space<vmem>> -> memref<1x80xi32, #tpu.memory_space<vmem>>
        %dma_start3A_171 = tpu.memref_squeeze %dma_start3A_170 : memref<1x80xi32, #tpu.memory_space<vmem>> -> memref<80xi32, #tpu.memory_space<vmem>>
        %dma_start3A_172 = arith.constant 0 : i32
        %dma_start3A_173 = arith.constant 0 : i32
        %dma_start3A_174 = tpu.memref_slice %arg11[%dma_start3A_172, %dma_start3A_173] : memref<10240x128xf32, #tpu.memory_space<vmem_shared>> -> memref<10240x128xf32, #tpu.memory_space<vmem_shared>>
        tpu.enqueue_indirect_dma source(%arg9 : memref<80x128xf32, #tpu.memory_space<vmem>>) target(%dma_start3A_174 : memref<10240x128xf32, #tpu.memory_space<vmem_shared>>) offsets(%dma_start3A_171 : memref<80xi32, #tpu.memory_space<vmem>>) semaphore(%arg16 : memref<!tpu.dma_semaphore, #tpu.memory_space<semaphore_mem>>) {add = true}
        %dma_wait3A_175 = arith.constant 0 : i32
        %dma_wait3A_176 = arith.constant 0 : i32
        %dma_wait3A_177 = tpu.memref_slice %arg7[%dma_wait3A_175, %dma_wait3A_176] : memref<25x80xi32, #tpu.memory_space<vmem>> -> memref<1x80xi32, #tpu.memory_space<vmem>>
        %dma_wait3A_178 = tpu.memref_squeeze %dma_wait3A_177 : memref<1x80xi32, #tpu.memory_space<vmem>> -> memref<80xi32, #tpu.memory_space<vmem>>
        %dma_wait3A_179 = arith.constant 0 : i32
        %dma_wait3A_180 = arith.constant 0 : i32
        %dma_wait3A_181 = tpu.memref_slice %arg11[%dma_wait3A_179, %dma_wait3A_180] : memref<10240x128xf32, #tpu.memory_space<vmem_shared>> -> memref<10240x128xf32, #tpu.memory_space<vmem_shared>>
        tpu.wait_indirect_dma semaphore(%arg16 : memref<!tpu.dma_semaphore, #tpu.memory_space<semaphore_mem>>) src(%arg9 : memref<80x128xf32, #tpu.memory_space<vmem>>) dst(%dma_wait3A_181 : memref<10240x128xf32, #tpu.memory_space<vmem_shared>>)
        %add3A_182 = arith.constant 1 : i32
        %add3A_183 = arith.addi %mul3A_129, %add3A_182 : i32
        %add3A_184 = arith.constant 3 : i32
        %add3A_185 = arith.addi %add3A_183, %add3A_184 : i32
        %dma_start3A_186 = arith.constant 0 : i32
        %dma_start3A_187 = tpu.memref_slice %arg6[%add3A_185, %dma_start3A_186] : memref<25x80xi32, #tpu.memory_space<vmem>> -> memref<1x80xi32, #tpu.memory_space<vmem>>
        %dma_start3A_188 = tpu.memref_squeeze %dma_start3A_187 : memref<1x80xi32, #tpu.memory_space<vmem>> -> memref<80xi32, #tpu.memory_space<vmem>>
        %dma_start3A_189 = arith.constant 0 : i32
        %dma_start3A_190 = arith.constant 0 : i32
        %dma_start3A_191 = tpu.memref_slice %arg2[%dma_start3A_189, %dma_start3A_190] : memref<10000x128xf32, #tpu.memory_space<hbm>> -> memref<10000x128xf32, #tpu.memory_space<hbm>>
        tpu.enqueue_indirect_dma source(%dma_start3A_191 : memref<10000x128xf32, #tpu.memory_space<hbm>>) target(%arg9 : memref<80x128xf32, #tpu.memory_space<vmem>>) offsets(%dma_start3A_188 : memref<80xi32, #tpu.memory_space<vmem>>) semaphore(%arg13 : memref<!tpu.dma_semaphore, #tpu.memory_space<semaphore_mem>>)
        %dma_wait3A_192 = arith.constant 0 : i32
        %dma_wait3A_193 = arith.constant 0 : i32
        %dma_wait3A_194 = tpu.memref_slice %arg2[%dma_wait3A_192, %dma_wait3A_193] : memref<10000x128xf32, #tpu.memory_space<hbm>> -> memref<80x128xf32, #tpu.memory_space<hbm>>
        %dma_wait3A_195 = arith.constant 0 : i32
        %dma_wait3A_196 = arith.constant 0 : i32
        %dma_wait3A_197 = tpu.memref_slice %arg2[%dma_wait3A_195, %dma_wait3A_196] : memref<10000x128xf32, #tpu.memory_space<hbm>> -> memref<80x128xf32, #tpu.memory_space<hbm>>
        tpu.wait_dma2 semaphore(%arg14 : memref<!tpu.dma_semaphore, #tpu.memory_space<semaphore_mem>>) src(%dma_wait3A_197 : memref<80x128xf32, #tpu.memory_space<hbm>>) dst(%arg10 : memref<80x128xf32, #tpu.memory_space<vmem>>)
        %add3A_198 = arith.constant 2 : i32
        %add3A_199 = arith.addi %mul3A_129, %add3A_198 : i32
        %dma_start3A_200 = arith.constant 0 : i32
        %dma_start3A_201 = tpu.memref_slice %arg7[%add3A_199, %dma_start3A_200] : memref<25x80xi32, #tpu.memory_space<vmem>> -> memref<1x80xi32, #tpu.memory_space<vmem>>
        %dma_start3A_202 = tpu.memref_squeeze %dma_start3A_201 : memref<1x80xi32, #tpu.memory_space<vmem>> -> memref<80xi32, #tpu.memory_space<vmem>>
        %dma_start3A_203 = arith.constant 0 : i32
        %dma_start3A_204 = arith.constant 0 : i32
        %dma_start3A_205 = tpu.memref_slice %arg11[%dma_start3A_203, %dma_start3A_204] : memref<10240x128xf32, #tpu.memory_space<vmem_shared>> -> memref<10240x128xf32, #tpu.memory_space<vmem_shared>>
        tpu.enqueue_indirect_dma source(%arg10 : memref<80x128xf32, #tpu.memory_space<vmem>>) target(%dma_start3A_205 : memref<10240x128xf32, #tpu.memory_space<vmem_shared>>) offsets(%dma_start3A_202 : memref<80xi32, #tpu.memory_space<vmem>>) semaphore(%arg17 : memref<!tpu.dma_semaphore, #tpu.memory_space<semaphore_mem>>) {add = true}
        %dma_wait3A_206 = arith.constant 0 : i32
        %dma_wait3A_207 = arith.constant 0 : i32
        %dma_wait3A_208 = tpu.memref_slice %arg7[%dma_wait3A_206, %dma_wait3A_207] : memref<25x80xi32, #tpu.memory_space<vmem>> -> memref<1x80xi32, #tpu.memory_space<vmem>>
        %dma_wait3A_209 = tpu.memref_squeeze %dma_wait3A_208 : memref<1x80xi32, #tpu.memory_space<vmem>> -> memref<80xi32, #tpu.memory_space<vmem>>
        %dma_wait3A_210 = arith.constant 0 : i32
        %dma_wait3A_211 = arith.constant 0 : i32
        %dma_wait3A_212 = tpu.memref_slice %arg11[%dma_wait3A_210, %dma_wait3A_211] : memref<10240x128xf32, #tpu.memory_space<vmem_shared>> -> memref<10240x128xf32, #tpu.memory_space<vmem_shared>>
        tpu.wait_indirect_dma semaphore(%arg17 : memref<!tpu.dma_semaphore, #tpu.memory_space<semaphore_mem>>) src(%arg10 : memref<80x128xf32, #tpu.memory_space<vmem>>) dst(%dma_wait3A_212 : memref<10240x128xf32, #tpu.memory_space<vmem_shared>>)
        %add3A_213 = arith.constant 2 : i32
        %add3A_214 = arith.addi %mul3A_129, %add3A_213 : i32
        %add3A_215 = arith.constant 3 : i32
        %add3A_216 = arith.addi %add3A_214, %add3A_215 : i32
        %dma_start3A_217 = arith.constant 0 : i32
        %dma_start3A_218 = tpu.memref_slice %arg6[%add3A_216, %dma_start3A_217] : memref<25x80xi32, #tpu.memory_space<vmem>> -> memref<1x80xi32, #tpu.memory_space<vmem>>
        %dma_start3A_219 = tpu.memref_squeeze %dma_start3A_218 : memref<1x80xi32, #tpu.memory_space<vmem>> -> memref<80xi32, #tpu.memory_space<vmem>>
        %dma_start3A_220 = arith.constant 0 : i32
        %dma_start3A_221 = arith.constant 0 : i32
        %dma_start3A_222 = tpu.memref_slice %arg2[%dma_start3A_220, %dma_start3A_221] : memref<10000x128xf32, #tpu.memory_space<hbm>> -> memref<10000x128xf32, #tpu.memory_space<hbm>>
        tpu.enqueue_indirect_dma source(%dma_start3A_222 : memref<10000x128xf32, #tpu.memory_space<hbm>>) target(%arg10 : memref<80x128xf32, #tpu.memory_space<vmem>>) offsets(%dma_start3A_219 : memref<80xi32, #tpu.memory_space<vmem>>) semaphore(%arg14 : memref<!tpu.dma_semaphore, #tpu.memory_space<semaphore_mem>>)
      }
      %scan3A_40 = arith.constant 7 : i32
      %dma_wait3A = arith.constant 0 : i32
      %dma_wait3A_41 = arith.constant 0 : i32
      %dma_wait3A_42 = tpu.memref_slice %arg2[%dma_wait3A, %dma_wait3A_41] : memref<10000x128xf32, #tpu.memory_space<hbm>> -> memref<80x128xf32, #tpu.memory_space<hbm>>
      %dma_wait3A_43 = arith.constant 0 : i32
      %dma_wait3A_44 = arith.constant 0 : i32
      %dma_wait3A_45 = tpu.memref_slice %arg2[%dma_wait3A_43, %dma_wait3A_44] : memref<10000x128xf32, #tpu.memory_space<hbm>> -> memref<80x128xf32, #tpu.memory_space<hbm>>
      tpu.wait_dma2 semaphore(%arg12 : memref<!tpu.dma_semaphore, #tpu.memory_space<semaphore_mem>>) src(%dma_wait3A_45 : memref<80x128xf32, #tpu.memory_space<hbm>>) dst(%arg8 : memref<80x128xf32, #tpu.memory_space<vmem>>)
      %dma_start3A_46 = arith.constant 21 : i32
      %dma_start3A_47 = arith.constant 0 : i32
      %dma_start3A_48 = tpu.memref_slice %arg7[%dma_start3A_46, %dma_start3A_47] : memref<25x80xi32, #tpu.memory_space<vmem>> -> memref<1x80xi32, #tpu.memory_space<vmem>>
      %dma_start3A_49 = tpu.memref_squeeze %dma_start3A_48 : memref<1x80xi32, #tpu.memory_space<vmem>> -> memref<80xi32, #tpu.memory_space<vmem>>
      %dma_start3A_50 = arith.constant 0 : i32
      %dma_start3A_51 = arith.constant 0 : i32
      %dma_start3A_52 = tpu.memref_slice %arg11[%dma_start3A_50, %dma_start3A_51] : memref<10240x128xf32, #tpu.memory_space<vmem_shared>> -> memref<10240x128xf32, #tpu.memory_space<vmem_shared>>
      tpu.enqueue_indirect_dma source(%arg8 : memref<80x128xf32, #tpu.memory_space<vmem>>) target(%dma_start3A_52 : memref<10240x128xf32, #tpu.memory_space<vmem_shared>>) offsets(%dma_start3A_49 : memref<80xi32, #tpu.memory_space<vmem>>) semaphore(%arg15 : memref<!tpu.dma_semaphore, #tpu.memory_space<semaphore_mem>>) {add = true}
      %dma_wait3A_53 = arith.constant 0 : i32
      %dma_wait3A_54 = arith.constant 0 : i32
      %dma_wait3A_55 = tpu.memref_slice %arg7[%dma_wait3A_53, %dma_wait3A_54] : memref<25x80xi32, #tpu.memory_space<vmem>> -> memref<1x80xi32, #tpu.memory_space<vmem>>
      %dma_wait3A_56 = tpu.memref_squeeze %dma_wait3A_55 : memref<1x80xi32, #tpu.memory_space<vmem>> -> memref<80xi32, #tpu.memory_space<vmem>>
      %dma_wait3A_57 = arith.constant 0 : i32
      %dma_wait3A_58 = arith.constant 0 : i32
      %dma_wait3A_59 = tpu.memref_slice %arg11[%dma_wait3A_57, %dma_wait3A_58] : memref<10240x128xf32, #tpu.memory_space<vmem_shared>> -> memref<10240x128xf32, #tpu.memory_space<vmem_shared>>
      tpu.wait_indirect_dma semaphore(%arg15 : memref<!tpu.dma_semaphore, #tpu.memory_space<semaphore_mem>>) src(%arg8 : memref<80x128xf32, #tpu.memory_space<vmem>>) dst(%dma_wait3A_59 : memref<10240x128xf32, #tpu.memory_space<vmem_shared>>)
      %dma_start3A_60 = arith.constant 24 : i32
      %dma_start3A_61 = arith.constant 0 : i32
      %dma_start3A_62 = tpu.memref_slice %arg6[%dma_start3A_60, %dma_start3A_61] : memref<25x80xi32, #tpu.memory_space<vmem>> -> memref<1x80xi32, #tpu.memory_space<vmem>>
      %dma_start3A_63 = tpu.memref_squeeze %dma_start3A_62 : memref<1x80xi32, #tpu.memory_space<vmem>> -> memref<80xi32, #tpu.memory_space<vmem>>
      %dma_start3A_64 = arith.constant 0 : i32
      %dma_start3A_65 = arith.constant 0 : i32
      %dma_start3A_66 = tpu.memref_slice %arg2[%dma_start3A_64, %dma_start3A_65] : memref<10000x128xf32, #tpu.memory_space<hbm>> -> memref<10000x128xf32, #tpu.memory_space<hbm>>
      tpu.enqueue_indirect_dma source(%dma_start3A_66 : memref<10000x128xf32, #tpu.memory_space<hbm>>) target(%arg8 : memref<80x128xf32, #tpu.memory_space<vmem>>) offsets(%dma_start3A_63 : memref<80xi32, #tpu.memory_space<vmem>>) semaphore(%arg12 : memref<!tpu.dma_semaphore, #tpu.memory_space<semaphore_mem>>)
      %dma_wait3A_67 = arith.constant 0 : i32
      %dma_wait3A_68 = arith.constant 0 : i32
      %dma_wait3A_69 = tpu.memref_slice %arg2[%dma_wait3A_67, %dma_wait3A_68] : memref<10000x128xf32, #tpu.memory_space<hbm>> -> memref<80x128xf32, #tpu.memory_space<hbm>>
      %dma_wait3A_70 = arith.constant 0 : i32
      %dma_wait3A_71 = arith.constant 0 : i32
      %dma_wait3A_72 = tpu.memref_slice %arg2[%dma_wait3A_70, %dma_wait3A_71] : memref<10000x128xf32, #tpu.memory_space<hbm>> -> memref<80x128xf32, #tpu.memory_space<hbm>>
      tpu.wait_dma2 semaphore(%arg13 : memref<!tpu.dma_semaphore, #tpu.memory_space<semaphore_mem>>) src(%dma_wait3A_72 : memref<80x128xf32, #tpu.memory_space<hbm>>) dst(%arg9 : memref<80x128xf32, #tpu.memory_space<vmem>>)
      %dma_start3A_73 = arith.constant 22 : i32
      %dma_start3A_74 = arith.constant 0 : i32
      %dma_start3A_75 = tpu.memref_slice %arg7[%dma_start3A_73, %dma_start3A_74] : memref<25x80xi32, #tpu.memory_space<vmem>> -> memref<1x80xi32, #tpu.memory_space<vmem>>
      %dma_start3A_76 = tpu.memref_squeeze %dma_start3A_75 : memref<1x80xi32, #tpu.memory_space<vmem>> -> memref<80xi32, #tpu.memory_space<vmem>>
      %dma_start3A_77 = arith.constant 0 : i32
      %dma_start3A_78 = arith.constant 0 : i32
      %dma_start3A_79 = tpu.memref_slice %arg11[%dma_start3A_77, %dma_start3A_78] : memref<10240x128xf32, #tpu.memory_space<vmem_shared>> -> memref<10240x128xf32, #tpu.memory_space<vmem_shared>>
      tpu.enqueue_indirect_dma source(%arg9 : memref<80x128xf32, #tpu.memory_space<vmem>>) target(%dma_start3A_79 : memref<10240x128xf32, #tpu.memory_space<vmem_shared>>) offsets(%dma_start3A_76 : memref<80xi32, #tpu.memory_space<vmem>>) semaphore(%arg16 : memref<!tpu.dma_semaphore, #tpu.memory_space<semaphore_mem>>) {add = true}
      %dma_wait3A_80 = arith.constant 0 : i32
      %dma_wait3A_81 = arith.constant 0 : i32
      %dma_wait3A_82 = tpu.memref_slice %arg7[%dma_wait3A_80, %dma_wait3A_81] : memref<25x80xi32, #tpu.memory_space<vmem>> -> memref<1x80xi32, #tpu.memory_space<vmem>>
      %dma_wait3A_83 = tpu.memref_squeeze %dma_wait3A_82 : memref<1x80xi32, #tpu.memory_space<vmem>> -> memref<80xi32, #tpu.memory_space<vmem>>
      %dma_wait3A_84 = arith.constant 0 : i32
      %dma_wait3A_85 = arith.constant 0 : i32
      %dma_wait3A_86 = tpu.memref_slice %arg11[%dma_wait3A_84, %dma_wait3A_85] : memref<10240x128xf32, #tpu.memory_space<vmem_shared>> -> memref<10240x128xf32, #tpu.memory_space<vmem_shared>>
      tpu.wait_indirect_dma semaphore(%arg16 : memref<!tpu.dma_semaphore, #tpu.memory_space<semaphore_mem>>) src(%arg9 : memref<80x128xf32, #tpu.memory_space<vmem>>) dst(%dma_wait3A_86 : memref<10240x128xf32, #tpu.memory_space<vmem_shared>>)
      %dma_wait3A_87 = arith.constant 0 : i32
      %dma_wait3A_88 = arith.constant 0 : i32
      %dma_wait3A_89 = tpu.memref_slice %arg2[%dma_wait3A_87, %dma_wait3A_88] : memref<10000x128xf32, #tpu.memory_space<hbm>> -> memref<80x128xf32, #tpu.memory_space<hbm>>
      %dma_wait3A_90 = arith.constant 0 : i32
      %dma_wait3A_91 = arith.constant 0 : i32
      %dma_wait3A_92 = tpu.memref_slice %arg2[%dma_wait3A_90, %dma_wait3A_91] : memref<10000x128xf32, #tpu.memory_space<hbm>> -> memref<80x128xf32, #tpu.memory_space<hbm>>
      tpu.wait_dma2 semaphore(%arg14 : memref<!tpu.dma_semaphore, #tpu.memory_space<semaphore_mem>>) src(%dma_wait3A_92 : memref<80x128xf32, #tpu.memory_space<hbm>>) dst(%arg10 : memref<80x128xf32, #tpu.memory_space<vmem>>)
      %dma_start3A_93 = arith.constant 23 : i32
      %dma_start3A_94 = arith.constant 0 : i32
      %dma_start3A_95 = tpu.memref_slice %arg7[%dma_start3A_93, %dma_start3A_94] : memref<25x80xi32, #tpu.memory_space<vmem>> -> memref<1x80xi32, #tpu.memory_space<vmem>>
      %dma_start3A_96 = tpu.memref_squeeze %dma_start3A_95 : memref<1x80xi32, #tpu.memory_space<vmem>> -> memref<80xi32, #tpu.memory_space<vmem>>
      %dma_start3A_97 = arith.constant 0 : i32
      %dma_start3A_98 = arith.constant 0 : i32
      %dma_start3A_99 = tpu.memref_slice %arg11[%dma_start3A_97, %dma_start3A_98] : memref<10240x128xf32, #tpu.memory_space<vmem_shared>> -> memref<10240x128xf32, #tpu.memory_space<vmem_shared>>
      tpu.enqueue_indirect_dma source(%arg10 : memref<80x128xf32, #tpu.memory_space<vmem>>) target(%dma_start3A_99 : memref<10240x128xf32, #tpu.memory_space<vmem_shared>>) offsets(%dma_start3A_96 : memref<80xi32, #tpu.memory_space<vmem>>) semaphore(%arg17 : memref<!tpu.dma_semaphore, #tpu.memory_space<semaphore_mem>>) {add = true}
      %dma_wait3A_100 = arith.constant 0 : i32
      %dma_wait3A_101 = arith.constant 0 : i32
      %dma_wait3A_102 = tpu.memref_slice %arg7[%dma_wait3A_100, %dma_wait3A_101] : memref<25x80xi32, #tpu.memory_space<vmem>> -> memref<1x80xi32, #tpu.memory_space<vmem>>
      %dma_wait3A_103 = tpu.memref_squeeze %dma_wait3A_102 : memref<1x80xi32, #tpu.memory_space<vmem>> -> memref<80xi32, #tpu.memory_space<vmem>>
      %dma_wait3A_104 = arith.constant 0 : i32
      %dma_wait3A_105 = arith.constant 0 : i32
      %dma_wait3A_106 = tpu.memref_slice %arg11[%dma_wait3A_104, %dma_wait3A_105] : memref<10240x128xf32, #tpu.memory_space<vmem_shared>> -> memref<10240x128xf32, #tpu.memory_space<vmem_shared>>
      tpu.wait_indirect_dma semaphore(%arg17 : memref<!tpu.dma_semaphore, #tpu.memory_space<semaphore_mem>>) src(%arg10 : memref<80x128xf32, #tpu.memory_space<vmem>>) dst(%dma_wait3A_106 : memref<10240x128xf32, #tpu.memory_space<vmem_shared>>)
      %dma_wait3A_107 = arith.constant 0 : i32
      %dma_wait3A_108 = arith.constant 0 : i32
      %dma_wait3A_109 = tpu.memref_slice %arg2[%dma_wait3A_107, %dma_wait3A_108] : memref<10000x128xf32, #tpu.memory_space<hbm>> -> memref<80x128xf32, #tpu.memory_space<hbm>>
      %dma_wait3A_110 = arith.constant 0 : i32
      %dma_wait3A_111 = arith.constant 0 : i32
      %dma_wait3A_112 = tpu.memref_slice %arg2[%dma_wait3A_110, %dma_wait3A_111] : memref<10000x128xf32, #tpu.memory_space<hbm>> -> memref<80x128xf32, #tpu.memory_space<hbm>>
      tpu.wait_dma2 semaphore(%arg12 : memref<!tpu.dma_semaphore, #tpu.memory_space<semaphore_mem>>) src(%dma_wait3A_112 : memref<80x128xf32, #tpu.memory_space<hbm>>) dst(%arg8 : memref<80x128xf32, #tpu.memory_space<vmem>>)
      %dma_start3A_113 = arith.constant 24 : i32
      %dma_start3A_114 = arith.constant 0 : i32
      %dma_start3A_115 = tpu.memref_slice %arg7[%dma_start3A_113, %dma_start3A_114] : memref<25x80xi32, #tpu.memory_space<vmem>> -> memref<1x80xi32, #tpu.memory_space<vmem>>
      %dma_start3A_116 = tpu.memref_squeeze %dma_start3A_115 : memref<1x80xi32, #tpu.memory_space<vmem>> -> memref<80xi32, #tpu.memory_space<vmem>>
      %dma_start3A_117 = arith.constant 0 : i32
      %dma_start3A_118 = arith.constant 0 : i32
      %dma_start3A_119 = tpu.memref_slice %arg11[%dma_start3A_117, %dma_start3A_118] : memref<10240x128xf32, #tpu.memory_space<vmem_shared>> -> memref<10240x128xf32, #tpu.memory_space<vmem_shared>>
      tpu.enqueue_indirect_dma source(%arg8 : memref<80x128xf32, #tpu.memory_space<vmem>>) target(%dma_start3A_119 : memref<10240x128xf32, #tpu.memory_space<vmem_shared>>) offsets(%dma_start3A_116 : memref<80xi32, #tpu.memory_space<vmem>>) semaphore(%arg15 : memref<!tpu.dma_semaphore, #tpu.memory_space<semaphore_mem>>) {add = true}
      %dma_wait3A_120 = arith.constant 0 : i32
      %dma_wait3A_121 = arith.constant 0 : i32
      %dma_wait3A_122 = tpu.memref_slice %arg7[%dma_wait3A_120, %dma_wait3A_121] : memref<25x80xi32, #tpu.memory_space<vmem>> -> memref<1x80xi32, #tpu.memory_space<vmem>>
      %dma_wait3A_123 = tpu.memref_squeeze %dma_wait3A_122 : memref<1x80xi32, #tpu.memory_space<vmem>> -> memref<80xi32, #tpu.memory_space<vmem>>
      %dma_wait3A_124 = arith.constant 0 : i32
      %dma_wait3A_125 = arith.constant 0 : i32
      %dma_wait3A_126 = tpu.memref_slice %arg11[%dma_wait3A_124, %dma_wait3A_125] : memref<10240x128xf32, #tpu.memory_space<vmem_shared>> -> memref<10240x128xf32, #tpu.memory_space<vmem_shared>>
      tpu.wait_indirect_dma semaphore(%arg15 : memref<!tpu.dma_semaphore, #tpu.memory_space<semaphore_mem>>) src(%arg8 : memref<80x128xf32, #tpu.memory_space<vmem>>) dst(%dma_wait3A_126 : memref<10240x128xf32, #tpu.memory_space<vmem_shared>>)
    }
    %scan3A_7 = arith.constant 5 : i32
    %barrier3A_8 = arith.constant 0 : index
    tpu.barrier barrier_id(%barrier3A_8)
    %mul3A_9 = arith.constant 640 : i32
    %mul3A_10 = arith.muli %arg1, %mul3A_9 : i32
    %mul3A_11 = arith.constant 640 : i32
    %mul3A_12 = arith.muli %arg1, %mul3A_11 : i32
    "tpu.region"() ({
      %run_scoped3A = tpu.sem_alloc : memref<!tpu.dma_semaphore, #tpu.memory_space<semaphore_mem>>
      %dma_start3A = arith.constant 0 : i32
      %dma_start3A_13 = tpu.memref_slice %arg5[%arg0, %mul3A_12, %dma_start3A] : memref<2x10240x128xf32, #tpu.memory_space<hbm>> -> memref<1x640x128xf32, #tpu.memory_space<hbm>>
      %dma_start3A_14 = tpu.memref_squeeze %dma_start3A_13 : memref<1x640x128xf32, #tpu.memory_space<hbm>> -> memref<640x128xf32, #tpu.memory_space<hbm>>
      %dma_start3A_15 = arith.constant 0 : i32
      %dma_start3A_16 = tpu.memref_slice %arg11[%mul3A_10, %dma_start3A_15] : memref<10240x128xf32, #tpu.memory_space<vmem_shared>> -> memref<640x128xf32, #tpu.memory_space<vmem_shared>>
      tpu.enqueue_dma source(%dma_start3A_16 : memref<640x128xf32, #tpu.memory_space<vmem_shared>>) target(%dma_start3A_14 : memref<640x128xf32, #tpu.memory_space<hbm>>) target_semaphore(%run_scoped3A : memref<!tpu.dma_semaphore, #tpu.memory_space<semaphore_mem>>)
      %dma_wait3A = arith.constant 0 : i32
      %dma_wait3A_17 = tpu.memref_slice %arg5[%arg0, %mul3A_12, %dma_wait3A] : memref<2x10240x128xf32, #tpu.memory_space<hbm>> -> memref<1x640x128xf32, #tpu.memory_space<hbm>>
      %dma_wait3A_18 = tpu.memref_squeeze %dma_wait3A_17 : memref<1x640x128xf32, #tpu.memory_space<hbm>> -> memref<640x128xf32, #tpu.memory_space<hbm>>
      %dma_wait3A_19 = arith.constant 0 : i32
      %dma_wait3A_20 = tpu.memref_slice %arg11[%mul3A_10, %dma_wait3A_19] : memref<10240x128xf32, #tpu.memory_space<vmem_shared>> -> memref<640x128xf32, #tpu.memory_space<vmem_shared>>
      tpu.wait_dma2 semaphore(%run_scoped3A : memref<!tpu.dma_semaphore, #tpu.memory_space<semaphore_mem>>) src(%dma_wait3A_20 : memref<640x128xf32, #tpu.memory_space<vmem_shared>>) dst(%dma_wait3A_18 : memref<640x128xf32, #tpu.memory_space<hbm>>)
      tpu.yield
    }) : () -> ()
    return
  }
}

module attributes {stable_mosaic.version = 14 : i64} {
  func.func @_tc_pre_body(%arg0: i32, %arg1: memref<2x2000x1xf32, #tpu.memory_space<vmem>>, %arg2: memref<2000x128xf32, #tpu.memory_space<vmem>>, %arg3: memref<128x128xf32, #tpu.memory_space<vmem>>, %arg4: memref<2000x128xf32, #tpu.memory_space<vmem>>) attributes {dimension_semantics = [#tpu.dimension_semantics<arbitrary>], iteration_bounds = array<i64: 5>, scalar_prefetch = 0 : i64, scratch_operands = 0 : i64, tpu.core_type = #tpu.core_type<tc>, window_params = [{transform_indices = @transform_0, window_bounds = array<i64: 2, 2000, 1>}, {transform_indices = @transform_1, window_bounds = array<i64: 2000, 128>}, {pipeline_mode = #tpu.pipeline_mode<synchronous>, transform_indices = @transform_2, window_bounds = array<i64: 128, 128>}, {transform_indices = @transform_3, window_bounds = array<i64: 2000, 128>}]} {
    %get3A = arith.constant 0 : index
    %get3A_0 = arith.constant 0 : index
    %get3A_1 = arith.constant 0 : index
    %get3A_2 = vector.load %arg1[%get3A, %get3A_0, %get3A_1] : memref<2x2000x1xf32, #tpu.memory_space<vmem>>, vector<1x2000x1xf32>
    %get3A_3 = vector.shape_cast %get3A_2 : vector<1x2000x1xf32> to vector<2000x1xf32>
    %get3A_4 = arith.constant 1 : index
    %get3A_5 = arith.constant 0 : index
    %get3A_6 = arith.constant 0 : index
    %get3A_7 = vector.load %arg1[%get3A_4, %get3A_5, %get3A_6] : memref<2x2000x1xf32, #tpu.memory_space<vmem>>, vector<1x2000x1xf32>
    %get3A_8 = vector.shape_cast %get3A_7 : vector<1x2000x1xf32> to vector<2000x1xf32>
    %add3A = arith.addf %get3A_3, %get3A_8 : vector<2000x1xf32>
    %add3A_9 = arith.constant 1.000000e+00 : f32
    %add3A_10 = vector.broadcast %add3A_9 : f32 to vector<2000x1xf32>
    %add3A_11 = arith.addf %add3A, %add3A_10 : vector<2000x1xf32>
    %rsqrt3A = math.rsqrt %add3A_11 : vector<2000x1xf32>
    %get3A_12 = arith.constant 0 : index
    %get3A_13 = arith.constant 0 : index
    %get3A_14 = vector.load %arg2[%get3A_12, %get3A_13] : memref<2000x128xf32, #tpu.memory_space<vmem>>, vector<2000x128xf32>
    %get3A_15 = arith.constant 0 : index
    %get3A_16 = arith.constant 0 : index
    %get3A_17 = vector.load %arg3[%get3A_15, %get3A_16] : memref<128x128xf32, #tpu.memory_space<vmem>>, vector<128x128xf32>
    %dot_general3A = arith.constant dense<0.000000e+00> : vector<2000x128xf32>
    %dot_general3A_18 = tpu.matmul %get3A_14, %get3A_17, %dot_general3A {dimension_numbers = #tpu.dot_dimension_numbers<[1], [0], [0], [1], [0, 0, 1, 1], [], []>, transpose_lhs_hint = false} : vector<2000x128xf32>, vector<128x128xf32>, vector<2000x128xf32> -> vector<2000x128xf32>
    %mul3A = vector.broadcast %rsqrt3A : vector<2000x1xf32> to vector<2000x128xf32>
    %mul3A_19 = arith.mulf %mul3A, %dot_general3A_18 : vector<2000x128xf32>
    %swap3A = arith.constant 0 : index
    %swap3A_20 = arith.constant 0 : index
    %swap3A_21 = vector.load %arg4[%swap3A, %swap3A_20] : memref<2000x128xf32, #tpu.memory_space<vmem>>, vector<2000x128xf32>
    tpu.vector_store %arg4[%swap3A, %swap3A_20], %mul3A_19 {strides = array<i32>} : memref<2000x128xf32, #tpu.memory_space<vmem>>, vector<2000x128xf32>,
    return
  }
  func.func @transform_0(%arg0: i32) -> (i32, i32, i32) {
    %c0_i32 = arith.constant 0 : i32
    %c0_i32_0 = arith.constant 0 : i32
    %c0_i32_1 = arith.constant 0 : i32
    return %c0_i32, %arg0, %c0_i32_0 : i32, i32, i32
  }
  func.func @transform_1(%arg0: i32) -> (i32, i32) {
    %c0_i32 = arith.constant 0 : i32
    %c0_i32_0 = arith.constant 0 : i32
    return %arg0, %c0_i32 : i32, i32
  }
  func.func @transform_2(%arg0: i32) -> (i32, i32) {
    %c0_i32 = arith.constant 0 : i32
    %c0_i32_0 = arith.constant 0 : i32
    %c0_i32_1 = arith.constant 0 : i32
    return %c0_i32, %c0_i32_0 : i32, i32
  }
  func.func @transform_3(%arg0: i32) -> (i32, i32) {
    %c0_i32 = arith.constant 0 : i32
    %c0_i32_0 = arith.constant 0 : i32
    return %arg0, %c0_i32 : i32, i32
  }
}

module attributes {stable_mosaic.version = 14 : i64} {
  func.func @_tc_mid_body(%arg0: i32, %arg1: memref<2x2000x1xf32, #tpu.memory_space<vmem>>, %arg2: memref<2x2000x128xf32, #tpu.memory_space<vmem>>, %arg3: memref<2000x128xf32, #tpu.memory_space<vmem>>, %arg4: memref<1x128xf32, #tpu.memory_space<vmem>>, %arg5: memref<128x128xf32, #tpu.memory_space<vmem>>, %arg6: memref<2000x128xf32, #tpu.memory_space<vmem>>) attributes {dimension_semantics = [#tpu.dimension_semantics<arbitrary>], iteration_bounds = array<i64: 5>, scalar_prefetch = 0 : i64, scratch_operands = 0 : i64, tpu.core_type = #tpu.core_type<tc>, window_params = [{transform_indices = @transform_0, window_bounds = array<i64: 2, 2000, 1>}, {transform_indices = @transform_1, window_bounds = array<i64: 2, 2000, 128>}, {transform_indices = @transform_2, window_bounds = array<i64: 2000, 128>}, {pipeline_mode = #tpu.pipeline_mode<synchronous>, transform_indices = @transform_3, window_bounds = array<i64: 1, 128>}, {pipeline_mode = #tpu.pipeline_mode<synchronous>, transform_indices = @transform_4, window_bounds = array<i64: 128, 128>}, {transform_indices = @transform_5, window_bounds = array<i64: 2000, 128>}]} {
    %get3A = arith.constant 0 : index
    %get3A_0 = arith.constant 0 : index
    %get3A_1 = arith.constant 0 : index
    %get3A_2 = vector.load %arg1[%get3A, %get3A_0, %get3A_1] : memref<2x2000x1xf32, #tpu.memory_space<vmem>>, vector<1x2000x1xf32>
    %get3A_3 = vector.shape_cast %get3A_2 : vector<1x2000x1xf32> to vector<2000x1xf32>
    %get3A_4 = arith.constant 1 : index
    %get3A_5 = arith.constant 0 : index
    %get3A_6 = arith.constant 0 : index
    %get3A_7 = vector.load %arg1[%get3A_4, %get3A_5, %get3A_6] : memref<2x2000x1xf32, #tpu.memory_space<vmem>>, vector<1x2000x1xf32>
    %get3A_8 = vector.shape_cast %get3A_7 : vector<1x2000x1xf32> to vector<2000x1xf32>
    %add3A = arith.addf %get3A_3, %get3A_8 : vector<2000x1xf32>
    %add3A_9 = arith.constant 1.000000e+00 : f32
    %add3A_10 = vector.broadcast %add3A_9 : f32 to vector<2000x1xf32>
    %add3A_11 = arith.addf %add3A, %add3A_10 : vector<2000x1xf32>
    %rsqrt3A = math.rsqrt %add3A_11 : vector<2000x1xf32>
    %get3A_12 = arith.constant 0 : index
    %get3A_13 = arith.constant 0 : index
    %get3A_14 = arith.constant 0 : index
    %get3A_15 = vector.load %arg2[%get3A_12, %get3A_13, %get3A_14] : memref<2x2000x128xf32, #tpu.memory_space<vmem>>, vector<1x2000x128xf32>
    %get3A_16 = vector.shape_cast %get3A_15 : vector<1x2000x128xf32> to vector<2000x128xf32>
    %get3A_17 = arith.constant 1 : index
    %get3A_18 = arith.constant 0 : index
    %get3A_19 = arith.constant 0 : index
    %get3A_20 = vector.load %arg2[%get3A_17, %get3A_18, %get3A_19] : memref<2x2000x128xf32, #tpu.memory_space<vmem>>, vector<1x2000x128xf32>
    %get3A_21 = vector.shape_cast %get3A_20 : vector<1x2000x128xf32> to vector<2000x128xf32>
    %add3A_22 = arith.addf %get3A_16, %get3A_21 : vector<2000x128xf32>
    %get3A_23 = arith.constant 0 : index
    %get3A_24 = arith.constant 0 : index
    %get3A_25 = vector.load %arg3[%get3A_23, %get3A_24] : memref<2000x128xf32, #tpu.memory_space<vmem>>, vector<2000x128xf32>
    %add3A_26 = arith.addf %add3A_22, %get3A_25 : vector<2000x128xf32>
    %mul3A = vector.broadcast %rsqrt3A : vector<2000x1xf32> to vector<2000x128xf32>
    %mul3A_27 = arith.mulf %mul3A, %add3A_26 : vector<2000x128xf32>
    %get3A_28 = arith.constant 0 : index
    %get3A_29 = arith.constant 0 : index
    %get3A_30 = vector.load %arg4[%get3A_28, %get3A_29] : memref<1x128xf32, #tpu.memory_space<vmem>>, vector<1x128xf32>
    %add3A_31 = vector.broadcast %get3A_30 : vector<1x128xf32> to vector<2000x128xf32>
    %add3A_32 = arith.addf %mul3A_27, %add3A_31 : vector<2000x128xf32>
    %max3A = arith.constant 0.000000e+00 : f32
    %max3A_33 = vector.broadcast %max3A : f32 to vector<2000x128xf32>
    %max3A_34 = arith.maximumf %add3A_32, %max3A_33 : vector<2000x128xf32>
    %get3A_35 = arith.constant 0 : index
    %get3A_36 = arith.constant 0 : index
    %get3A_37 = vector.load %arg5[%get3A_35, %get3A_36] : memref<128x128xf32, #tpu.memory_space<vmem>>, vector<128x128xf32>
    %dot_general3A = arith.constant dense<0.000000e+00> : vector<2000x128xf32>
    %dot_general3A_38 = tpu.matmul %max3A_34, %get3A_37, %dot_general3A {dimension_numbers = #tpu.dot_dimension_numbers<[1], [0], [0], [1], [0, 0, 1, 1], [], []>, transpose_lhs_hint = false} : vector<2000x128xf32>, vector<128x128xf32>, vector<2000x128xf32> -> vector<2000x128xf32>
    %mul3A_39 = vector.broadcast %rsqrt3A : vector<2000x1xf32> to vector<2000x128xf32>
    %mul3A_40 = arith.mulf %mul3A_39, %dot_general3A_38 : vector<2000x128xf32>
    %swap3A = arith.constant 0 : index
    %swap3A_41 = arith.constant 0 : index
    %swap3A_42 = vector.load %arg6[%swap3A, %swap3A_41] : memref<2000x128xf32, #tpu.memory_space<vmem>>, vector<2000x128xf32>
    tpu.vector_store %arg6[%swap3A, %swap3A_41], %mul3A_40 {strides = array<i32>} : memref<2000x128xf32, #tpu.memory_space<vmem>>, vector<2000x128xf32>,
    return
  }
  func.func @transform_0(%arg0: i32) -> (i32, i32, i32) {
    %c0_i32 = arith.constant 0 : i32
    %c0_i32_0 = arith.constant 0 : i32
    %c0_i32_1 = arith.constant 0 : i32
    return %c0_i32, %arg0, %c0_i32_0 : i32, i32, i32
  }
  func.func @transform_1(%arg0: i32) -> (i32, i32, i32) {
    %c0_i32 = arith.constant 0 : i32
    %c0_i32_0 = arith.constant 0 : i32
    %c0_i32_1 = arith.constant 0 : i32
    return %c0_i32, %arg0, %c0_i32_0 : i32, i32, i32
  }
  func.func @transform_2(%arg0: i32) -> (i32, i32) {
    %c0_i32 = arith.constant 0 : i32
    %c0_i32_0 = arith.constant 0 : i32
    return %arg0, %c0_i32 : i32, i32
  }
  func.func @transform_3(%arg0: i32) -> (i32, i32) {
    %c0_i32 = arith.constant 0 : i32
    %c0_i32_0 = arith.constant 0 : i32
    %c0_i32_1 = arith.constant 0 : i32
    return %c0_i32, %c0_i32_0 : i32, i32
  }
  func.func @transform_4(%arg0: i32) -> (i32, i32) {
    %c0_i32 = arith.constant 0 : i32
    %c0_i32_0 = arith.constant 0 : i32
    %c0_i32_1 = arith.constant 0 : i32
    return %c0_i32, %c0_i32_0 : i32, i32
  }
  func.func @transform_5(%arg0: i32) -> (i32, i32) {
    %c0_i32 = arith.constant 0 : i32
    %c0_i32_0 = arith.constant 0 : i32
    return %arg0, %c0_i32 : i32, i32
  }
}

module attributes {stable_mosaic.version = 14 : i64} {
  func.func @_tc_post_body(%arg0: i32, %arg1: memref<2x2000x1xf32, #tpu.memory_space<vmem>>, %arg2: memref<2x2000x128xf32, #tpu.memory_space<vmem>>, %arg3: memref<2000x128xf32, #tpu.memory_space<vmem>>, %arg4: memref<1x128xf32, #tpu.memory_space<vmem>>, %arg5: memref<2000x128xf32, #tpu.memory_space<vmem>>) attributes {dimension_semantics = [#tpu.dimension_semantics<arbitrary>], iteration_bounds = array<i64: 5>, scalar_prefetch = 0 : i64, scratch_operands = 0 : i64, tpu.core_type = #tpu.core_type<tc>, window_params = [{transform_indices = @transform_0, window_bounds = array<i64: 2, 2000, 1>}, {transform_indices = @transform_1, window_bounds = array<i64: 2, 2000, 128>}, {transform_indices = @transform_2, window_bounds = array<i64: 2000, 128>}, {pipeline_mode = #tpu.pipeline_mode<synchronous>, transform_indices = @transform_3, window_bounds = array<i64: 1, 128>}, {transform_indices = @transform_4, window_bounds = array<i64: 2000, 128>}]} {
    %get3A = arith.constant 0 : index
    %get3A_0 = arith.constant 0 : index
    %get3A_1 = arith.constant 0 : index
    %get3A_2 = vector.load %arg1[%get3A, %get3A_0, %get3A_1] : memref<2x2000x1xf32, #tpu.memory_space<vmem>>, vector<1x2000x1xf32>
    %get3A_3 = vector.shape_cast %get3A_2 : vector<1x2000x1xf32> to vector<2000x1xf32>
    %get3A_4 = arith.constant 1 : index
    %get3A_5 = arith.constant 0 : index
    %get3A_6 = arith.constant 0 : index
    %get3A_7 = vector.load %arg1[%get3A_4, %get3A_5, %get3A_6] : memref<2x2000x1xf32, #tpu.memory_space<vmem>>, vector<1x2000x1xf32>
    %get3A_8 = vector.shape_cast %get3A_7 : vector<1x2000x1xf32> to vector<2000x1xf32>
    %add3A = arith.addf %get3A_3, %get3A_8 : vector<2000x1xf32>
    %add3A_9 = arith.constant 1.000000e+00 : f32
    %add3A_10 = vector.broadcast %add3A_9 : f32 to vector<2000x1xf32>
    %add3A_11 = arith.addf %add3A, %add3A_10 : vector<2000x1xf32>
    %rsqrt3A = math.rsqrt %add3A_11 : vector<2000x1xf32>
    %get3A_12 = arith.constant 0 : index
    %get3A_13 = arith.constant 0 : index
    %get3A_14 = arith.constant 0 : index
    %get3A_15 = vector.load %arg2[%get3A_12, %get3A_13, %get3A_14] : memref<2x2000x128xf32, #tpu.memory_space<vmem>>, vector<1x2000x128xf32>
    %get3A_16 = vector.shape_cast %get3A_15 : vector<1x2000x128xf32> to vector<2000x128xf32>
    %get3A_17 = arith.constant 1 : index
    %get3A_18 = arith.constant 0 : index
    %get3A_19 = arith.constant 0 : index
    %get3A_20 = vector.load %arg2[%get3A_17, %get3A_18, %get3A_19] : memref<2x2000x128xf32, #tpu.memory_space<vmem>>, vector<1x2000x128xf32>
    %get3A_21 = vector.shape_cast %get3A_20 : vector<1x2000x128xf32> to vector<2000x128xf32>
    %add3A_22 = arith.addf %get3A_16, %get3A_21 : vector<2000x128xf32>
    %get3A_23 = arith.constant 0 : index
    %get3A_24 = arith.constant 0 : index
    %get3A_25 = vector.load %arg3[%get3A_23, %get3A_24] : memref<2000x128xf32, #tpu.memory_space<vmem>>, vector<2000x128xf32>
    %add3A_26 = arith.addf %add3A_22, %get3A_25 : vector<2000x128xf32>
    %mul3A = vector.broadcast %rsqrt3A : vector<2000x1xf32> to vector<2000x128xf32>
    %mul3A_27 = arith.mulf %mul3A, %add3A_26 : vector<2000x128xf32>
    %get3A_28 = arith.constant 0 : index
    %get3A_29 = arith.constant 0 : index
    %get3A_30 = vector.load %arg4[%get3A_28, %get3A_29] : memref<1x128xf32, #tpu.memory_space<vmem>>, vector<1x128xf32>
    %add3A_31 = vector.broadcast %get3A_30 : vector<1x128xf32> to vector<2000x128xf32>
    %add3A_32 = arith.addf %mul3A_27, %add3A_31 : vector<2000x128xf32>
    %max3A = arith.constant 0.000000e+00 : f32
    %max3A_33 = vector.broadcast %max3A : f32 to vector<2000x128xf32>
    %max3A_34 = arith.maximumf %add3A_32, %max3A_33 : vector<2000x128xf32>
    %swap3A = arith.constant 0 : index
    %swap3A_35 = arith.constant 0 : index
    %swap3A_36 = vector.load %arg5[%swap3A, %swap3A_35] : memref<2000x128xf32, #tpu.memory_space<vmem>>, vector<2000x128xf32>
    tpu.vector_store %arg5[%swap3A, %swap3A_35], %max3A_34 {strides = array<i32>} : memref<2000x128xf32, #tpu.memory_space<vmem>>, vector<2000x128xf32>,
    return
  }
  func.func @transform_0(%arg0: i32) -> (i32, i32, i32) {
    %c0_i32 = arith.constant 0 : i32
    %c0_i32_0 = arith.constant 0 : i32
    %c0_i32_1 = arith.constant 0 : i32
    return %c0_i32, %arg0, %c0_i32_0 : i32, i32, i32
  }
  func.func @transform_1(%arg0: i32) -> (i32, i32, i32) {
    %c0_i32 = arith.constant 0 : i32
    %c0_i32_0 = arith.constant 0 : i32
    %c0_i32_1 = arith.constant 0 : i32
    return %c0_i32, %arg0, %c0_i32_0 : i32, i32, i32
  }
  func.func @transform_2(%arg0: i32) -> (i32, i32) {
    %c0_i32 = arith.constant 0 : i32
    %c0_i32_0 = arith.constant 0 : i32
    return %arg0, %c0_i32 : i32, i32
  }
  func.func @transform_3(%arg0: i32) -> (i32, i32) {
    %c0_i32 = arith.constant 0 : i32
    %c0_i32_0 = arith.constant 0 : i32
    %c0_i32_1 = arith.constant 0 : i32
    return %c0_i32, %c0_i32_0 : i32, i32
  }
  func.func @transform_4(%arg0: i32) -> (i32, i32) {
    %c0_i32 = arith.constant 0 : i32
    %c0_i32_0 = arith.constant 0 : i32
    return %arg0, %c0_i32 : i32, i32
  }
}

</mosaic_0001>

<sc_bundles>
// kernel: kernel.11.cloned.1.call-start
scs
__scs_entry_jumppad:
0x0: {  	(pc) =	sbr.rel $0x88, $3  }
0x1: {  	(tag) =	ssettag $0x0;
	lr =	simm.s32 $0x1  }
0x2: {  	[smem:$0x3F9B] =	sst lr;
	_ =	strace $0xD0000000  }
0x3: {  	_ = 	snop  }
0x4: {  	_ = 	snop  }
0x5: {  	_ = 	snop  }
0x6: {  	_ = 	snop  }
0x7: {  	_ = 	snop  }
__scs_overlays_trampoline_lowered:
0x8: {  	[smem:$0x3FAA] =	sst s0  }
0x9: {  	[smem:$0x3FAB] =	sst s1  }
0xa: {  	[smem:$0x3FAC] =	sst s2  }
0xb: {  	[smem:$0x3FAD] =	sst s3  }
0xc: {  	[smem:$0x3FAE] =	sst s4  }
0xd: {  	[smem:$0x3FAF] =	sst s5  }
0xe: {  	[smem:$0x3FB0] =	sst s6  }
0xf: {  	[smem:$0x3FB1] =	sst s7  }
0x10: {  	[smem:$0x3FB2] =	sst s8  }
0x11: {  	[smem:$0x3FB3] =	sst s9;
	s0 =	simm.s32 @!p0 $0x0  }
0x12: {  	s1 =	sld [smem:$0x3F99];
	s0 =	simm.s32 @p0 $0x1  }
0x13: {  	[smem:$0x3FB4] =	sst s0;
	s0 =	simm.s32 @!p1 $0x0  }
0x14: {  	s2 =	sld [smem:$0x3F98];
	s0 =	simm.s32 @p1 $0x1  }
0x15: {  	[smem:$0x3FB5] =	sst s0;
	s0 =	simm.s32 @!p2 $0x0  }
0x16: {  	s3 =	sld [smem:$0x3FDB];
	s0 =	simm.s32 @p2 $0x1  }
0x17: {  	s4 =	simm.s32 $0x1BF5;
	[smem:$0x3FB7] =	sst s0  }
0x18: {  	s0 =	sld [smem:$0x3F9A];
	_ =	swait.ge [sflag:s4], $0x0  }
0x19: {  	s7 =	sld [smem:$0x3F9B]  }
0x1a: {  	s8 =	sadd.s32 $0xFFFFE003, lr  }
0x1b: {  	s9 =	sadd.s32 $0xFFFFFEF7, lr;
	s5 =	simm.s32 $0xFFFFFFFF;
	p2 =	slt.u32 s8, $0xFFFFF086  }
0x1c: {  	p1 =	slt.u32 s9, $0xF7A;
	s5 =	simm.s32 @!p2 $0x0  }
0x1d: {  	s5 =	simm.s32 @p1 $0x1;
	p0 =	seq.s32 s7, s2  }
0x1e: {  	s7 =	smul.u32 @!p0 $0xF7A, s2;
	p2 =	seq.s32 @!p0 s5, $0x0  }
0x1f: {  	s9 =	smul.u32 $0xF7A, s1;
	s8 =	simm.s32 @!p0 $0x1BF5;
	p2 =	por !p2, p0  }
0x20: {  	[sflag:s8] =	ssyncset.s32 @!p0 $0xFFFFF086;
	s6 =	sadd.s32 @!p0 s3, s7;
	s7 =	simm.s32 @!p0 $0x108  }
0x21: {  	s3 =	sadd.s32 s3, s9;
	s6 =	sadd.s32 @!p0 $0x88, s6;
	s7 =	simm.s32 @p2 $0x1082  }
0x22: {  	[simem:s7], [sflag:s8] =	dma.local @!p0 [hbm:s6], $0xF7A  }
0x23: {  	s9 =	sor.u32 $0xD0000000, s2;
	s6 =	simm.s32 $0x108;
	_ =	swait.ge @!p0 [sflag:s8], $0x0  }
0x24: {  	s3 =	sadd.s32 $0x88, s3;
	s6 =	simm.s32 @!p1 $0x1082;
	[sflag:s4] =	ssyncset.s32 $0xFFFFF086  }
0x25: {  	[simem:s6], [sflag:s4] =	dma.local [hbm:s3], $0xF7A  }
0x26: {  	[smem:$0x3F9B] =	sst s1;
	(tag) =	ssettag s2;
	_ =	strace s9  }
0x27: {  	s1 =	sld [smem:$0x3FAB]  }
0x28: {  	s2 =	sld [smem:$0x3FAC]  }
0x29: {  	s4 =	sld [smem:$0x3FAE]  }
0x2a: {  	p0 =	seq.s32 s5, $0x0;
	s5 =	sld [smem:$0x3FAF]  }
0x2b: {  	s6 =	sld [smem:$0x3FB0]  }
0x2c: {  	s7 =	sld [smem:$0x3FB1]  }
0x2d: {  	s3 =	simm.s32 $0x108;
	s8 =	sld [smem:$0x3FB2]  }
0x2e: {  	s3 =	simm.s32 @!p0 $0x1082;
	s9 =	sld [smem:$0x3FB3]  }
0x2f: {  	lr =	sadd.s32 s0, s3;
	s0 =	sld [smem:$0x3FAA]  }
0x30: {  	s3 =	sld [smem:$0x3FAD]  }
0x31: {  	[smem:$0x3FB6] =	sst s10  }
0x32: {  	s10 =	sld [smem:$0x3FB4];
	_ =	sdelay $0x3  }
0x33: {  	p0 =	seq.s32 s10, $0x1;
	s10 =	sld [smem:$0x3FB6];
	_ =	sdelay $0x3  }
0x34: {  	[smem:$0x3FB6] =	sst s10  }
0x35: {  	s10 =	sld [smem:$0x3FB5];
	_ =	sdelay $0x3  }
0x36: {  	p1 =	seq.s32 s10, $0x1;
	s10 =	sld [smem:$0x3FB6];
	_ =	sdelay $0x3  }
0x37: {  	[smem:$0x3FB6] =	sst s10  }
0x38: {  	s10 =	sld [smem:$0x3FB7]  }
0x39: {  	_ = 	snop;
	(pc) =	sbr.ind lr, $3  }
0x3a: {  	_ = 	snop  }
0x3b: {  	_ = 	snop  }
0x3c: {  	p2 =	seq.s32 s10, $0x1;
	s10 =	sld [smem:$0x3FB6]  }
0x3d: {  	_ =	shalt  }
0x3e: {  	_ =	shalt  }
0x3f: {  	_ =	shalt  }
0x40: {  	_ =	shalt  }
0x41: {  	_ =	shalt  }
0x42: {  	_ =	shalt  }
0x43: {  	_ =	shalt  }
0x44: {  	_ =	shalt  }
0x45: {  	_ =	shalt  }
0x46: {  	_ =	shalt  }
0x47: {  	_ =	shalt  }
0x48: {  	_ =	shalt  }
0x49: {  	_ =	shalt  }
0x4a: {  	_ =	shalt  }
0x4b: {  	_ =	shalt  }
0x4c: {  	_ =	shalt  }
0x4d: {  	_ =	shalt  }
0x4e: {  	_ =	shalt  }
0x4f: {  	_ =	shalt  }
0x50: {  	_ =	shalt  }
0x51: {  	_ =	shalt  }
0x52: {  	_ =	shalt  }
0x53: {  	_ =	shalt  }
0x54: {  	_ =	shalt  }
0x55: {  	_ =	shalt  }
0x56: {  	_ =	shalt  }
0x57: {  	_ =	shalt  }
0x58: {  	_ =	shalt  }
0x59: {  	_ =	shalt  }
0x5a: {  	_ =	shalt  }
0x5b: {  	_ =	shalt  }
0x5c: {  	_ =	shalt  }
0x5d: {  	_ =	shalt  }
0x5e: {  	_ =	shalt  }
0x5f: {  	_ =	shalt  }
0x60: {  	_ =	shalt  }
0x61: {  	_ =	shalt  }
0x62: {  	_ =	shalt  }
0x63: {  	_ =	shalt  }
0x64: {  	_ =	shalt  }
0x65: {  	_ =	shalt  }
0x66: {  	_ =	shalt  }
0x67: {  	_ =	shalt  }
0x68: {  	_ =	shalt  }
0x69: {  	_ =	shalt  }
0x6a: {  	_ =	shalt  }
0x6b: {  	_ =	shalt  }
0x6c: {  	_ =	shalt  }
0x6d: {  	_ =	shalt  }
0x6e: {  	_ =	shalt  }
0x6f: {  	_ =	shalt  }
0x70: {  	_ =	shalt  }
0x71: {  	_ =	shalt  }
0x72: {  	_ =	shalt  }
0x73: {  	_ =	shalt  }
0x74: {  	_ =	shalt  }
0x75: {  	_ =	shalt  }
0x76: {  	_ =	shalt  }
0x77: {  	_ =	shalt  }
0x78: {  	_ =	shalt  }
0x79: {  	_ =	shalt  }
0x7a: {  	_ =	shalt  }
0x7b: {  	_ =	shalt  }
0x7c: {  	_ =	shalt  }
0x7d: {  	_ =	shalt  }
0x7e: {  	_ =	shalt  }
0x7f: {  	_ =	shalt  }
0x80: {  	_ =	shalt  }
0x81: {  	_ =	shalt  }
0x82: {  	_ =	shalt  }
0x83: {  	_ =	shalt  }
0x84: {  	_ =	shalt  }
0x85: {  	_ =	shalt  }
0x86: {  	_ =	shalt  }
0x87: {  	_ =	shalt  }
.Lfunc_end0:
.L_simem_size_0:
called_computation.1_lowered:
.L_overlay_start_0:
0x88: {  	s2 =	sld [smem:$0x3FD9]  }
0x89: {  	s3 =	sld [smem:$0x3FFE];
	_ =	sdelay $0x1  }
0x8a: {  	s1 =	srdreg.scid  }
0x8b: {  	s0 =	sand.u32 $0x1, s1  }
0x8c: {  	s17 =	sshll.u32 s0, $0xA;
	s2 =	sadd.s32 s3, s2  }
0x8d: {  	s2 =	sadd.s32 s2, s17  }
0x8e: {  	[smem:$0x3FC2] =	sst s2  }
0x8f: {  	_ = 	snop  }
0x90: {  	s2 =	sld [smem:$0x3FD0];
	(tm) =	ssettm $0x1  }
0x91: {  	s18 =	sld [smem:$0x3FFB];
	_ =	sdelay $0x3  }
0x92: {  	_ =	strace s18  }
0x93: {  	s3 =	sld [smem:$0x3FFC];
	_ =	sdelay $0x3  }
0x94: {  	_ =	strace s3  }
0x95: {  	s3 =	sld [smem:$0x3FFD];
	_ =	sdelay $0x3  }
0x96: {  	_ =	strace s3  }
0x97: {  	_ =	strace $0x8FFFFFFF  }
0x98: {  	s19 =	sld [smem:$0x3FDB];
	_ =	sdelay $0x1  }
0x99: {  	s4 =	simm.s32 $_scs_section_size  }
0x9a: {  	s5 =	simm.s32 $_size__tile_overlayer_lowered;
	s6 =	simm.s32 $_tile_overlayer_lowered  }
0x9b: {  	s22 =	simm.s32 $0x1BFF;
	s21 =	sshll.u32 s6, $0x1;
	s3 =	sadd.s32 s4, s19  }
0x9c: {  	s7 =	simm.s32 $0x0;
	s20 =	sshll.u32 s5, $0x1;
	s5 =	sadd.s32 s21, s3  }
0x9d: {  	[timem:s7], [sflag:s22] =	dma.local [hbm:s5], s20  }
0x9e: {  	_ =	swait.ge [sflag:s22], s20  }
0x9f: {  	s4 =	ssub.s32 $0x0, s20;
	[sflag:s22] =	ssyncset.done $0x0  }
0xa0: {  	[sflag:s22] =	ssyncadd.s32 s4;
	_ =	sdelay $0x1  }
0xa1: {  	s23 =	simm.s32 $0x1B8B  }
0xa2: {  	_ =	swait.ge [sflag:s23], $0x1  }
0xa3: {  	[sflag:s23] =	ssyncset.done $0x0  }
0xa4: {  	s25 =	simm.s32 $0x1B8E;
	s24 =	sld [smem:$0x3FFE];
	[sflag:s23] =	ssyncadd.s32 $0xFFFFFFFF  }
0xa5: {  	s26 =	simm.s32 $execute0_lowered;
	[smem:$0x3FD2] =	sst s25  }
0xa6: {  	s5 =	sshll.u32 s26, $0x1;
	_ =	strace $0x80000049;
	[dreg:$0x1] =	wrdreg $0xFFFFFFFF  }
0xa7: {  	s28 =	simm.s32 $_size_execute0_lowered;
	s3 =	sadd.s32 s3, s5;
	[dreg:$0x0] =	wrdreg $0x0  }
0xa8: {  	s5 =	sshll.u32 s28, $0x1;
	[dreg:$0x2] =	wrdreg s3  }
0xa9: {  	[dreg:$0x3] =	wrdreg s5  }
0xaa: {  	[dreg:$0x4] =	wrdreg $0xC0  }
0xab: {  	_ =	task [dreg:s7], $0x5FFFF  }
0xac: {  	[dreg:$0x1] =	wrdreg $0xFFFFFFFF  }
0xad: {  	[dreg:$0x0] =	wrdreg $0x60  }
0xae: {  	[dreg:$0x2] =	wrdreg s2  }
0xaf: {  	[dreg:$0x3] =	wrdreg s24  }
0xb0: {  	[dreg:$0x4] =	wrdreg $0x98000  }
0xb1: {  	[dreg:$0x5] =	wrdreg $0x9  }
0xb2: {  	_ =	task.clear_ibuf [dreg:s7], $0x6FFFF;
	_ =	strace $0x90000049  }
0xb3: {  	s29 =	simm.s32 $0x9;
	_ =	strace $0x8000004B  }
0xb4: {  	_ =	swait.ge [sflag:s29], $0x1  }
0xb5: {  	[sflag:s29] =	ssyncadd.s32 $0xFFFFFFFF  }
0xb6: {  	_ =	strace $0x9000004B  }
0xb7: {  	_ =	sfence  }
0xb8: {  	s30 =	sld [smem:$0x0];
	_ =	sdelay $0x2  }
0xb9: {  	s31 =	sshll.u32 s1, $0xD;
	s1 =	sshrl.u32 s1, $0x2  }
0xba: {  	s3 =	sand.u32 $0x4000, s31;
	s1 =	sadd.s32 s1, s30  }
0xbb: {  	s0 =	sor.u32 s3, s0;
	s1 =	sshll.u32 s1, $0x11  }
0xbc: {  	s0 =	sor.u32 s1, s0  }
0xbd: {  	s0 =	sadd.s32 $0x8F2B, s0  }
0xbe: {  	[sflag:s0] =	ssyncadd.remote.s32 $0x1  }
0xbf: {  	_ =	sfence.sel $0xFFFF  }
0xc0: {  	[dreg:$0x0] =	wrdreg $0xFFFFFFFF;
	(pc) =	sbr.abs _section_cstart, $3  }
0xc1: {  	[dreg:$0x1] =	wrdreg $0xFFFFFFFF  }
0xc2: {  	_ =	task.clear_ibuf [dreg:s7], $0x2FFFF;
	_ =	strace $0x9FFFFFFF  }
0xc3: {  	(tm) =	ssettm $0x7FFFFFFF  }
tec
execute0_lowered:
.L_overlay_start_1:
0x0: {  	(tag) =	ssettag $0x1  }
0x1: {  	s0 =	srdreg.scid;
	s8 =	stileid.u32  }
0x2: {  	s0 =	sand.u32 $0x1, s0;
	s4 =	smul.u32 $0x5000, s8  }
0x3: {  	s2 =	rddreg [dreg:$0x0];
	s1 =	smul.u32 $0x50000, s0  }
0x4: {  	s5 =	rddreg [dreg:$0x1]  }
0x5: {  	s3 =	rddreg [dreg:$0x2];
	s1 =	sadd.s32 s4, s1;
	s4 =	simm.s32 $0x0  }
0x6: {  	s24 =	simm.s32 $0x80;
	[smem:$0x7FF] =	sst s4  }
0x7: {  	s25 =	simm.s32 $0x100;
	_ =	strace $0x8000004A;
	[dreg:$0x6] =	wrdreg s24  }
0x8: {  	s26 =	simm.s32 $0x180;
	[dreg:$0x7] =	wrdreg s25  }
0x9: {  	s9 =	simm.s32 $0x1100;
	[dreg:$0x8] =	wrdreg s26  }
0xa: {  	s10 =	simm.s32 $0x280;
	[dreg:$0xb] =	wrdreg s9  }
0xb: {  	s11 =	simm.s32 $0x1180;
	[dreg:$0xc] =	wrdreg s10  }
0xc: {  	s13 =	simm.s32 $0x300;
	[dreg:$0xd] =	wrdreg s11  }
0xd: {  	s15 =	simm.s32 $0x1200;
	s16 =	simm.s32 $0x380;
	[dreg:$0xe] =	wrdreg s13  }
0xe: {  	s17 =	simm.s32 $0x1280;
	s18 =	simm.s32 $0x400;
	[dreg:$0xf] =	wrdreg s15  }
0xf: {  	s19 =	simm.s32 $0x1300;
	s20 =	simm.s32 $0x480;
	[dreg:$0x10] =	wrdreg s16  }
0x10: {  	s22 =	simm.s32 $0x1380;
	s28 =	simm.s32 $0x1A00;
	[dreg:$0x11] =	wrdreg s17  }
0x11: {  	s12 =	smul.u32 $0x140000, s0;
	s0 =	ssub.s32 $0x2, s0;
	[dreg:$0x12] =	wrdreg s18  }
0x12: {  	s29 =	simm.s32 $0xB80;
	s21 =	sshrl.u32 s0, $0x1;
	[dreg:$0x13] =	wrdreg s19  }
0x13: {  	s7 =	sadd.s32 $0x2400, s5;
	s0 =	ssub.s32 s0, s21;
	[dreg:$0x14] =	wrdreg s20  }
0x14: {  	s21 =	simm.s32 $0x880;
	s0 =	smax.u32 s0, $0x1;
	[dreg:$0x15] =	wrdreg s22  }
0x15: {  	s6 =	sadd.s32 $0xA0000, s1;
	s1 =	sshrl.u32 s1, $0x3;
	[smem:$0x7F1] =	sst s0  }
0x16: {  	s30 =	simm.s32 $0x1A80;
	s1 =	sadd.s32 s1, s7;
	[smem:$0x7F6] =	sst s21  }
0x17: {  	s31 =	simm.s32 $0xC00;
	s9 =	sadd.s32 $0x2A400, s5;
	[dreg:$0x5] =	wrdreg s1  }
0x18: {  	s14 =	smul.u32 $0x14000, s8;
	s24 =	simm.s32 $0x500;
	[smem:$0x7EF] =	sst s9  }
0x19: {  	s23 =	smul.u32 $0x50000, s8;
	s25 =	simm.s32 $0x1400;
	[dreg:$0x16] =	wrdreg s24  }
0x1a: {  	s6 =	sshrl.u32 s6, $0x3;
	s11 =	simm.s32 $0x600;
	[dreg:$0x17] =	wrdreg s25  }
0x1b: {  	s26 =	sshrl.u32 s23, $0x2;
	s13 =	simm.s32 $0x680;
	[dreg:$0x1a] =	wrdreg s11  }
0x1c: {  	s10 =	sshll.u32 s8, $0x6;
	s15 =	simm.s32 $0x700;
	[dreg:$0x1c] =	wrdreg s13  }
0x1d: {  	s16 =	simm.s32 $0x1600;
	s17 =	simm.s32 $0x780;
	[dreg:$0x1e] =	wrdreg s15  }
0x1e: {  	s18 =	simm.s32 $0x1680;
	s19 =	simm.s32 $0x800;
	[dreg:$0x1f] =	wrdreg s16  }
0x1f: {  	s20 =	simm.s32 $0x1700;
	s22 =	simm.s32 $0x1780;
	[smem:$0x7F2] =	sst s17  }
0x20: {  	s23 =	simm.s32 $0x900;
	s21 =	simm.s32 $0x6;
	[smem:$0x7F3] =	sst s18  }
0x21: {  	s0 =	simm.s32 $0x1B80;
	s6 =	sadd.s32 s6, s7;
	[smem:$0x7F4] =	sst s19  }
0x22: {  	s7 =	simm.s32 $0x200;
	s9 =	simm.s32 $0x1480;
	[smem:$0x7F5] =	sst s20  }
0x23: {  	s11 =	simm.s32 $0x1000;
	s13 =	simm.s32 $0x2000;
	[smem:$0x7F7] =	sst s22  }
0x24: {  	s15 =	simm.s32 $0x7000;
	s16 =	simm.s32 $0x1;
	[smem:$0x7F8] =	sst s23  }
0x25: {  	s17 =	simm.s32 $0x4;
	s18 =	simm.s32 $0x2;
	[dreg:$0x4] =	wrdreg s6  }
0x26: {  	s24 =	simm.s32 $0x1800;
	s19 =	simm.s32 $0x5;
	[dreg:$0xa] =	wrdreg s7  }
0x27: {  	s25 =	simm.s32 $0x980;
	s20 =	simm.s32 $0x3;
	[dreg:$0x19] =	wrdreg s9  }
0x28: {  	s22 =	simm.s32 $0xA00;
	s23 =	simm.s32 $0x1900;
	[smem:$0x7F9] =	sst s24  }
0x29: {  	s1 =	simm.s32 $0x1B00;
	s6 =	simm.s32 $0x1080;
	[smem:$0x7FA] =	sst s25  }
0x2a: {  	s7 =	simm.s32 $0x580;
	s24 =	simm.s32 $0xA80;
	[dreg:$0x9] =	wrdreg s6  }
0x2b: {  	s6 =	sadd.s32 s14, s12;
	[dreg:$0x18] =	wrdreg s7;
	s12 =	simm.s32 $0x1500  }
0x2c: {  	s25 =	simm.s32 $0x1980;
	s14 =	simm.s32 $0x1580;
	[dreg:$0x1b] =	wrdreg s12  }
0x2d: {  	s9 =	simm.s32 $0x0;
	s7 =	sor.u32 $0x1C07, s10;
	[dreg:$0x1d] =	wrdreg s14  }
0x2e: {  	s10 =	simm.s32 $0x7;
	s6 =	sshrl.u32 s6, $0x3;
	[smem:$0x7FC] =	sst s7  }
0x2f: {  	s5 =	sadd.s32 s6, s5;
	s6 =	sadd.s32 s26, s3;
	s26 =	simm.s32 $0x1880  }
0x30: {  	s12 =	simm.s32 $0x50;
	s5 =	sadd.s32 $0x2CC00, s5;
	[smem:$0x7FB] =	sst s26  }
0x31: {  	s14 =	simm.s32 $0x4800;
	s8 =	sshrl.u32 s6, $0x3;
	[smem:$0x7F0] =	sst s5  }
0x32: {  	s26 =	simm.s32 $0xB00;
	s5 =	simm.s32 $0x1C00;
	[smem:$0x7FD] =	sst s8  }
.LBB2_1:
0x33: {  	s6 =	sld [smem:$0x7EF];
	_ =	sdelay $0x1  }
0x34: {  	[smem:$0x7EE] =	sst s9  }
0x35: {  	[spmem:s8], [sflag:s7] =	dma.local [hbm:s6], $0x2800  }
0x36: {  	_ =	swait.ge [sflag:s10], $0x2800  }
0x37: {  	[sflag:s10] =	ssyncset.done $0x0  }
0x38: {  	[sflag:s10] =	ssyncadd.s32 $0xFFFFD800  }
0x39: {  	[bflag:$0x0] =	sbarrier.arrive $0xFFFF  }
0x3a: {  	s7 =	rddreg [dreg:$0x5]  }
0x3b: {  	s6 =	sadd.s32 $0x0, s7  }
0x3c: {  	[tilespmem:s4], [sflag:$0x7] =	stream.linear.gather [hbm4b:s6+s4], $0xC80, $0x38;
	[tilespmem:$0x1D800] =	vst v63  }
0x3d: {  	_ =	swait.ge [sflag:s10], $0xC80  }
0x3e: {  	s8 =	rddreg [dreg:$0x4];
	[sflag:s10] =	ssyncset.done $0x0  }
0x3f: {  	[sflag:s10] =	ssyncadd.s32 $0xFFFFF380;
	s6 =	sadd.s32 $0x0, s8  }
0x40: {  	[tilespmem:s11], [sflag:$0x7] =	stream.linear.gather [hbm4b:s6+s4], $0xC80, $0x38;
	[tilespmem:$0x1D800] =	vst v63  }
0x41: {  	_ =	swait.ge [sflag:s10], $0xC80  }
0x42: {  	[sflag:s10] =	ssyncset.done $0x0  }
0x43: {  	[sflag:s10] =	ssyncadd.s32 $0xFFFFF380  }
0x44: {  	[tilespmem:s13], [sflag:$0x1] =	stream.indirect.gather [hbm4b:s2+s12], $0x80, s4, s12, $0xb8;
	[tilespmem:$0x1D800] =	vst v63  }
0x45: {  	s9 =	rddreg [dreg:$0x6]  }
0x46: {  	[tilespmem:s14], [sflag:$0x2] =	stream.indirect.gather [hbm4b:s2+s12], $0x80, s9, s12, $0xb8;
	[tilespmem:$0x1D800] =	vst v63  }
0x47: {  	s7 =	rddreg [dreg:$0x7]  }
0x48: {  	[tilespmem:s15], [sflag:$0x3] =	stream.indirect.gather [hbm4b:s2+s12], $0x80, s7, s12, $0xb8;
	[tilespmem:$0x1D800] =	vst v63  }
0x49: {  	_ =	swait.ge [sflag:s16], $0x2800  }
0x4a: {  	[sflag:s16] =	ssyncset.done $0x0  }
0x4b: {  	[sflag:s16] =	ssyncadd.s32 $0xFFFFD800  }
0x4c: {  	[spmem:s3] =	stream.indirect.scatter.add.f32 [tilespmem:s13], [sflag:$0x4], $0x80, s11, s12, $0xb8;
	[tilespmem:$0x1D800] =	vst v63  }
0x4d: {  	_ =	swait.ge [sflag:s17], $0x2800  }
0x4e: {  	[sflag:s17] =	ssyncset.done $0x0  }
0x4f: {  	s9 =	rddreg [dreg:$0x8];
	[sflag:s17] =	ssyncadd.s32 $0xFFFFD800  }
0x50: {  	[tilespmem:s13], [sflag:$0x1] =	stream.indirect.gather [hbm4b:s2+s12], $0x80, s9, s12, $0xb8;
	[tilespmem:$0x1D800] =	vst v63  }
0x51: {  	_ =	swait.ge [sflag:s18], $0x2800  }
0x52: {  	[sflag:s18] =	ssyncset.done $0x0  }
0x53: {  	s7 =	rddreg [dreg:$0x9];
	[sflag:s18] =	ssyncadd.s32 $0xFFFFD800  }
0x54: {  	[spmem:s3] =	stream.indirect.scatter.add.f32 [tilespmem:s14], [sflag:$0x5], $0x80, s7, s12, $0xb8;
	[tilespmem:$0x1D800] =	vst v63  }
0x55: {  	_ =	swait.ge [sflag:s19], $0x2800  }
0x56: {  	[sflag:s19] =	ssyncset.done $0x0  }
0x57: {  	s8 =	rddreg [dreg:$0xa];
	[sflag:s19] =	ssyncadd.s32 $0xFFFFD800  }
0x58: {  	[tilespmem:s14], [sflag:$0x2] =	stream.indirect.gather [hbm4b:s2+s12], $0x80, s8, s12, $0xb8;
	[tilespmem:$0x1D800] =	vst v63  }
0x59: {  	_ =	swait.ge [sflag:s20], $0x2800  }
0x5a: {  	[sflag:s20] =	ssyncset.done $0x0  }
0x5b: {  	s9 =	rddreg [dreg:$0xb];
	[sflag:s20] =	ssyncadd.s32 $0xFFFFD800  }
0x5c: {  	[spmem:s3] =	stream.indirect.scatter.add.f32 [tilespmem:s15], [sflag:$0x6], $0x80, s9, s12, $0xb8;
	[tilespmem:$0x1D800] =	vst v63  }
0x5d: {  	_ =	swait.ge [sflag:s21], $0x2800  }
0x5e: {  	[sflag:s21] =	ssyncset.done $0x0  }
0x5f: {  	s7 =	rddreg [dreg:$0xc];
	[sflag:s21] =	ssyncadd.s32 $0xFFFFD800  }
0x60: {  	[tilespmem:s15], [sflag:$0x3] =	stream.indirect.gather [hbm4b:s2+s12], $0x80, s7, s12, $0xb8;
	[tilespmem:$0x1D800] =	vst v63  }
0x61: {  	_ =	swait.ge [sflag:s16], $0x2800  }
0x62: {  	[sflag:s16] =	ssyncset.done $0x0  }
0x63: {  	s8 =	rddreg [dreg:$0xd];
	[sflag:s16] =	ssyncadd.s32 $0xFFFFD800  }
0x64: {  	[spmem:s3] =	stream.indirect.scatter.add.f32 [tilespmem:s13], [sflag:$0x4], $0x80, s8, s12, $0xb8;
	[tilespmem:$0x1D800] =	vst v63  }
0x65: {  	_ =	swait.ge [sflag:s17], $0x2800  }
0x66: {  	[sflag:s17] =	ssyncset.done $0x0  }
0x67: {  	s9 =	rddreg [dreg:$0xe];
	[sflag:s17] =	ssyncadd.s32 $0xFFFFD800  }
0x68: {  	[tilespmem:s13], [sflag:$0x1] =	stream.indirect.gather [hbm4b:s2+s12], $0x80, s9, s12, $0xb8;
	[tilespmem:$0x1D800] =	vst v63  }
0x69: {  	_ =	swait.ge [sflag:s18], $0x2800  }
0x6a: {  	[sflag:s18] =	ssyncset.done $0x0  }
0x6b: {  	s7 =	rddreg [dreg:$0xf];
	[sflag:s18] =	ssyncadd.s32 $0xFFFFD800  }
0x6c: {  	[spmem:s3] =	stream.indirect.scatter.add.f32 [tilespmem:s14], [sflag:$0x5], $0x80, s7, s12, $0xb8;
	[tilespmem:$0x1D800] =	vst v63  }
0x6d: {  	_ =	swait.ge [sflag:s19], $0x2800  }
0x6e: {  	[sflag:s19] =	ssyncset.done $0x0  }
0x6f: {  	s8 =	rddreg [dreg:$0x10];
	[sflag:s19] =	ssyncadd.s32 $0xFFFFD800  }
0x70: {  	[tilespmem:s14], [sflag:$0x2] =	stream.indirect.gather [hbm4b:s2+s12], $0x80, s8, s12, $0xb8;
	[tilespmem:$0x1D800] =	vst v63  }
0x71: {  	_ =	swait.ge [sflag:s20], $0x2800  }
0x72: {  	[sflag:s20] =	ssyncset.done $0x0  }
0x73: {  	s9 =	rddreg [dreg:$0x11];
	[sflag:s20] =	ssyncadd.s32 $0xFFFFD800  }
0x74: {  	[spmem:s3] =	stream.indirect.scatter.add.f32 [tilespmem:s15], [sflag:$0x6], $0x80, s9, s12, $0xb8;
	[tilespmem:$0x1D800] =	vst v63  }
0x75: {  	_ =	swait.ge [sflag:s21], $0x2800  }
0x76: {  	[sflag:s21] =	ssyncset.done $0x0  }
0x77: {  	s7 =	rddreg [dreg:$0x12];
	[sflag:s21] =	ssyncadd.s32 $0xFFFFD800  }
0x78: {  	[tilespmem:s15], [sflag:$0x3] =	stream.indirect.gather [hbm4b:s2+s12], $0x80, s7, s12, $0xb8;
	[tilespmem:$0x1D800] =	vst v63  }
0x79: {  	_ =	swait.ge [sflag:s16], $0x2800  }
0x7a: {  	[sflag:s16] =	ssyncset.done $0x0  }
0x7b: {  	s8 =	rddreg [dreg:$0x13];
	[sflag:s16] =	ssyncadd.s32 $0xFFFFD800  }
0x7c: {  	[spmem:s3] =	stream.indirect.scatter.add.f32 [tilespmem:s13], [sflag:$0x4], $0x80, s8, s12, $0xb8;
	[tilespmem:$0x1D800] =	vst v63  }
0x7d: {  	_ =	swait.ge [sflag:s17], $0x2800  }
0x7e: {  	[sflag:s17] =	ssyncset.done $0x0  }
0x7f: {  	s9 =	rddreg [dreg:$0x14];
	[sflag:s17] =	ssyncadd.s32 $0xFFFFD800  }
0x80: {  	[tilespmem:s13], [sflag:$0x1] =	stream.indirect.gather [hbm4b:s2+s12], $0x80, s9, s12, $0xb8;
	[tilespmem:$0x1D800] =	vst v63  }
0x81: {  	_ =	swait.ge [sflag:s18], $0x2800  }
0x82: {  	[sflag:s18] =	ssyncset.done $0x0  }
0x83: {  	s7 =	rddreg [dreg:$0x15];
	[sflag:s18] =	ssyncadd.s32 $0xFFFFD800  }
0x84: {  	[spmem:s3] =	stream.indirect.scatter.add.f32 [tilespmem:s14], [sflag:$0x5], $0x80, s7, s12, $0xb8;
	[tilespmem:$0x1D800] =	vst v63  }
0x85: {  	_ =	swait.ge [sflag:s19], $0x2800  }
0x86: {  	[sflag:s19] =	ssyncset.done $0x0  }
0x87: {  	s8 =	rddreg [dreg:$0x16];
	[sflag:s19] =	ssyncadd.s32 $0xFFFFD800  }
0x88: {  	[tilespmem:s14], [sflag:$0x2] =	stream.indirect.gather [hbm4b:s2+s12], $0x80, s8, s12, $0xb8;
	[tilespmem:$0x1D800] =	vst v63  }
0x89: {  	_ =	swait.ge [sflag:s20], $0x2800  }
0x8a: {  	[sflag:s20] =	ssyncset.done $0x0  }
0x8b: {  	s9 =	rddreg [dreg:$0x17];
	[sflag:s20] =	ssyncadd.s32 $0xFFFFD800  }
0x8c: {  	[spmem:s3] =	stream.indirect.scatter.add.f32 [tilespmem:s15], [sflag:$0x6], $0x80, s9, s12, $0xb8;
	[tilespmem:$0x1D800] =	vst v63  }
0x8d: {  	_ =	swait.ge [sflag:s21], $0x2800  }
0x8e: {  	[sflag:s21] =	ssyncset.done $0x0  }
0x8f: {  	s7 =	rddreg [dreg:$0x18];
	[sflag:s21] =	ssyncadd.s32 $0xFFFFD800  }
0x90: {  	[tilespmem:s15], [sflag:$0x3] =	stream.indirect.gather [hbm4b:s2+s12], $0x80, s7, s12, $0xb8;
	[tilespmem:$0x1D800] =	vst v63  }
0x91: {  	_ =	swait.ge [sflag:s16], $0x2800  }
0x92: {  	[sflag:s16] =	ssyncset.done $0x0  }
0x93: {  	s8 =	rddreg [dreg:$0x19];
	[sflag:s16] =	ssyncadd.s32 $0xFFFFD800  }
0x94: {  	[spmem:s3] =	stream.indirect.scatter.add.f32 [tilespmem:s13], [sflag:$0x4], $0x80, s8, s12, $0xb8;
	[tilespmem:$0x1D800] =	vst v63  }
0x95: {  	_ =	swait.ge [sflag:s17], $0x2800  }
0x96: {  	[sflag:s17] =	ssyncset.done $0x0  }
0x97: {  	s9 =	rddreg [dreg:$0x1a];
	[sflag:s17] =	ssyncadd.s32 $0xFFFFD800  }
0x98: {  	[tilespmem:s13], [sflag:$0x1] =	stream.indirect.gather [hbm4b:s2+s12], $0x80, s9, s12, $0xb8;
	[tilespmem:$0x1D800] =	vst v63  }
0x99: {  	_ =	swait.ge [sflag:s18], $0x2800  }
0x9a: {  	[sflag:s18] =	ssyncset.done $0x0  }
0x9b: {  	s7 =	rddreg [dreg:$0x1b];
	[sflag:s18] =	ssyncadd.s32 $0xFFFFD800  }
0x9c: {  	[spmem:s3] =	stream.indirect.scatter.add.f32 [tilespmem:s14], [sflag:$0x5], $0x80, s7, s12, $0xb8;
	[tilespmem:$0x1D800] =	vst v63  }
0x9d: {  	_ =	swait.ge [sflag:s19], $0x2800  }
0x9e: {  	[sflag:s19] =	ssyncset.done $0x0  }
0x9f: {  	s8 =	rddreg [dreg:$0x1c];
	[sflag:s19] =	ssyncadd.s32 $0xFFFFD800  }
0xa0: {  	[tilespmem:s14], [sflag:$0x2] =	stream.indirect.gather [hbm4b:s2+s12], $0x80, s8, s12, $0xb8;
	[tilespmem:$0x1D800] =	vst v63  }
0xa1: {  	_ =	swait.ge [sflag:s20], $0x2800  }
0xa2: {  	[sflag:s20] =	ssyncset.done $0x0  }
0xa3: {  	s9 =	rddreg [dreg:$0x1d];
	[sflag:s20] =	ssyncadd.s32 $0xFFFFD800  }
0xa4: {  	[spmem:s3] =	stream.indirect.scatter.add.f32 [tilespmem:s15], [sflag:$0x6], $0x80, s9, s12, $0xb8;
	[tilespmem:$0x1D800] =	vst v63  }
0xa5: {  	_ =	swait.ge [sflag:s21], $0x2800  }
0xa6: {  	[sflag:s21] =	ssyncset.done $0x0  }
0xa7: {  	s7 =	rddreg [dreg:$0x1e];
	[sflag:s21] =	ssyncadd.s32 $0xFFFFD800  }
0xa8: {  	[tilespmem:s15], [sflag:$0x3] =	stream.indirect.gather [hbm4b:s2+s12], $0x80, s7, s12, $0xb8;
	[tilespmem:$0x1D800] =	vst v63  }
0xa9: {  	_ =	swait.ge [sflag:s16], $0x2800  }
0xaa: {  	[sflag:s16] =	ssyncset.done $0x0  }
0xab: {  	s8 =	rddreg [dreg:$0x1f];
	[sflag:s16] =	ssyncadd.s32 $0xFFFFD800  }
0xac: {  	[spmem:s3] =	stream.indirect.scatter.add.f32 [tilespmem:s13], [sflag:$0x4], $0x80, s8, s12, $0xb8;
	[tilespmem:$0x1D800] =	vst v63  }
0xad: {  	_ =	swait.ge [sflag:s17], $0x2800  }
0xae: {  	s9 =	sld [smem:$0x7F2]  }
0xaf: {  	[sflag:s17] =	ssyncset.done $0x0  }
0xb0: {  	[sflag:s17] =	ssyncadd.s32 $0xFFFFD800  }
0xb1: {  	[tilespmem:s13], [sflag:$0x1] =	stream.indirect.gather [hbm4b:s2+s12], $0x80, s9, s12, $0xb8;
	[tilespmem:$0x1D800] =	vst v63  }
0xb2: {  	_ =	swait.ge [sflag:s18], $0x2800  }
0xb3: {  	s7 =	sld [smem:$0x7F3]  }
0xb4: {  	[sflag:s18] =	ssyncset.done $0x0  }
0xb5: {  	[sflag:s18] =	ssyncadd.s32 $0xFFFFD800  }
0xb6: {  	[spmem:s3] =	stream.indirect.scatter.add.f32 [tilespmem:s14], [sflag:$0x5], $0x80, s7, s12, $0xb8;
	[tilespmem:$0x1D800] =	vst v63  }
0xb7: {  	_ =	swait.ge [sflag:s19], $0x2800  }
0xb8: {  	s8 =	sld [smem:$0x7F4]  }
0xb9: {  	[sflag:s19] =	ssyncset.done $0x0  }
0xba: {  	[sflag:s19] =	ssyncadd.s32 $0xFFFFD800  }
0xbb: {  	[tilespmem:s14], [sflag:$0x2] =	stream.indirect.gather [hbm4b:s2+s12], $0x80, s8, s12, $0xb8;
	[tilespmem:$0x1D800] =	vst v63  }
0xbc: {  	_ =	swait.ge [sflag:s20], $0x2800  }
0xbd: {  	s9 =	sld [smem:$0x7F5]  }
0xbe: {  	[sflag:s20] =	ssyncset.done $0x0  }
0xbf: {  	[sflag:s20] =	ssyncadd.s32 $0xFFFFD800  }
0xc0: {  	[spmem:s3] =	stream.indirect.scatter.add.f32 [tilespmem:s15], [sflag:$0x6], $0x80, s9, s12, $0xb8;
	[tilespmem:$0x1D800] =	vst v63  }
0xc1: {  	_ =	swait.ge [sflag:s21], $0x2800  }
0xc2: {  	s7 =	sld [smem:$0x7F6]  }
0xc3: {  	[sflag:s21] =	ssyncset.done $0x0  }
0xc4: {  	[sflag:s21] =	ssyncadd.s32 $0xFFFFD800  }
0xc5: {  	[tilespmem:s15], [sflag:$0x3] =	stream.indirect.gather [hbm4b:s2+s12], $0x80, s7, s12, $0xb8;
	[tilespmem:$0x1D800] =	vst v63  }
0xc6: {  	_ =	swait.ge [sflag:s16], $0x2800  }
0xc7: {  	s8 =	sld [smem:$0x7F7]  }
0xc8: {  	[sflag:s16] =	ssyncset.done $0x0  }
0xc9: {  	[sflag:s16] =	ssyncadd.s32 $0xFFFFD800  }
0xca: {  	[spmem:s3] =	stream.indirect.scatter.add.f32 [tilespmem:s13], [sflag:$0x4], $0x80, s8, s12, $0xb8;
	[tilespmem:$0x1D800] =	vst v63  }
0xcb: {  	_ =	swait.ge [sflag:s17], $0x2800  }
0xcc: {  	s9 =	sld [smem:$0x7F8]  }
0xcd: {  	[sflag:s17] =	ssyncset.done $0x0  }
0xce: {  	[sflag:s17] =	ssyncadd.s32 $0xFFFFD800  }
0xcf: {  	[tilespmem:s13], [sflag:$0x1] =	stream.indirect.gather [hbm4b:s2+s12], $0x80, s9, s12, $0xb8;
	[tilespmem:$0x1D800] =	vst v63  }
0xd0: {  	_ =	swait.ge [sflag:s18], $0x2800  }
0xd1: {  	s7 =	sld [smem:$0x7F9]  }
0xd2: {  	[sflag:s18] =	ssyncset.done $0x0  }
0xd3: {  	[sflag:s18] =	ssyncadd.s32 $0xFFFFD800  }
0xd4: {  	[spmem:s3] =	stream.indirect.scatter.add.f32 [tilespmem:s14], [sflag:$0x5], $0x80, s7, s12, $0xb8;
	[tilespmem:$0x1D800] =	vst v63  }
0xd5: {  	_ =	swait.ge [sflag:s19], $0x2800  }
0xd6: {  	s8 =	sld [smem:$0x7FA]  }
0xd7: {  	[sflag:s19] =	ssyncset.done $0x0  }
0xd8: {  	[sflag:s19] =	ssyncadd.s32 $0xFFFFD800  }
0xd9: {  	[tilespmem:s14], [sflag:$0x2] =	stream.indirect.gather [hbm4b:s2+s12], $0x80, s8, s12, $0xb8;
	[tilespmem:$0x1D800] =	vst v63  }
0xda: {  	_ =	swait.ge [sflag:s20], $0x2800  }
0xdb: {  	s9 =	sld [smem:$0x7FB]  }
0xdc: {  	[sflag:s20] =	ssyncset.done $0x0  }
0xdd: {  	[sflag:s20] =	ssyncadd.s32 $0xFFFFD800  }
0xde: {  	[spmem:s3] =	stream.indirect.scatter.add.f32 [tilespmem:s15], [sflag:$0x6], $0x80, s9, s12, $0xb8;
	[tilespmem:$0x1D800] =	vst v63  }
0xdf: {  	_ =	swait.ge [sflag:s21], $0x2800  }
0xe0: {  	[sflag:s21] =	ssyncset.done $0x0  }
0xe1: {  	[sflag:s21] =	ssyncadd.s32 $0xFFFFD800  }
0xe2: {  	[tilespmem:s15], [sflag:$0x3] =	stream.indirect.gather [hbm4b:s2+s12], $0x80, s22, s12, $0xb8;
	[tilespmem:$0x1D800] =	vst v63  }
0xe3: {  	_ =	swait.ge [sflag:s16], $0x2800  }
0xe4: {  	[sflag:s16] =	ssyncset.done $0x0  }
0xe5: {  	[sflag:s16] =	ssyncadd.s32 $0xFFFFD800  }
0xe6: {  	[spmem:s3] =	stream.indirect.scatter.add.f32 [tilespmem:s13], [sflag:$0x4], $0x80, s23, s12, $0xb8;
	[tilespmem:$0x1D800] =	vst v63  }
0xe7: {  	_ =	swait.ge [sflag:s17], $0x2800  }
0xe8: {  	[sflag:s17] =	ssyncset.done $0x0  }
0xe9: {  	[sflag:s17] =	ssyncadd.s32 $0xFFFFD800  }
0xea: {  	[tilespmem:s13], [sflag:$0x1] =	stream.indirect.gather [hbm4b:s2+s12], $0x80, s24, s12, $0xb8;
	[tilespmem:$0x1D800] =	vst v63  }
0xeb: {  	_ =	swait.ge [sflag:s18], $0x2800  }
0xec: {  	[sflag:s18] =	ssyncset.done $0x0  }
0xed: {  	[sflag:s18] =	ssyncadd.s32 $0xFFFFD800  }
0xee: {  	[spmem:s3] =	stream.indirect.scatter.add.f32 [tilespmem:s14], [sflag:$0x5], $0x80, s25, s12, $0xb8;
	[tilespmem:$0x1D800] =	vst v63  }
0xef: {  	_ =	swait.ge [sflag:s19], $0x2800  }
0xf0: {  	[sflag:s19] =	ssyncset.done $0x0  }
0xf1: {  	[sflag:s19] =	ssyncadd.s32 $0xFFFFD800  }
0xf2: {  	[tilespmem:s14], [sflag:$0x2] =	stream.indirect.gather [hbm4b:s2+s12], $0x80, s26, s12, $0xb8;
	[tilespmem:$0x1D800] =	vst v63  }
0xf3: {  	_ =	swait.ge [sflag:s20], $0x2800  }
0xf4: {  	[sflag:s20] =	ssyncset.done $0x0  }
0xf5: {  	[sflag:s20] =	ssyncadd.s32 $0xFFFFD800  }
0xf6: {  	[spmem:s3] =	stream.indirect.scatter.add.f32 [tilespmem:s15], [sflag:$0x6], $0x80, s28, s12, $0xb8;
	[tilespmem:$0x1D800] =	vst v63  }
0xf7: {  	_ =	swait.ge [sflag:s21], $0x2800  }
0xf8: {  	[sflag:s21] =	ssyncset.done $0x0  }
0xf9: {  	[sflag:s21] =	ssyncadd.s32 $0xFFFFD800  }
0xfa: {  	[tilespmem:s15], [sflag:$0x3] =	stream.indirect.gather [hbm4b:s2+s12], $0x80, s29, s12, $0xb8;
	[tilespmem:$0x1D800] =	vst v63  }
0xfb: {  	_ =	swait.ge [sflag:s16], $0x2800  }
0xfc: {  	[sflag:s16] =	ssyncset.done $0x0  }
0xfd: {  	[sflag:s16] =	ssyncadd.s32 $0xFFFFD800  }
0xfe: {  	[spmem:s3] =	stream.indirect.scatter.add.f32 [tilespmem:s13], [sflag:$0x4], $0x80, s30, s12, $0xb8;
	[tilespmem:$0x1D800] =	vst v63  }
0xff: {  	_ =	swait.ge [sflag:s17], $0x2800  }
0x100: {  	[sflag:s17] =	ssyncset.done $0x0  }
0x101: {  	[sflag:s17] =	ssyncadd.s32 $0xFFFFD800  }
0x102: {  	[tilespmem:s13], [sflag:$0x1] =	stream.indirect.gather [hbm4b:s2+s12], $0x80, s31, s12, $0xb8;
	[tilespmem:$0x1D800] =	vst v63  }
0x103: {  	_ =	swait.ge [sflag:s18], $0x2800  }
0x104: {  	[sflag:s18] =	ssyncset.done $0x0  }
0x105: {  	[sflag:s18] =	ssyncadd.s32 $0xFFFFD800  }
0x106: {  	[spmem:s3] =	stream.indirect.scatter.add.f32 [tilespmem:s14], [sflag:$0x5], $0x80, s1, s12, $0xb8;
	[tilespmem:$0x1D800] =	vst v63  }
0x107: {  	_ =	swait.ge [sflag:s19], $0x2800  }
0x108: {  	[sflag:s19] =	ssyncset.done $0x0  }
0x109: {  	[sflag:s19] =	ssyncadd.s32 $0xFFFFD800  }
0x10a: {  	_ =	swait.ge [sflag:s20], $0x2800  }
0x10b: {  	[sflag:s20] =	ssyncset.done $0x0  }
0x10c: {  	[sflag:s20] =	ssyncadd.s32 $0xFFFFD800  }
0x10d: {  	[spmem:s3] =	stream.indirect.scatter.add.f32 [tilespmem:s15], [sflag:$0x6], $0x80, s0, s12, $0xb8;
	[tilespmem:$0x1D800] =	vst v63  }
0x10e: {  	_ =	swait.ge [sflag:s21], $0x2800  }
0x10f: {  	[sflag:s21] =	ssyncset.done $0x0  }
0x110: {  	[sflag:s21] =	ssyncadd.s32 $0xFFFFD800  }
0x111: {  	_ =	swait.ge [sflag:s16], $0x2800  }
0x112: {  	[sflag:s16] =	ssyncset.done $0x0  }
0x113: {  	[sflag:s16] =	ssyncadd.s32 $0xFFFFD800  }
0x114: {  	[spmem:s3] =	stream.indirect.scatter.add.f32 [tilespmem:s13], [sflag:$0x4], $0x80, s5, s12, $0xb8;
	[tilespmem:$0x1D800] =	vst v63  }
0x115: {  	s6 =	simm.s32 $0x400;
	_ =	swait.ge [sflag:s17], $0x2800  }
0x116: {  	s8 =	simm.s32 $0x200;
	s9 =	rddreg [dreg:$0x5];
	[sflag:s17] =	ssyncset.done $0x0  }
.LBB2_2:
0x117: {  	[sflag:s17] =	ssyncadd.s32 $0xFFFFD800;
	s9 =	sadd.s32 s8, s9  }
0x118: {  	[tilespmem:s4], [sflag:$0x7] =	stream.linear.gather [hbm4b:s9+s4], $0xC80, $0x38;
	[tilespmem:$0x1D800] =	vst v63  }
0x119: {  	_ =	swait.ge [sflag:s10], $0xC80  }
0x11a: {  	s9 =	rddreg [dreg:$0x4];
	[sflag:s10] =	ssyncset.done $0x0  }
0x11b: {  	[sflag:s10] =	ssyncadd.s32 $0xFFFFF380;
	s9 =	sadd.s32 s8, s9  }
0x11c: {  	[tilespmem:s11], [sflag:$0x7] =	stream.linear.gather [hbm4b:s9+s4], $0xC80, $0x38;
	[tilespmem:$0x1D800] =	vst v63  }
0x11d: {  	_ =	swait.ge [sflag:s10], $0xC80  }
0x11e: {  	[sflag:s10] =	ssyncset.done $0x0  }
0x11f: {  	s7 =	smov.u32 s6;
	[sflag:s10] =	ssyncadd.s32 $0xFFFFF380  }
0x120: {  	[tilespmem:s13], [sflag:$0x1] =	stream.indirect.gather [hbm4b:s2+s12], $0x80, s4, s12, $0xb8;
	[tilespmem:$0x1D800] =	vst v63  }
0x121: {  	s8 =	smov.u32 s7;
	s7 =	rddreg [dreg:$0x6]  }
0x122: {  	[tilespmem:s14], [sflag:$0x2] =	stream.indirect.gather [hbm4b:s2+s12], $0x80, s7, s12, $0xb8;
	[tilespmem:$0x1D800] =	vst v63  }
0x123: {  	s9 =	rddreg [dreg:$0x7]  }
0x124: {  	[tilespmem:s15], [sflag:$0x3] =	stream.indirect.gather [hbm4b:s2+s12], $0x80, s9, s12, $0xb8;
	[tilespmem:$0x1D800] =	vst v63  }
0x125: {  	_ =	swait.ge [sflag:s16], $0x2800  }
0x126: {  	[sflag:s16] =	ssyncset.done $0x0  }
0x127: {  	[sflag:s16] =	ssyncadd.s32 $0xFFFFD800  }
0x128: {  	[spmem:s3] =	stream.indirect.scatter.add.f32 [tilespmem:s13], [sflag:$0x4], $0x80, s11, s12, $0xb8;
	[tilespmem:$0x1D800] =	vst v63  }
0x129: {  	_ =	swait.ge [sflag:s17], $0x2800  }
0x12a: {  	[sflag:s17] =	ssyncset.done $0x0  }
0x12b: {  	s9 =	rddreg [dreg:$0x8];
	[sflag:s17] =	ssyncadd.s32 $0xFFFFD800  }
0x12c: {  	[tilespmem:s13], [sflag:$0x1] =	stream.indirect.gather [hbm4b:s2+s12], $0x80, s9, s12, $0xb8;
	[tilespmem:$0x1D800] =	vst v63  }
0x12d: {  	_ =	swait.ge [sflag:s18], $0x2800  }
0x12e: {  	[sflag:s18] =	ssyncset.done $0x0  }
0x12f: {  	s9 =	rddreg [dreg:$0x9];
	[sflag:s18] =	ssyncadd.s32 $0xFFFFD800  }
0x130: {  	[spmem:s3] =	stream.indirect.scatter.add.f32 [tilespmem:s14], [sflag:$0x5], $0x80, s9, s12, $0xb8;
	[tilespmem:$0x1D800] =	vst v63  }
0x131: {  	_ =	swait.ge [sflag:s19], $0x2800  }
0x132: {  	[sflag:s19] =	ssyncset.done $0x0  }
0x133: {  	s9 =	rddreg [dreg:$0xa];
	[sflag:s19] =	ssyncadd.s32 $0xFFFFD800  }
0x134: {  	[tilespmem:s14], [sflag:$0x2] =	stream.indirect.gather [hbm4b:s2+s12], $0x80, s9, s12, $0xb8;
	[tilespmem:$0x1D800] =	vst v63  }
0x135: {  	_ =	swait.ge [sflag:s20], $0x2800  }
0x136: {  	[sflag:s20] =	ssyncset.done $0x0  }
0x137: {  	s9 =	rddreg [dreg:$0xb];
	[sflag:s20] =	ssyncadd.s32 $0xFFFFD800  }
0x138: {  	[spmem:s3] =	stream.indirect.scatter.add.f32 [tilespmem:s15], [sflag:$0x6], $0x80, s9, s12, $0xb8;
	[tilespmem:$0x1D800] =	vst v63  }
0x139: {  	_ =	swait.ge [sflag:s21], $0x2800  }
0x13a: {  	[sflag:s21] =	ssyncset.done $0x0  }
0x13b: {  	s9 =	rddreg [dreg:$0xc];
	[sflag:s21] =	ssyncadd.s32 $0xFFFFD800  }
0x13c: {  	[tilespmem:s15], [sflag:$0x3] =	stream.indirect.gather [hbm4b:s2+s12], $0x80, s9, s12, $0xb8;
	[tilespmem:$0x1D800] =	vst v63  }
0x13d: {  	_ =	swait.ge [sflag:s16], $0x2800  }
0x13e: {  	[sflag:s16] =	ssyncset.done $0x0  }
0x13f: {  	s9 =	rddreg [dreg:$0xd];
	[sflag:s16] =	ssyncadd.s32 $0xFFFFD800  }
0x140: {  	[spmem:s3] =	stream.indirect.scatter.add.f32 [tilespmem:s13], [sflag:$0x4], $0x80, s9, s12, $0xb8;
	[tilespmem:$0x1D800] =	vst v63  }
0x141: {  	_ =	swait.ge [sflag:s17], $0x2800  }
0x142: {  	[sflag:s17] =	ssyncset.done $0x0  }
0x143: {  	s9 =	rddreg [dreg:$0xe];
	[sflag:s17] =	ssyncadd.s32 $0xFFFFD800  }
0x144: {  	[tilespmem:s13], [sflag:$0x1] =	stream.indirect.gather [hbm4b:s2+s12], $0x80, s9, s12, $0xb8;
	[tilespmem:$0x1D800] =	vst v63  }
0x145: {  	_ =	swait.ge [sflag:s18], $0x2800  }
0x146: {  	[sflag:s18] =	ssyncset.done $0x0  }
0x147: {  	s9 =	rddreg [dreg:$0xf];
	[sflag:s18] =	ssyncadd.s32 $0xFFFFD800  }
0x148: {  	[spmem:s3] =	stream.indirect.scatter.add.f32 [tilespmem:s14], [sflag:$0x5], $0x80, s9, s12, $0xb8;
	[tilespmem:$0x1D800] =	vst v63  }
0x149: {  	_ =	swait.ge [sflag:s19], $0x2800  }
0x14a: {  	[sflag:s19] =	ssyncset.done $0x0  }
0x14b: {  	s9 =	rddreg [dreg:$0x10];
	[sflag:s19] =	ssyncadd.s32 $0xFFFFD800  }
0x14c: {  	[tilespmem:s14], [sflag:$0x2] =	stream.indirect.gather [hbm4b:s2+s12], $0x80, s9, s12, $0xb8;
	[tilespmem:$0x1D800] =	vst v63  }
0x14d: {  	_ =	swait.ge [sflag:s20], $0x2800  }
0x14e: {  	[sflag:s20] =	ssyncset.done $0x0  }
0x14f: {  	s9 =	rddreg [dreg:$0x11];
	[sflag:s20] =	ssyncadd.s32 $0xFFFFD800  }
0x150: {  	[spmem:s3] =	stream.indirect.scatter.add.f32 [tilespmem:s15], [sflag:$0x6], $0x80, s9, s12, $0xb8;
	[tilespmem:$0x1D800] =	vst v63  }
0x151: {  	_ =	swait.ge [sflag:s21], $0x2800  }
0x152: {  	[sflag:s21] =	ssyncset.done $0x0  }
0x153: {  	s9 =	rddreg [dreg:$0x12];
	[sflag:s21] =	ssyncadd.s32 $0xFFFFD800  }
0x154: {  	[tilespmem:s15], [sflag:$0x3] =	stream.indirect.gather [hbm4b:s2+s12], $0x80, s9, s12, $0xb8;
	[tilespmem:$0x1D800] =	vst v63  }
0x155: {  	_ =	swait.ge [sflag:s16], $0x2800  }
0x156: {  	[sflag:s16] =	ssyncset.done $0x0  }
0x157: {  	s9 =	rddreg [dreg:$0x13];
	[sflag:s16] =	ssyncadd.s32 $0xFFFFD800  }
0x158: {  	[spmem:s3] =	stream.indirect.scatter.add.f32 [tilespmem:s13], [sflag:$0x4], $0x80, s9, s12, $0xb8;
	[tilespmem:$0x1D800] =	vst v63  }
0x159: {  	_ =	swait.ge [sflag:s17], $0x2800  }
0x15a: {  	[sflag:s17] =	ssyncset.done $0x0  }
0x15b: {  	s9 =	rddreg [dreg:$0x14];
	[sflag:s17] =	ssyncadd.s32 $0xFFFFD800  }
0x15c: {  	[tilespmem:s13], [sflag:$0x1] =	stream.indirect.gather [hbm4b:s2+s12], $0x80, s9, s12, $0xb8;
	[tilespmem:$0x1D800] =	vst v63  }
0x15d: {  	_ =	swait.ge [sflag:s18], $0x2800  }
0x15e: {  	[sflag:s18] =	ssyncset.done $0x0  }
0x15f: {  	s9 =	rddreg [dreg:$0x15];
	[sflag:s18] =	ssyncadd.s32 $0xFFFFD800  }
0x160: {  	[spmem:s3] =	stream.indirect.scatter.add.f32 [tilespmem:s14], [sflag:$0x5], $0x80, s9, s12, $0xb8;
	[tilespmem:$0x1D800] =	vst v63  }
0x161: {  	_ =	swait.ge [sflag:s19], $0x2800  }
0x162: {  	[sflag:s19] =	ssyncset.done $0x0  }
0x163: {  	s9 =	rddreg [dreg:$0x16];
	[sflag:s19] =	ssyncadd.s32 $0xFFFFD800  }
0x164: {  	[tilespmem:s14], [sflag:$0x2] =	stream.indirect.gather [hbm4b:s2+s12], $0x80, s9, s12, $0xb8;
	[tilespmem:$0x1D800] =	vst v63  }
0x165: {  	_ =	swait.ge [sflag:s20], $0x2800  }
0x166: {  	[sflag:s20] =	ssyncset.done $0x0  }
0x167: {  	s9 =	rddreg [dreg:$0x17];
	[sflag:s20] =	ssyncadd.s32 $0xFFFFD800  }
0x168: {  	[spmem:s3] =	stream.indirect.scatter.add.f32 [tilespmem:s15], [sflag:$0x6], $0x80, s9, s12, $0xb8;
	[tilespmem:$0x1D800] =	vst v63  }
0x169: {  	_ =	swait.ge [sflag:s21], $0x2800  }
0x16a: {  	[sflag:s21] =	ssyncset.done $0x0  }
0x16b: {  	s9 =	rddreg [dreg:$0x18];
	[sflag:s21] =	ssyncadd.s32 $0xFFFFD800  }
0x16c: {  	[tilespmem:s15], [sflag:$0x3] =	stream.indirect.gather [hbm4b:s2+s12], $0x80, s9, s12, $0xb8;
	[tilespmem:$0x1D800] =	vst v63  }
0x16d: {  	_ =	swait.ge [sflag:s16], $0x2800  }
0x16e: {  	[sflag:s16] =	ssyncset.done $0x0  }
0x16f: {  	s9 =	rddreg [dreg:$0x19];
	[sflag:s16] =	ssyncadd.s32 $0xFFFFD800  }
0x170: {  	[spmem:s3] =	stream.indirect.scatter.add.f32 [tilespmem:s13], [sflag:$0x4], $0x80, s9, s12, $0xb8;
	[tilespmem:$0x1D800] =	vst v63  }
0x171: {  	_ =	swait.ge [sflag:s17], $0x2800  }
0x172: {  	[sflag:s17] =	ssyncset.done $0x0  }
0x173: {  	s9 =	rddreg [dreg:$0x1a];
	[sflag:s17] =	ssyncadd.s32 $0xFFFFD800  }
0x174: {  	[tilespmem:s13], [sflag:$0x1] =	stream.indirect.gather [hbm4b:s2+s12], $0x80, s9, s12, $0xb8;
	[tilespmem:$0x1D800] =	vst v63  }
0x175: {  	_ =	swait.ge [sflag:s18], $0x2800  }
0x176: {  	[sflag:s18] =	ssyncset.done $0x0  }
0x177: {  	s9 =	rddreg [dreg:$0x1b];
	[sflag:s18] =	ssyncadd.s32 $0xFFFFD800  }
0x178: {  	[spmem:s3] =	stream.indirect.scatter.add.f32 [tilespmem:s14], [sflag:$0x5], $0x80, s9, s12, $0xb8;
	[tilespmem:$0x1D800] =	vst v63  }
0x179: {  	_ =	swait.ge [sflag:s19], $0x2800  }
0x17a: {  	[sflag:s19] =	ssyncset.done $0x0  }
0x17b: {  	s9 =	rddreg [dreg:$0x1c];
	[sflag:s19] =	ssyncadd.s32 $0xFFFFD800  }
0x17c: {  	[tilespmem:s14], [sflag:$0x2] =	stream.indirect.gather [hbm4b:s2+s12], $0x80, s9, s12, $0xb8;
	[tilespmem:$0x1D800] =	vst v63  }
0x17d: {  	_ =	swait.ge [sflag:s20], $0x2800  }
0x17e: {  	[sflag:s20] =	ssyncset.done $0x0  }
0x17f: {  	s9 =	rddreg [dreg:$0x1d];
	[sflag:s20] =	ssyncadd.s32 $0xFFFFD800  }
0x180: {  	[spmem:s3] =	stream.indirect.scatter.add.f32 [tilespmem:s15], [sflag:$0x6], $0x80, s9, s12, $0xb8;
	[tilespmem:$0x1D800] =	vst v63  }
0x181: {  	_ =	swait.ge [sflag:s21], $0x2800  }
0x182: {  	[sflag:s21] =	ssyncset.done $0x0  }
0x183: {  	s9 =	rddreg [dreg:$0x1e];
	[sflag:s21] =	ssyncadd.s32 $0xFFFFD800  }
0x184: {  	[tilespmem:s15], [sflag:$0x3] =	stream.indirect.gather [hbm4b:s2+s12], $0x80, s9, s12, $0xb8;
	[tilespmem:$0x1D800] =	vst v63  }
0x185: {  	_ =	swait.ge [sflag:s16], $0x2800  }
0x186: {  	[sflag:s16] =	ssyncset.done $0x0  }
0x187: {  	s9 =	rddreg [dreg:$0x1f];
	[sflag:s16] =	ssyncadd.s32 $0xFFFFD800  }
0x188: {  	[spmem:s3] =	stream.indirect.scatter.add.f32 [tilespmem:s13], [sflag:$0x4], $0x80, s9, s12, $0xb8;
	[tilespmem:$0x1D800] =	vst v63  }
0x189: {  	_ =	swait.ge [sflag:s17], $0x2800  }
0x18a: {  	s9 =	sld [smem:$0x7F2]  }
0x18b: {  	[sflag:s17] =	ssyncset.done $0x0  }
0x18c: {  	[sflag:s17] =	ssyncadd.s32 $0xFFFFD800  }
0x18d: {  	[tilespmem:s13], [sflag:$0x1] =	stream.indirect.gather [hbm4b:s2+s12], $0x80, s9, s12, $0xb8;
	[tilespmem:$0x1D800] =	vst v63  }
0x18e: {  	_ =	swait.ge [sflag:s18], $0x2800  }
0x18f: {  	s9 =	sld [smem:$0x7F3]  }
0x190: {  	[sflag:s18] =	ssyncset.done $0x0  }
0x191: {  	[sflag:s18] =	ssyncadd.s32 $0xFFFFD800  }
0x192: {  	[spmem:s3] =	stream.indirect.scatter.add.f32 [tilespmem:s14], [sflag:$0x5], $0x80, s9, s12, $0xb8;
	[tilespmem:$0x1D800] =	vst v63  }
0x193: {  	_ =	swait.ge [sflag:s19], $0x2800  }
0x194: {  	s9 =	sld [smem:$0x7F4]  }
0x195: {  	[sflag:s19] =	ssyncset.done $0x0  }
0x196: {  	[sflag:s19] =	ssyncadd.s32 $0xFFFFD800  }
0x197: {  	[tilespmem:s14], [sflag:$0x2] =	stream.indirect.gather [hbm4b:s2+s12], $0x80, s9, s12, $0xb8;
	[tilespmem:$0x1D800] =	vst v63  }
0x198: {  	_ =	swait.ge [sflag:s20], $0x2800  }
0x199: {  	s9 =	sld [smem:$0x7F5]  }
0x19a: {  	[sflag:s20] =	ssyncset.done $0x0  }
0x19b: {  	[sflag:s20] =	ssyncadd.s32 $0xFFFFD800  }
0x19c: {  	[spmem:s3] =	stream.indirect.scatter.add.f32 [tilespmem:s15], [sflag:$0x6], $0x80, s9, s12, $0xb8;
	[tilespmem:$0x1D800] =	vst v63  }
0x19d: {  	_ =	swait.ge [sflag:s21], $0x2800  }
0x19e: {  	s9 =	sld [smem:$0x7F6]  }
0x19f: {  	[sflag:s21] =	ssyncset.done $0x0  }
0x1a0: {  	[sflag:s21] =	ssyncadd.s32 $0xFFFFD800  }
0x1a1: {  	[tilespmem:s15], [sflag:$0x3] =	stream.indirect.gather [hbm4b:s2+s12], $0x80, s9, s12, $0xb8;
	[tilespmem:$0x1D800] =	vst v63  }
0x1a2: {  	_ =	swait.ge [sflag:s16], $0x2800  }
0x1a3: {  	s9 =	sld [smem:$0x7F7]  }
0x1a4: {  	[sflag:s16] =	ssyncset.done $0x0  }
0x1a5: {  	[sflag:s16] =	ssyncadd.s32 $0xFFFFD800  }
0x1a6: {  	[spmem:s3] =	stream.indirect.scatter.add.f32 [tilespmem:s13], [sflag:$0x4], $0x80, s9, s12, $0xb8;
	[tilespmem:$0x1D800] =	vst v63  }
0x1a7: {  	_ =	swait.ge [sflag:s17], $0x2800  }
0x1a8: {  	s9 =	sld [smem:$0x7F8]  }
0x1a9: {  	[sflag:s17] =	ssyncset.done $0x0  }
0x1aa: {  	[sflag:s17] =	ssyncadd.s32 $0xFFFFD800  }
0x1ab: {  	[tilespmem:s13], [sflag:$0x1] =	stream.indirect.gather [hbm4b:s2+s12], $0x80, s9, s12, $0xb8;
	[tilespmem:$0x1D800] =	vst v63  }
0x1ac: {  	_ =	swait.ge [sflag:s18], $0x2800  }
0x1ad: {  	s9 =	sld [smem:$0x7F9]  }
0x1ae: {  	[sflag:s18] =	ssyncset.done $0x0  }
0x1af: {  	[sflag:s18] =	ssyncadd.s32 $0xFFFFD800  }
0x1b0: {  	[spmem:s3] =	stream.indirect.scatter.add.f32 [tilespmem:s14], [sflag:$0x5], $0x80, s9, s12, $0xb8;
	[tilespmem:$0x1D800] =	vst v63  }
0x1b1: {  	_ =	swait.ge [sflag:s19], $0x2800  }
0x1b2: {  	s9 =	sld [smem:$0x7FA]  }
0x1b3: {  	[sflag:s19] =	ssyncset.done $0x0  }
0x1b4: {  	[sflag:s19] =	ssyncadd.s32 $0xFFFFD800  }
0x1b5: {  	[tilespmem:s14], [sflag:$0x2] =	stream.indirect.gather [hbm4b:s2+s12], $0x80, s9, s12, $0xb8;
	[tilespmem:$0x1D800] =	vst v63  }
0x1b6: {  	_ =	swait.ge [sflag:s20], $0x2800  }
0x1b7: {  	s9 =	sld [smem:$0x7FB]  }
0x1b8: {  	[sflag:s20] =	ssyncset.done $0x0  }
0x1b9: {  	[sflag:s20] =	ssyncadd.s32 $0xFFFFD800  }
0x1ba: {  	[spmem:s3] =	stream.indirect.scatter.add.f32 [tilespmem:s15], [sflag:$0x6], $0x80, s9, s12, $0xb8;
	[tilespmem:$0x1D800] =	vst v63  }
0x1bb: {  	_ =	swait.ge [sflag:s21], $0x2800  }
0x1bc: {  	[sflag:s21] =	ssyncset.done $0x0  }
0x1bd: {  	[sflag:s21] =	ssyncadd.s32 $0xFFFFD800  }
0x1be: {  	[tilespmem:s15], [sflag:$0x3] =	stream.indirect.gather [hbm4b:s2+s12], $0x80, s22, s12, $0xb8;
	[tilespmem:$0x1D800] =	vst v63  }
0x1bf: {  	_ =	swait.ge [sflag:s16], $0x2800  }
0x1c0: {  	[sflag:s16] =	ssyncset.done $0x0  }
0x1c1: {  	[sflag:s16] =	ssyncadd.s32 $0xFFFFD800  }
0x1c2: {  	[spmem:s3] =	stream.indirect.scatter.add.f32 [tilespmem:s13], [sflag:$0x4], $0x80, s23, s12, $0xb8;
	[tilespmem:$0x1D800] =	vst v63  }
0x1c3: {  	_ =	swait.ge [sflag:s17], $0x2800  }
0x1c4: {  	[sflag:s17] =	ssyncset.done $0x0  }
0x1c5: {  	[sflag:s17] =	ssyncadd.s32 $0xFFFFD800  }
0x1c6: {  	[tilespmem:s13], [sflag:$0x1] =	stream.indirect.gather [hbm4b:s2+s12], $0x80, s24, s12, $0xb8;
	[tilespmem:$0x1D800] =	vst v63  }
0x1c7: {  	_ =	swait.ge [sflag:s18], $0x2800  }
0x1c8: {  	[sflag:s18] =	ssyncset.done $0x0  }
0x1c9: {  	[sflag:s18] =	ssyncadd.s32 $0xFFFFD800  }
0x1ca: {  	[spmem:s3] =	stream.indirect.scatter.add.f32 [tilespmem:s14], [sflag:$0x5], $0x80, s25, s12, $0xb8;
	[tilespmem:$0x1D800] =	vst v63  }
0x1cb: {  	_ =	swait.ge [sflag:s19], $0x2800  }
0x1cc: {  	[sflag:s19] =	ssyncset.done $0x0  }
0x1cd: {  	[sflag:s19] =	ssyncadd.s32 $0xFFFFD800  }
0x1ce: {  	[tilespmem:s14], [sflag:$0x2] =	stream.indirect.gather [hbm4b:s2+s12], $0x80, s26, s12, $0xb8;
	[tilespmem:$0x1D800] =	vst v63  }
0x1cf: {  	_ =	swait.ge [sflag:s20], $0x2800  }
0x1d0: {  	[sflag:s20] =	ssyncset.done $0x0  }
0x1d1: {  	[sflag:s20] =	ssyncadd.s32 $0xFFFFD800  }
0x1d2: {  	[spmem:s3] =	stream.indirect.scatter.add.f32 [tilespmem:s15], [sflag:$0x6], $0x80, s28, s12, $0xb8;
	[tilespmem:$0x1D800] =	vst v63  }
0x1d3: {  	_ =	swait.ge [sflag:s21], $0x2800  }
0x1d4: {  	[sflag:s21] =	ssyncset.done $0x0  }
0x1d5: {  	[sflag:s21] =	ssyncadd.s32 $0xFFFFD800  }
0x1d6: {  	[tilespmem:s15], [sflag:$0x3] =	stream.indirect.gather [hbm4b:s2+s12], $0x80, s29, s12, $0xb8;
	[tilespmem:$0x1D800] =	vst v63  }
0x1d7: {  	_ =	swait.ge [sflag:s16], $0x2800  }
0x1d8: {  	[sflag:s16] =	ssyncset.done $0x0  }
0x1d9: {  	[sflag:s16] =	ssyncadd.s32 $0xFFFFD800  }
0x1da: {  	[spmem:s3] =	stream.indirect.scatter.add.f32 [tilespmem:s13], [sflag:$0x4], $0x80, s30, s12, $0xb8;
	[tilespmem:$0x1D800] =	vst v63  }
0x1db: {  	_ =	swait.ge [sflag:s17], $0x2800  }
0x1dc: {  	[sflag:s17] =	ssyncset.done $0x0  }
0x1dd: {  	[sflag:s17] =	ssyncadd.s32 $0xFFFFD800  }
0x1de: {  	[tilespmem:s13], [sflag:$0x1] =	stream.indirect.gather [hbm4b:s2+s12], $0x80, s31, s12, $0xb8;
	[tilespmem:$0x1D800] =	vst v63  }
0x1df: {  	_ =	swait.ge [sflag:s18], $0x2800  }
0x1e0: {  	[sflag:s18] =	ssyncset.done $0x0  }
0x1e1: {  	[sflag:s18] =	ssyncadd.s32 $0xFFFFD800  }
0x1e2: {  	[spmem:s3] =	stream.indirect.scatter.add.f32 [tilespmem:s14], [sflag:$0x5], $0x80, s1, s12, $0xb8;
	[tilespmem:$0x1D800] =	vst v63  }
0x1e3: {  	_ =	swait.ge [sflag:s19], $0x2800  }
0x1e4: {  	[sflag:s19] =	ssyncset.done $0x0  }
0x1e5: {  	[sflag:s19] =	ssyncadd.s32 $0xFFFFD800  }
0x1e6: {  	_ =	swait.ge [sflag:s20], $0x2800  }
0x1e7: {  	[sflag:s20] =	ssyncset.done $0x0  }
0x1e8: {  	[sflag:s20] =	ssyncadd.s32 $0xFFFFD800  }
0x1e9: {  	[spmem:s3] =	stream.indirect.scatter.add.f32 [tilespmem:s15], [sflag:$0x6], $0x80, s0, s12, $0xb8;
	[tilespmem:$0x1D800] =	vst v63  }
0x1ea: {  	_ =	swait.ge [sflag:s21], $0x2800  }
0x1eb: {  	[sflag:s21] =	ssyncset.done $0x0  }
0x1ec: {  	[sflag:s21] =	ssyncadd.s32 $0xFFFFD800  }
0x1ed: {  	p0 =	sne.s32 s6, $0x800;
	_ =	swait.ge [sflag:s16], $0x2800  }
.Ltmp0:
0x1ee: {  	[sflag:s16] =	ssyncset.done $0x0;
	(pc) =	sbr.rel @p0 .LBB2_2-.Ltmp0, $4  }
0x1ef: {  	[sflag:s16] =	ssyncadd.s32 $0xFFFFD800  }
0x1f0: {  	[spmem:s3] =	stream.indirect.scatter.add.f32 [tilespmem:s13], [sflag:$0x4], $0x80, s5, s12, $0xb8;
	[tilespmem:$0x1D800] =	vst v63  }
0x1f1: {  	_ =	swait.ge [sflag:s17], $0x2800  }
0x1f2: {  	s6 =	sadd.s32 $0x200, s6;
	s9 =	rddreg [dreg:$0x5];
	[sflag:s17] =	ssyncset.done $0x0  }
0x1f3: {  	[sflag:s17] =	ssyncadd.s32 $0xFFFFD800;
	s6 =	sadd.s32 s8, s9  }
0x1f4: {  	[tilespmem:s4], [sflag:$0x7] =	stream.linear.gather [hbm4b:s6+s4], $0xC80, $0x38;
	[tilespmem:$0x1D800] =	vst v63  }
0x1f5: {  	_ =	swait.ge [sflag:s10], $0xC80  }
0x1f6: {  	s7 =	rddreg [dreg:$0x4];
	[sflag:s10] =	ssyncset.done $0x0  }
0x1f7: {  	[sflag:s10] =	ssyncadd.s32 $0xFFFFF380;
	s6 =	sadd.s32 s8, s7  }
0x1f8: {  	[tilespmem:s11], [sflag:$0x7] =	stream.linear.gather [hbm4b:s6+s4], $0xC80, $0x38;
	[tilespmem:$0x1D800] =	vst v63  }
0x1f9: {  	_ =	swait.ge [sflag:s10], $0xC80  }
0x1fa: {  	[sflag:s10] =	ssyncset.done $0x0  }
0x1fb: {  	[sflag:s10] =	ssyncadd.s32 $0xFFFFF380  }
0x1fc: {  	[tilespmem:s13], [sflag:$0x1] =	stream.indirect.gather [hbm4b:s2+s12], $0x80, s4, s12, $0xb8;
	[tilespmem:$0x1D800] =	vst v63  }
0x1fd: {  	s9 =	rddreg [dreg:$0x6]  }
0x1fe: {  	[tilespmem:s14], [sflag:$0x2] =	stream.indirect.gather [hbm4b:s2+s12], $0x80, s9, s12, $0xb8;
	[tilespmem:$0x1D800] =	vst v63  }
0x1ff: {  	s7 =	rddreg [dreg:$0x7]  }
0x200: {  	[tilespmem:s15], [sflag:$0x3] =	stream.indirect.gather [hbm4b:s2+s12], $0x80, s7, s12, $0xb8;
	[tilespmem:$0x1D800] =	vst v63  }
0x201: {  	_ =	swait.ge [sflag:s16], $0x2800  }
0x202: {  	[sflag:s16] =	ssyncset.done $0x0  }
0x203: {  	[sflag:s16] =	ssyncadd.s32 $0xFFFFD800  }
0x204: {  	[spmem:s3] =	stream.indirect.scatter.add.f32 [tilespmem:s13], [sflag:$0x4], $0x80, s11, s12, $0xb8;
	[tilespmem:$0x1D800] =	vst v63  }
0x205: {  	_ =	swait.ge [sflag:s17], $0x2800  }
0x206: {  	[sflag:s17] =	ssyncset.done $0x0  }
0x207: {  	s8 =	rddreg [dreg:$0x8];
	[sflag:s17] =	ssyncadd.s32 $0xFFFFD800  }
0x208: {  	[tilespmem:s13], [sflag:$0x1] =	stream.indirect.gather [hbm4b:s2+s12], $0x80, s8, s12, $0xb8;
	[tilespmem:$0x1D800] =	vst v63  }
0x209: {  	_ =	swait.ge [sflag:s18], $0x2800  }
0x20a: {  	[sflag:s18] =	ssyncset.done $0x0  }
0x20b: {  	s9 =	rddreg [dreg:$0x9];
	[sflag:s18] =	ssyncadd.s32 $0xFFFFD800  }
0x20c: {  	[spmem:s3] =	stream.indirect.scatter.add.f32 [tilespmem:s14], [sflag:$0x5], $0x80, s9, s12, $0xb8;
	[tilespmem:$0x1D800] =	vst v63  }
0x20d: {  	_ =	swait.ge [sflag:s19], $0x2800  }
0x20e: {  	[sflag:s19] =	ssyncset.done $0x0  }
0x20f: {  	s7 =	rddreg [dreg:$0xa];
	[sflag:s19] =	ssyncadd.s32 $0xFFFFD800  }
0x210: {  	[tilespmem:s14], [sflag:$0x2] =	stream.indirect.gather [hbm4b:s2+s12], $0x80, s7, s12, $0xb8;
	[tilespmem:$0x1D800] =	vst v63  }
0x211: {  	_ =	swait.ge [sflag:s20], $0x2800  }
0x212: {  	[sflag:s20] =	ssyncset.done $0x0  }
0x213: {  	s8 =	rddreg [dreg:$0xb];
	[sflag:s20] =	ssyncadd.s32 $0xFFFFD800  }
0x214: {  	[spmem:s3] =	stream.indirect.scatter.add.f32 [tilespmem:s15], [sflag:$0x6], $0x80, s8, s12, $0xb8;
	[tilespmem:$0x1D800] =	vst v63  }
0x215: {  	_ =	swait.ge [sflag:s21], $0x2800  }
0x216: {  	[sflag:s21] =	ssyncset.done $0x0  }
0x217: {  	s9 =	rddreg [dreg:$0xc];
	[sflag:s21] =	ssyncadd.s32 $0xFFFFD800  }
0x218: {  	[tilespmem:s15], [sflag:$0x3] =	stream.indirect.gather [hbm4b:s2+s12], $0x80, s9, s12, $0xb8;
	[tilespmem:$0x1D800] =	vst v63  }
0x219: {  	_ =	swait.ge [sflag:s16], $0x2800  }
0x21a: {  	[sflag:s16] =	ssyncset.done $0x0  }
0x21b: {  	s7 =	rddreg [dreg:$0xd];
	[sflag:s16] =	ssyncadd.s32 $0xFFFFD800  }
0x21c: {  	[spmem:s3] =	stream.indirect.scatter.add.f32 [tilespmem:s13], [sflag:$0x4], $0x80, s7, s12, $0xb8;
	[tilespmem:$0x1D800] =	vst v63  }
0x21d: {  	_ =	swait.ge [sflag:s17], $0x2800  }
0x21e: {  	[sflag:s17] =	ssyncset.done $0x0  }
0x21f: {  	s8 =	rddreg [dreg:$0xe];
	[sflag:s17] =	ssyncadd.s32 $0xFFFFD800  }
0x220: {  	[tilespmem:s13], [sflag:$0x1] =	stream.indirect.gather [hbm4b:s2+s12], $0x80, s8, s12, $0xb8;
	[tilespmem:$0x1D800] =	vst v63  }
0x221: {  	_ =	swait.ge [sflag:s18], $0x2800  }
0x222: {  	[sflag:s18] =	ssyncset.done $0x0  }
0x223: {  	s9 =	rddreg [dreg:$0xf];
	[sflag:s18] =	ssyncadd.s32 $0xFFFFD800  }
0x224: {  	[spmem:s3] =	stream.indirect.scatter.add.f32 [tilespmem:s14], [sflag:$0x5], $0x80, s9, s12, $0xb8;
	[tilespmem:$0x1D800] =	vst v63  }
0x225: {  	_ =	swait.ge [sflag:s19], $0x2800  }
0x226: {  	[sflag:s19] =	ssyncset.done $0x0  }
0x227: {  	s7 =	rddreg [dreg:$0x10];
	[sflag:s19] =	ssyncadd.s32 $0xFFFFD800  }
0x228: {  	[tilespmem:s14], [sflag:$0x2] =	stream.indirect.gather [hbm4b:s2+s12], $0x80, s7, s12, $0xb8;
	[tilespmem:$0x1D800] =	vst v63  }
0x229: {  	_ =	swait.ge [sflag:s20], $0x2800  }
0x22a: {  	[sflag:s20] =	ssyncset.done $0x0  }
0x22b: {  	s8 =	rddreg [dreg:$0x11];
	[sflag:s20] =	ssyncadd.s32 $0xFFFFD800  }
0x22c: {  	[spmem:s3] =	stream.indirect.scatter.add.f32 [tilespmem:s15], [sflag:$0x6], $0x80, s8, s12, $0xb8;
	[tilespmem:$0x1D800] =	vst v63  }
0x22d: {  	_ =	swait.ge [sflag:s21], $0x2800  }
0x22e: {  	[sflag:s21] =	ssyncset.done $0x0  }
0x22f: {  	s9 =	rddreg [dreg:$0x12];
	[sflag:s21] =	ssyncadd.s32 $0xFFFFD800  }
0x230: {  	[tilespmem:s15], [sflag:$0x3] =	stream.indirect.gather [hbm4b:s2+s12], $0x80, s9, s12, $0xb8;
	[tilespmem:$0x1D800] =	vst v63  }
0x231: {  	_ =	swait.ge [sflag:s16], $0x2800  }
0x232: {  	[sflag:s16] =	ssyncset.done $0x0  }
0x233: {  	s7 =	rddreg [dreg:$0x13];
	[sflag:s16] =	ssyncadd.s32 $0xFFFFD800  }
0x234: {  	[spmem:s3] =	stream.indirect.scatter.add.f32 [tilespmem:s13], [sflag:$0x4], $0x80, s7, s12, $0xb8;
	[tilespmem:$0x1D800] =	vst v63  }
0x235: {  	_ =	swait.ge [sflag:s17], $0x2800  }
0x236: {  	[sflag:s17] =	ssyncset.done $0x0  }
0x237: {  	s8 =	rddreg [dreg:$0x14];
	[sflag:s17] =	ssyncadd.s32 $0xFFFFD800  }
0x238: {  	[tilespmem:s13], [sflag:$0x1] =	stream.indirect.gather [hbm4b:s2+s12], $0x80, s8, s12, $0xb8;
	[tilespmem:$0x1D800] =	vst v63  }
0x239: {  	_ =	swait.ge [sflag:s18], $0x2800  }
0x23a: {  	[sflag:s18] =	ssyncset.done $0x0  }
0x23b: {  	s9 =	rddreg [dreg:$0x15];
	[sflag:s18] =	ssyncadd.s32 $0xFFFFD800  }
0x23c: {  	[spmem:s3] =	stream.indirect.scatter.add.f32 [tilespmem:s14], [sflag:$0x5], $0x80, s9, s12, $0xb8;
	[tilespmem:$0x1D800] =	vst v63  }
0x23d: {  	_ =	swait.ge [sflag:s19], $0x2800  }
0x23e: {  	[sflag:s19] =	ssyncset.done $0x0  }
0x23f: {  	s7 =	rddreg [dreg:$0x16];
	[sflag:s19] =	ssyncadd.s32 $0xFFFFD800  }
0x240: {  	[tilespmem:s14], [sflag:$0x2] =	stream.indirect.gather [hbm4b:s2+s12], $0x80, s7, s12, $0xb8;
	[tilespmem:$0x1D800] =	vst v63  }
0x241: {  	_ =	swait.ge [sflag:s20], $0x2800  }
0x242: {  	[sflag:s20] =	ssyncset.done $0x0  }
0x243: {  	s8 =	rddreg [dreg:$0x17];
	[sflag:s20] =	ssyncadd.s32 $0xFFFFD800  }
0x244: {  	[spmem:s3] =	stream.indirect.scatter.add.f32 [tilespmem:s15], [sflag:$0x6], $0x80, s8, s12, $0xb8;
	[tilespmem:$0x1D800] =	vst v63  }
0x245: {  	_ =	swait.ge [sflag:s21], $0x2800  }
0x246: {  	[sflag:s21] =	ssyncset.done $0x0  }
0x247: {  	s9 =	rddreg [dreg:$0x18];
	[sflag:s21] =	ssyncadd.s32 $0xFFFFD800  }
0x248: {  	[tilespmem:s15], [sflag:$0x3] =	stream.indirect.gather [hbm4b:s2+s12], $0x80, s9, s12, $0xb8;
	[tilespmem:$0x1D800] =	vst v63  }
0x249: {  	_ =	swait.ge [sflag:s16], $0x2800  }
0x24a: {  	[sflag:s16] =	ssyncset.done $0x0  }
0x24b: {  	s7 =	rddreg [dreg:$0x19];
	[sflag:s16] =	ssyncadd.s32 $0xFFFFD800  }
0x24c: {  	[spmem:s3] =	stream.indirect.scatter.add.f32 [tilespmem:s13], [sflag:$0x4], $0x80, s7, s12, $0xb8;
	[tilespmem:$0x1D800] =	vst v63  }
0x24d: {  	_ =	swait.ge [sflag:s17], $0x2800  }
0x24e: {  	[sflag:s17] =	ssyncset.done $0x0  }
0x24f: {  	s8 =	rddreg [dreg:$0x1a];
	[sflag:s17] =	ssyncadd.s32 $0xFFFFD800  }
0x250: {  	[tilespmem:s13], [sflag:$0x1] =	stream.indirect.gather [hbm4b:s2+s12], $0x80, s8, s12, $0xb8;
	[tilespmem:$0x1D800] =	vst v63  }
0x251: {  	_ =	swait.ge [sflag:s18], $0x2800  }
0x252: {  	[sflag:s18] =	ssyncset.done $0x0  }
0x253: {  	s9 =	rddreg [dreg:$0x1b];
	[sflag:s18] =	ssyncadd.s32 $0xFFFFD800  }
0x254: {  	[spmem:s3] =	stream.indirect.scatter.add.f32 [tilespmem:s14], [sflag:$0x5], $0x80, s9, s12, $0xb8;
	[tilespmem:$0x1D800] =	vst v63  }
0x255: {  	_ =	swait.ge [sflag:s19], $0x2800  }
0x256: {  	[sflag:s19] =	ssyncset.done $0x0  }
0x257: {  	s7 =	rddreg [dreg:$0x1c];
	[sflag:s19] =	ssyncadd.s32 $0xFFFFD800  }
0x258: {  	[tilespmem:s14], [sflag:$0x2] =	stream.indirect.gather [hbm4b:s2+s12], $0x80, s7, s12, $0xb8;
	[tilespmem:$0x1D800] =	vst v63  }
0x259: {  	_ =	swait.ge [sflag:s20], $0x2800  }
0x25a: {  	[sflag:s20] =	ssyncset.done $0x0  }
0x25b: {  	s8 =	rddreg [dreg:$0x1d];
	[sflag:s20] =	ssyncadd.s32 $0xFFFFD800  }
0x25c: {  	[spmem:s3] =	stream.indirect.scatter.add.f32 [tilespmem:s15], [sflag:$0x6], $0x80, s8, s12, $0xb8;
	[tilespmem:$0x1D800] =	vst v63  }
0x25d: {  	_ =	swait.ge [sflag:s21], $0x2800  }
0x25e: {  	[sflag:s21] =	ssyncset.done $0x0  }
0x25f: {  	s9 =	rddreg [dreg:$0x1e];
	[sflag:s21] =	ssyncadd.s32 $0xFFFFD800  }
0x260: {  	[tilespmem:s15], [sflag:$0x3] =	stream.indirect.gather [hbm4b:s2+s12], $0x80, s9, s12, $0xb8;
	[tilespmem:$0x1D800] =	vst v63  }
0x261: {  	_ =	swait.ge [sflag:s16], $0x2800  }
0x262: {  	[sflag:s16] =	ssyncset.done $0x0  }
0x263: {  	s7 =	rddreg [dreg:$0x1f];
	[sflag:s16] =	ssyncadd.s32 $0xFFFFD800  }
0x264: {  	[spmem:s3] =	stream.indirect.scatter.add.f32 [tilespmem:s13], [sflag:$0x4], $0x80, s7, s12, $0xb8;
	[tilespmem:$0x1D800] =	vst v63  }
0x265: {  	_ =	swait.ge [sflag:s17], $0x2800  }
0x266: {  	s8 =	sld [smem:$0x7F2]  }
0x267: {  	[sflag:s17] =	ssyncset.done $0x0  }
0x268: {  	[sflag:s17] =	ssyncadd.s32 $0xFFFFD800  }
0x269: {  	[tilespmem:s13], [sflag:$0x1] =	stream.indirect.gather [hbm4b:s2+s12], $0x80, s8, s12, $0xb8;
	[tilespmem:$0x1D800] =	vst v63  }
0x26a: {  	_ =	swait.ge [sflag:s18], $0x2800  }
0x26b: {  	s9 =	sld [smem:$0x7F3]  }
0x26c: {  	[sflag:s18] =	ssyncset.done $0x0  }
0x26d: {  	[sflag:s18] =	ssyncadd.s32 $0xFFFFD800  }
0x26e: {  	[spmem:s3] =	stream.indirect.scatter.add.f32 [tilespmem:s14], [sflag:$0x5], $0x80, s9, s12, $0xb8;
	[tilespmem:$0x1D800] =	vst v63  }
0x26f: {  	_ =	swait.ge [sflag:s19], $0x2800  }
0x270: {  	s7 =	sld [smem:$0x7F4]  }
0x271: {  	[sflag:s19] =	ssyncset.done $0x0  }
0x272: {  	[sflag:s19] =	ssyncadd.s32 $0xFFFFD800  }
0x273: {  	[tilespmem:s14], [sflag:$0x2] =	stream.indirect.gather [hbm4b:s2+s12], $0x80, s7, s12, $0xb8;
	[tilespmem:$0x1D800] =	vst v63  }
0x274: {  	_ =	swait.ge [sflag:s20], $0x2800  }
0x275: {  	s8 =	sld [smem:$0x7F5]  }
0x276: {  	[sflag:s20] =	ssyncset.done $0x0  }
0x277: {  	[sflag:s20] =	ssyncadd.s32 $0xFFFFD800  }
0x278: {  	[spmem:s3] =	stream.indirect.scatter.add.f32 [tilespmem:s15], [sflag:$0x6], $0x80, s8, s12, $0xb8;
	[tilespmem:$0x1D800] =	vst v63  }
0x279: {  	_ =	swait.ge [sflag:s21], $0x2800  }
0x27a: {  	s9 =	sld [smem:$0x7F6]  }
0x27b: {  	[sflag:s21] =	ssyncset.done $0x0  }
0x27c: {  	[sflag:s21] =	ssyncadd.s32 $0xFFFFD800  }
0x27d: {  	[tilespmem:s15], [sflag:$0x3] =	stream.indirect.gather [hbm4b:s2+s12], $0x80, s9, s12, $0xb8;
	[tilespmem:$0x1D800] =	vst v63  }
0x27e: {  	_ =	swait.ge [sflag:s16], $0x2800  }
0x27f: {  	s7 =	sld [smem:$0x7F7]  }
0x280: {  	[sflag:s16] =	ssyncset.done $0x0  }
0x281: {  	[sflag:s16] =	ssyncadd.s32 $0xFFFFD800  }
0x282: {  	[spmem:s3] =	stream.indirect.scatter.add.f32 [tilespmem:s13], [sflag:$0x4], $0x80, s7, s12, $0xb8;
	[tilespmem:$0x1D800] =	vst v63  }
0x283: {  	_ =	swait.ge [sflag:s17], $0x2800  }
0x284: {  	s8 =	sld [smem:$0x7F8]  }
0x285: {  	[sflag:s17] =	ssyncset.done $0x0  }
0x286: {  	[sflag:s17] =	ssyncadd.s32 $0xFFFFD800  }
0x287: {  	[tilespmem:s13], [sflag:$0x1] =	stream.indirect.gather [hbm4b:s2+s12], $0x80, s8, s12, $0xb8;
	[tilespmem:$0x1D800] =	vst v63  }
0x288: {  	_ =	swait.ge [sflag:s18], $0x2800  }
0x289: {  	s9 =	sld [smem:$0x7F9]  }
0x28a: {  	[sflag:s18] =	ssyncset.done $0x0  }
0x28b: {  	[sflag:s18] =	ssyncadd.s32 $0xFFFFD800  }
0x28c: {  	[spmem:s3] =	stream.indirect.scatter.add.f32 [tilespmem:s14], [sflag:$0x5], $0x80, s9, s12, $0xb8;
	[tilespmem:$0x1D800] =	vst v63  }
0x28d: {  	_ =	swait.ge [sflag:s19], $0x2800  }
0x28e: {  	s7 =	sld [smem:$0x7FA]  }
0x28f: {  	[sflag:s19] =	ssyncset.done $0x0  }
0x290: {  	[sflag:s19] =	ssyncadd.s32 $0xFFFFD800  }
0x291: {  	[tilespmem:s14], [sflag:$0x2] =	stream.indirect.gather [hbm4b:s2+s12], $0x80, s7, s12, $0xb8;
	[tilespmem:$0x1D800] =	vst v63  }
0x292: {  	_ =	swait.ge [sflag:s20], $0x2800  }
0x293: {  	s8 =	sld [smem:$0x7FB]  }
0x294: {  	[sflag:s20] =	ssyncset.done $0x0  }
0x295: {  	[sflag:s20] =	ssyncadd.s32 $0xFFFFD800  }
0x296: {  	[spmem:s3] =	stream.indirect.scatter.add.f32 [tilespmem:s15], [sflag:$0x6], $0x80, s8, s12, $0xb8;
	[tilespmem:$0x1D800] =	vst v63  }
0x297: {  	_ =	swait.ge [sflag:s21], $0x2800  }
0x298: {  	[sflag:s21] =	ssyncset.done $0x0  }
0x299: {  	[sflag:s21] =	ssyncadd.s32 $0xFFFFD800  }
0x29a: {  	[tilespmem:s15], [sflag:$0x3] =	stream.indirect.gather [hbm4b:s2+s12], $0x80, s22, s12, $0xb8;
	[tilespmem:$0x1D800] =	vst v63  }
0x29b: {  	_ =	swait.ge [sflag:s16], $0x2800  }
0x29c: {  	[sflag:s16] =	ssyncset.done $0x0  }
0x29d: {  	[sflag:s16] =	ssyncadd.s32 $0xFFFFD800  }
0x29e: {  	[spmem:s3] =	stream.indirect.scatter.add.f32 [tilespmem:s13], [sflag:$0x4], $0x80, s23, s12, $0xb8;
	[tilespmem:$0x1D800] =	vst v63  }
0x29f: {  	_ =	swait.ge [sflag:s17], $0x2800  }
0x2a0: {  	[sflag:s17] =	ssyncset.done $0x0  }
0x2a1: {  	[sflag:s17] =	ssyncadd.s32 $0xFFFFD800  }
0x2a2: {  	[tilespmem:s13], [sflag:$0x1] =	stream.indirect.gather [hbm4b:s2+s12], $0x80, s24, s12, $0xb8;
	[tilespmem:$0x1D800] =	vst v63  }
0x2a3: {  	_ =	swait.ge [sflag:s18], $0x2800  }
0x2a4: {  	[sflag:s18] =	ssyncset.done $0x0  }
0x2a5: {  	[sflag:s18] =	ssyncadd.s32 $0xFFFFD800  }
0x2a6: {  	[spmem:s3] =	stream.indirect.scatter.add.f32 [tilespmem:s14], [sflag:$0x5], $0x80, s25, s12, $0xb8;
	[tilespmem:$0x1D800] =	vst v63  }
0x2a7: {  	_ =	swait.ge [sflag:s19], $0x2800  }
0x2a8: {  	[sflag:s19] =	ssyncset.done $0x0  }
0x2a9: {  	[sflag:s19] =	ssyncadd.s32 $0xFFFFD800  }
0x2aa: {  	[tilespmem:s14], [sflag:$0x2] =	stream.indirect.gather [hbm4b:s2+s12], $0x80, s26, s12, $0xb8;
	[tilespmem:$0x1D800] =	vst v63  }
0x2ab: {  	_ =	swait.ge [sflag:s20], $0x2800  }
0x2ac: {  	[sflag:s20] =	ssyncset.done $0x0  }
0x2ad: {  	[sflag:s20] =	ssyncadd.s32 $0xFFFFD800  }
0x2ae: {  	[spmem:s3] =	stream.indirect.scatter.add.f32 [tilespmem:s15], [sflag:$0x6], $0x80, s28, s12, $0xb8;
	[tilespmem:$0x1D800] =	vst v63  }
0x2af: {  	_ =	swait.ge [sflag:s21], $0x2800  }
0x2b0: {  	[sflag:s21] =	ssyncset.done $0x0  }
0x2b1: {  	[sflag:s21] =	ssyncadd.s32 $0xFFFFD800  }
0x2b2: {  	[tilespmem:s15], [sflag:$0x3] =	stream.indirect.gather [hbm4b:s2+s12], $0x80, s29, s12, $0xb8;
	[tilespmem:$0x1D800] =	vst v63  }
0x2b3: {  	_ =	swait.ge [sflag:s16], $0x2800  }
0x2b4: {  	[sflag:s16] =	ssyncset.done $0x0  }
0x2b5: {  	[sflag:s16] =	ssyncadd.s32 $0xFFFFD800  }
0x2b6: {  	[spmem:s3] =	stream.indirect.scatter.add.f32 [tilespmem:s13], [sflag:$0x4], $0x80, s30, s12, $0xb8;
	[tilespmem:$0x1D800] =	vst v63  }
0x2b7: {  	_ =	swait.ge [sflag:s17], $0x2800  }
0x2b8: {  	[sflag:s17] =	ssyncset.done $0x0  }
0x2b9: {  	[sflag:s17] =	ssyncadd.s32 $0xFFFFD800  }
0x2ba: {  	[tilespmem:s13], [sflag:$0x1] =	stream.indirect.gather [hbm4b:s2+s12], $0x80, s31, s12, $0xb8;
	[tilespmem:$0x1D800] =	vst v63  }
0x2bb: {  	_ =	swait.ge [sflag:s18], $0x2800  }
0x2bc: {  	[sflag:s18] =	ssyncset.done $0x0  }
0x2bd: {  	[sflag:s18] =	ssyncadd.s32 $0xFFFFD800  }
0x2be: {  	[spmem:s3] =	stream.indirect.scatter.add.f32 [tilespmem:s14], [sflag:$0x5], $0x80, s1, s12, $0xb8;
	[tilespmem:$0x1D800] =	vst v63  }
0x2bf: {  	_ =	swait.ge [sflag:s19], $0x2800  }
0x2c0: {  	[sflag:s19] =	ssyncset.done $0x0  }
0x2c1: {  	[sflag:s19] =	ssyncadd.s32 $0xFFFFD800  }
0x2c2: {  	_ =	swait.ge [sflag:s20], $0x2800  }
0x2c3: {  	[sflag:s20] =	ssyncset.done $0x0  }
0x2c4: {  	[sflag:s20] =	ssyncadd.s32 $0xFFFFD800  }
0x2c5: {  	[spmem:s3] =	stream.indirect.scatter.add.f32 [tilespmem:s15], [sflag:$0x6], $0x80, s0, s12, $0xb8;
	[tilespmem:$0x1D800] =	vst v63  }
0x2c6: {  	_ =	swait.ge [sflag:s21], $0x2800  }
0x2c7: {  	[sflag:s21] =	ssyncset.done $0x0  }
0x2c8: {  	[sflag:s21] =	ssyncadd.s32 $0xFFFFD800  }
0x2c9: {  	_ =	swait.ge [sflag:s16], $0x2800  }
0x2ca: {  	[sflag:s16] =	ssyncset.done $0x0  }
0x2cb: {  	[sflag:s16] =	ssyncadd.s32 $0xFFFFD800  }
0x2cc: {  	[spmem:s3] =	stream.indirect.scatter.add.f32 [tilespmem:s13], [sflag:$0x4], $0x80, s5, s12, $0xb8;
	[tilespmem:$0x1D800] =	vst v63  }
0x2cd: {  	_ =	swait.ge [sflag:s17], $0x2800  }
0x2ce: {  	[sflag:s17] =	ssyncset.done $0x0  }
0x2cf: {  	[sflag:s17] =	ssyncadd.s32 $0xFFFFD800  }
0x2d0: {  	[bflag:$0x0] =	sbarrier.arrive $0xFFFF  }
0x2d1: {  	s7 =	sld [smem:$0x7FC]  }
0x2d2: {  	s9 =	sld [smem:$0x7F0]  }
0x2d3: {  	s8 =	sld [smem:$0x7FD];
	_ =	sdelay $0x2  }
0x2d4: {  	[hbm:s9], [sflag:s7] =	dma.local [spmem:s8], $0x2800  }
0x2d5: {  	_ =	swait.ge [sflag:s10], $0x2800  }
0x2d6: {  	s6 =	sld [smem:$0x7EE];
	_ =	sdelay $0x2  }
0x2d7: {  	s9 =	sadd.s32 $0x1, s6;
	s6 =	sld [smem:$0x7F1];
	_ =	sdelay $0x2  }
0x2d8: {  	p0 =	sne.s32 s9, s6  }
.Ltmp1:
0x2d9: {  	_ = 	snop;
	(pc) =	sbr.rel @p0 .LBB2_1-.Ltmp1, $3  }
0x2da: {  	_ =	sdelay $0x1  }
0x2db: {  	[sflag:s10] =	ssyncset.done $0x0  }
0x2dc: {  	[sflag:s10] =	ssyncadd.s32 $0xFFFFD800  }
0x2dd: {  	_ =	sfence.sel $0x180000  }
0x2de: {  	[bflag:$0x0] =	sbarrier.arrive $0xFFFF  }
0x2df: {  	_ =	strace $0x9000004A  }
0x2e0: {  	s0 =	stileid.u32;
	[bflag:$0x2] =	sbarrier.arrive $0xFFFF  }
0x2e1: {  	p0 =	sne.s32 s0, $0x0;
	s0 =	rddreg [dreg:$0x3]  }
0x2e2: {  	s0 =	sadd.s32 @!p0 $0x100000, s0  }
0x2e3: {  	[sflag:s0] =	ssyncadd.tile.s32 @!p0 $0x1;
	_ =	shalt  }
.Lfunc_end2:
_tile_overlayer_lowered:
.L_overlay_start_2:
0x2e4: {  	(tag) =	ssettag $0x2  }
0x2e5: {  	s0 =	rddreg [dreg:$0x0];
	s2 =	stileid.u32  }
0x2e6: {  	s1 =	rddreg [dreg:$0x1];
	p0 =	sne.s32 s2, $0x0  }
0x2e7: {  	s3 =	rddreg [dreg:$0x2];
	[bflag:$0x3] =	sbarrier.arrive $0xFFFF;
	s2 =	simm.s32 @!p0 $0x1C07  }
0x2e8: {  	[timem:s3], [sflag:s2] =	dma.local @!p0 [hbm:s0], s1  }
0x2e9: {  	s0 =	simm.s32 @!p0 $0x7  }
0x2ea: {  	_ =	swait.ge @!p0 [sflag:s0], s1  }
0x2eb: {  	s1 =	ssub.s32 @!p0 $0x0, s1;
	[sflag:s0] =	ssyncset.done @!p0 $0x0  }
0x2ec: {  	[sflag:s0] =	ssyncadd.s32 @!p0 s1  }
0x2ed: {  	[bflag:$0x3] =	sbarrier.arrive $0xFFFF  }
0x2ee: {  	_ =	shalt  }

// kernel: kernel.14.cloned.1.call-start
scs
__scs_entry_jumppad:
0x0: {  	(pc) =	sbr.rel $0x88, $3  }
0x1: {  	(tag) =	ssettag $0x0;
	lr =	simm.s32 $0x1  }
0x2: {  	[smem:$0x3F9B] =	sst lr;
	_ =	strace $0xD0000000  }
0x3: {  	_ = 	snop  }
0x4: {  	_ = 	snop  }
0x5: {  	_ = 	snop  }
0x6: {  	_ = 	snop  }
0x7: {  	_ = 	snop  }
__scs_overlays_trampoline_lowered:
0x8: {  	[smem:$0x3FAA] =	sst s0  }
0x9: {  	[smem:$0x3FAB] =	sst s1  }
0xa: {  	[smem:$0x3FAC] =	sst s2  }
0xb: {  	[smem:$0x3FAD] =	sst s3  }
0xc: {  	[smem:$0x3FAE] =	sst s4  }
0xd: {  	[smem:$0x3FAF] =	sst s5  }
0xe: {  	[smem:$0x3FB0] =	sst s6  }
0xf: {  	[smem:$0x3FB1] =	sst s7  }
0x10: {  	[smem:$0x3FB2] =	sst s8  }
0x11: {  	[smem:$0x3FB3] =	sst s9;
	s0 =	simm.s32 @!p0 $0x0  }
0x12: {  	s1 =	sld [smem:$0x3F99];
	s0 =	simm.s32 @p0 $0x1  }
0x13: {  	[smem:$0x3FB4] =	sst s0;
	s0 =	simm.s32 @!p1 $0x0  }
0x14: {  	s2 =	sld [smem:$0x3F98];
	s0 =	simm.s32 @p1 $0x1  }
0x15: {  	[smem:$0x3FB5] =	sst s0;
	s0 =	simm.s32 @!p2 $0x0  }
0x16: {  	s3 =	sld [smem:$0x3FDB];
	s0 =	simm.s32 @p2 $0x1  }
0x17: {  	s4 =	simm.s32 $0x1BF5;
	[smem:$0x3FB7] =	sst s0  }
0x18: {  	s0 =	sld [smem:$0x3F9A];
	_ =	swait.ge [sflag:s4], $0x0  }
0x19: {  	s7 =	sld [smem:$0x3F9B]  }
0x1a: {  	s8 =	sadd.s32 $0xFFFFE003, lr  }
0x1b: {  	s9 =	sadd.s32 $0xFFFFFEF7, lr;
	s5 =	simm.s32 $0xFFFFFFFF;
	p2 =	slt.u32 s8, $0xFFFFF086  }
0x1c: {  	p1 =	slt.u32 s9, $0xF7A;
	s5 =	simm.s32 @!p2 $0x0  }
0x1d: {  	s5 =	simm.s32 @p1 $0x1;
	p0 =	seq.s32 s7, s2  }
0x1e: {  	s7 =	smul.u32 @!p0 $0xF7A, s2;
	p2 =	seq.s32 @!p0 s5, $0x0  }
0x1f: {  	s9 =	smul.u32 $0xF7A, s1;
	s8 =	simm.s32 @!p0 $0x1BF5;
	p2 =	por !p2, p0  }
0x20: {  	[sflag:s8] =	ssyncset.s32 @!p0 $0xFFFFF086;
	s6 =	sadd.s32 @!p0 s3, s7;
	s7 =	simm.s32 @!p0 $0x108  }
0x21: {  	s3 =	sadd.s32 s3, s9;
	s6 =	sadd.s32 @!p0 $0x88, s6;
	s7 =	simm.s32 @p2 $0x1082  }
0x22: {  	[simem:s7], [sflag:s8] =	dma.local @!p0 [hbm:s6], $0xF7A  }
0x23: {  	s9 =	sor.u32 $0xD0000000, s2;
	s6 =	simm.s32 $0x108;
	_ =	swait.ge @!p0 [sflag:s8], $0x0  }
0x24: {  	s3 =	sadd.s32 $0x88, s3;
	s6 =	simm.s32 @!p1 $0x1082;
	[sflag:s4] =	ssyncset.s32 $0xFFFFF086  }
0x25: {  	[simem:s6], [sflag:s4] =	dma.local [hbm:s3], $0xF7A  }
0x26: {  	[smem:$0x3F9B] =	sst s1;
	(tag) =	ssettag s2;
	_ =	strace s9  }
0x27: {  	s1 =	sld [smem:$0x3FAB]  }
0x28: {  	s2 =	sld [smem:$0x3FAC]  }
0x29: {  	s4 =	sld [smem:$0x3FAE]  }
0x2a: {  	p0 =	seq.s32 s5, $0x0;
	s5 =	sld [smem:$0x3FAF]  }
0x2b: {  	s6 =	sld [smem:$0x3FB0]  }
0x2c: {  	s7 =	sld [smem:$0x3FB1]  }
0x2d: {  	s3 =	simm.s32 $0x108;
	s8 =	sld [smem:$0x3FB2]  }
0x2e: {  	s3 =	simm.s32 @!p0 $0x1082;
	s9 =	sld [smem:$0x3FB3]  }
0x2f: {  	lr =	sadd.s32 s0, s3;
	s0 =	sld [smem:$0x3FAA]  }
0x30: {  	s3 =	sld [smem:$0x3FAD]  }
0x31: {  	[smem:$0x3FB6] =	sst s10  }
0x32: {  	s10 =	sld [smem:$0x3FB4];
	_ =	sdelay $0x3  }
0x33: {  	p0 =	seq.s32 s10, $0x1;
	s10 =	sld [smem:$0x3FB6];
	_ =	sdelay $0x3  }
0x34: {  	[smem:$0x3FB6] =	sst s10  }
0x35: {  	s10 =	sld [smem:$0x3FB5];
	_ =	sdelay $0x3  }
0x36: {  	p1 =	seq.s32 s10, $0x1;
	s10 =	sld [smem:$0x3FB6];
	_ =	sdelay $0x3  }
0x37: {  	[smem:$0x3FB6] =	sst s10  }
0x38: {  	s10 =	sld [smem:$0x3FB7]  }
0x39: {  	_ = 	snop;
	(pc) =	sbr.ind lr, $3  }
0x3a: {  	_ = 	snop  }
0x3b: {  	_ = 	snop  }
0x3c: {  	p2 =	seq.s32 s10, $0x1;
	s10 =	sld [smem:$0x3FB6]  }
0x3d: {  	_ =	shalt  }
0x3e: {  	_ =	shalt  }
0x3f: {  	_ =	shalt  }
0x40: {  	_ =	shalt  }
0x41: {  	_ =	shalt  }
0x42: {  	_ =	shalt  }
0x43: {  	_ =	shalt  }
0x44: {  	_ =	shalt  }
0x45: {  	_ =	shalt  }
0x46: {  	_ =	shalt  }
0x47: {  	_ =	shalt  }
0x48: {  	_ =	shalt  }
0x49: {  	_ =	shalt  }
0x4a: {  	_ =	shalt  }
0x4b: {  	_ =	shalt  }
0x4c: {  	_ =	shalt  }
0x4d: {  	_ =	shalt  }
0x4e: {  	_ =	shalt  }
0x4f: {  	_ =	shalt  }
0x50: {  	_ =	shalt  }
0x51: {  	_ =	shalt  }
0x52: {  	_ =	shalt  }
0x53: {  	_ =	shalt  }
0x54: {  	_ =	shalt  }
0x55: {  	_ =	shalt  }
0x56: {  	_ =	shalt  }
0x57: {  	_ =	shalt  }
0x58: {  	_ =	shalt  }
0x59: {  	_ =	shalt  }
0x5a: {  	_ =	shalt  }
0x5b: {  	_ =	shalt  }
0x5c: {  	_ =	shalt  }
0x5d: {  	_ =	shalt  }
0x5e: {  	_ =	shalt  }
0x5f: {  	_ =	shalt  }
0x60: {  	_ =	shalt  }
0x61: {  	_ =	shalt  }
0x62: {  	_ =	shalt  }
0x63: {  	_ =	shalt  }
0x64: {  	_ =	shalt  }
0x65: {  	_ =	shalt  }
0x66: {  	_ =	shalt  }
0x67: {  	_ =	shalt  }
0x68: {  	_ =	shalt  }
0x69: {  	_ =	shalt  }
0x6a: {  	_ =	shalt  }
0x6b: {  	_ =	shalt  }
0x6c: {  	_ =	shalt  }
0x6d: {  	_ =	shalt  }
0x6e: {  	_ =	shalt  }
0x6f: {  	_ =	shalt  }
0x70: {  	_ =	shalt  }
0x71: {  	_ =	shalt  }
0x72: {  	_ =	shalt  }
0x73: {  	_ =	shalt  }
0x74: {  	_ =	shalt  }
0x75: {  	_ =	shalt  }
0x76: {  	_ =	shalt  }
0x77: {  	_ =	shalt  }
0x78: {  	_ =	shalt  }
0x79: {  	_ =	shalt  }
0x7a: {  	_ =	shalt  }
0x7b: {  	_ =	shalt  }
0x7c: {  	_ =	shalt  }
0x7d: {  	_ =	shalt  }
0x7e: {  	_ =	shalt  }
0x7f: {  	_ =	shalt  }
0x80: {  	_ =	shalt  }
0x81: {  	_ =	shalt  }
0x82: {  	_ =	shalt  }
0x83: {  	_ =	shalt  }
0x84: {  	_ =	shalt  }
0x85: {  	_ =	shalt  }
0x86: {  	_ =	shalt  }
0x87: {  	_ =	shalt  }
.Lfunc_end0:
.L_simem_size_0:
called_computation.2_lowered:
.L_overlay_start_0:
0x88: {  	s2 =	sld [smem:$0x3FD9]  }
0x89: {  	s3 =	sld [smem:$0x3FFE];
	_ =	sdelay $0x1  }
0x8a: {  	s1 =	srdreg.scid  }
0x8b: {  	s0 =	sand.u32 $0x1, s1  }
0x8c: {  	s17 =	sshll.u32 s0, $0xA;
	s2 =	sadd.s32 s3, s2  }
0x8d: {  	s2 =	sadd.s32 s2, s17  }
0x8e: {  	[smem:$0x3FC2] =	sst s2  }
0x8f: {  	_ = 	snop  }
0x90: {  	s2 =	sld [smem:$0x3FD0];
	(tm) =	ssettm $0x1  }
0x91: {  	s18 =	sld [smem:$0x3FFB];
	_ =	sdelay $0x3  }
0x92: {  	_ =	strace s18  }
0x93: {  	s3 =	sld [smem:$0x3FFC];
	_ =	sdelay $0x3  }
0x94: {  	_ =	strace s3  }
0x95: {  	s3 =	sld [smem:$0x3FFD];
	_ =	sdelay $0x3  }
0x96: {  	_ =	strace s3  }
0x97: {  	_ =	strace $0x8FFFFFFF  }
0x98: {  	s19 =	sld [smem:$0x3FDB];
	_ =	sdelay $0x1  }
0x99: {  	s4 =	simm.s32 $_scs_section_size  }
0x9a: {  	s5 =	simm.s32 $_size__tile_overlayer_lowered;
	s6 =	simm.s32 $_tile_overlayer_lowered  }
0x9b: {  	s22 =	simm.s32 $0x1BFF;
	s21 =	sshll.u32 s6, $0x1;
	s3 =	sadd.s32 s4, s19  }
0x9c: {  	s7 =	simm.s32 $0x0;
	s20 =	sshll.u32 s5, $0x1;
	s5 =	sadd.s32 s21, s3  }
0x9d: {  	[timem:s7], [sflag:s22] =	dma.local [hbm:s5], s20  }
0x9e: {  	_ =	swait.ge [sflag:s22], s20  }
0x9f: {  	s4 =	ssub.s32 $0x0, s20;
	[sflag:s22] =	ssyncset.done $0x0  }
0xa0: {  	[sflag:s22] =	ssyncadd.s32 s4;
	_ =	sdelay $0x1  }
0xa1: {  	s23 =	simm.s32 $0x1B8B  }
0xa2: {  	_ =	swait.ge [sflag:s23], $0x1  }
0xa3: {  	[sflag:s23] =	ssyncset.done $0x0  }
0xa4: {  	s25 =	simm.s32 $0x1B8E;
	s24 =	sld [smem:$0x3FFE];
	[sflag:s23] =	ssyncadd.s32 $0xFFFFFFFF  }
0xa5: {  	s26 =	simm.s32 $execute0_lowered;
	[smem:$0x3FD2] =	sst s25  }
0xa6: {  	s5 =	sshll.u32 s26, $0x1;
	_ =	strace $0x8000004C;
	[dreg:$0x1] =	wrdreg $0xFFFFFFFF  }
0xa7: {  	s28 =	simm.s32 $_size_execute0_lowered;
	s3 =	sadd.s32 s3, s5;
	[dreg:$0x0] =	wrdreg $0x0  }
0xa8: {  	s5 =	sshll.u32 s28, $0x1;
	[dreg:$0x2] =	wrdreg s3  }
0xa9: {  	[dreg:$0x3] =	wrdreg s5  }
0xaa: {  	[dreg:$0x4] =	wrdreg $0xC0  }
0xab: {  	_ =	task [dreg:s7], $0x5FFFF  }
0xac: {  	[dreg:$0x1] =	wrdreg $0xFFFFFFFF  }
0xad: {  	[dreg:$0x0] =	wrdreg $0x60  }
0xae: {  	[dreg:$0x2] =	wrdreg s2  }
0xaf: {  	[dreg:$0x3] =	wrdreg s24  }
0xb0: {  	[dreg:$0x4] =	wrdreg $0x98000  }
0xb1: {  	[dreg:$0x5] =	wrdreg $0x9  }
0xb2: {  	_ =	task.clear_ibuf [dreg:s7], $0x6FFFF;
	_ =	strace $0x9000004C  }
0xb3: {  	s29 =	simm.s32 $0x9;
	_ =	strace $0x8000004E  }
0xb4: {  	_ =	swait.ge [sflag:s29], $0x1  }
0xb5: {  	[sflag:s29] =	ssyncadd.s32 $0xFFFFFFFF  }
0xb6: {  	_ =	strace $0x9000004E  }
0xb7: {  	_ =	sfence  }
0xb8: {  	s30 =	sld [smem:$0x0];
	_ =	sdelay $0x2  }
0xb9: {  	s31 =	sshll.u32 s1, $0xD;
	s1 =	sshrl.u32 s1, $0x2  }
0xba: {  	s3 =	sand.u32 $0x4000, s31;
	s1 =	sadd.s32 s1, s30  }
0xbb: {  	s0 =	sor.u32 s3, s0;
	s1 =	sshll.u32 s1, $0x11  }
0xbc: {  	s0 =	sor.u32 s1, s0  }
0xbd: {  	s0 =	sadd.s32 $0x8F2B, s0  }
0xbe: {  	[sflag:s0] =	ssyncadd.remote.s32 $0x1  }
0xbf: {  	_ =	sfence.sel $0xFFFF  }
0xc0: {  	[dreg:$0x0] =	wrdreg $0xFFFFFFFF;
	(pc) =	sbr.abs _section_cstart, $3  }
0xc1: {  	[dreg:$0x1] =	wrdreg $0xFFFFFFFF  }
0xc2: {  	_ =	task.clear_ibuf [dreg:s7], $0x2FFFF;
	_ =	strace $0x9FFFFFFF  }
0xc3: {  	(tm) =	ssettm $0x7FFFFFFF  }
tec
execute0_lowered:
.L_overlay_start_1:
0x0: {  	(tag) =	ssettag $0x1  }
0x1: {  	s0 =	srdreg.scid;
	s8 =	stileid.u32  }
0x2: {  	s0 =	sand.u32 $0x1, s0;
	s4 =	smul.u32 $0x5000, s8  }
0x3: {  	s2 =	rddreg [dreg:$0x0];
	s1 =	smul.u32 $0x50000, s0  }
0x4: {  	s5 =	rddreg [dreg:$0x1]  }
0x5: {  	s3 =	rddreg [dreg:$0x2];
	s1 =	sadd.s32 s4, s1;
	s4 =	simm.s32 $0x0  }
0x6: {  	s24 =	simm.s32 $0x80;
	[smem:$0x7FF] =	sst s4  }
0x7: {  	s25 =	simm.s32 $0x100;
	_ =	strace $0x8000004D;
	[dreg:$0x6] =	wrdreg s24  }
0x8: {  	s26 =	simm.s32 $0x180;
	[dreg:$0x7] =	wrdreg s25  }
0x9: {  	s9 =	simm.s32 $0x1100;
	[dreg:$0x8] =	wrdreg s26  }
0xa: {  	s10 =	simm.s32 $0x280;
	[dreg:$0xb] =	wrdreg s9  }
0xb: {  	s11 =	simm.s32 $0x1180;
	[dreg:$0xc] =	wrdreg s10  }
0xc: {  	s13 =	simm.s32 $0x300;
	[dreg:$0xd] =	wrdreg s11  }
0xd: {  	s15 =	simm.s32 $0x1200;
	s16 =	simm.s32 $0x380;
	[dreg:$0xe] =	wrdreg s13  }
0xe: {  	s17 =	simm.s32 $0x1280;
	s18 =	simm.s32 $0x400;
	[dreg:$0xf] =	wrdreg s15  }
0xf: {  	s19 =	simm.s32 $0x1300;
	s20 =	simm.s32 $0x480;
	[dreg:$0x10] =	wrdreg s16  }
0x10: {  	s22 =	simm.s32 $0x1380;
	s28 =	simm.s32 $0x1A00;
	[dreg:$0x11] =	wrdreg s17  }
0x11: {  	s12 =	smul.u32 $0x140000, s0;
	s0 =	ssub.s32 $0x2, s0;
	[dreg:$0x12] =	wrdreg s18  }
0x12: {  	s29 =	simm.s32 $0xB80;
	s21 =	sshrl.u32 s0, $0x1;
	[dreg:$0x13] =	wrdreg s19  }
0x13: {  	s7 =	sadd.s32 $0x2400, s5;
	s0 =	ssub.s32 s0, s21;
	[dreg:$0x14] =	wrdreg s20  }
0x14: {  	s21 =	simm.s32 $0x880;
	s0 =	smax.u32 s0, $0x1;
	[dreg:$0x15] =	wrdreg s22  }
0x15: {  	s6 =	sadd.s32 $0xA0000, s1;
	s1 =	sshrl.u32 s1, $0x3;
	[smem:$0x7F1] =	sst s0  }
0x16: {  	s30 =	simm.s32 $0x1A80;
	s1 =	sadd.s32 s1, s7;
	[smem:$0x7F6] =	sst s21  }
0x17: {  	s31 =	simm.s32 $0xC00;
	s9 =	sadd.s32 $0x2A400, s5;
	[dreg:$0x5] =	wrdreg s1  }
0x18: {  	s14 =	smul.u32 $0x14000, s8;
	s24 =	simm.s32 $0x500;
	[smem:$0x7EF] =	sst s9  }
0x19: {  	s23 =	smul.u32 $0x50000, s8;
	s25 =	simm.s32 $0x1400;
	[dreg:$0x16] =	wrdreg s24  }
0x1a: {  	s6 =	sshrl.u32 s6, $0x3;
	s11 =	simm.s32 $0x600;
	[dreg:$0x17] =	wrdreg s25  }
0x1b: {  	s26 =	sshrl.u32 s23, $0x2;
	s13 =	simm.s32 $0x680;
	[dreg:$0x1a] =	wrdreg s11  }
0x1c: {  	s10 =	sshll.u32 s8, $0x6;
	s15 =	simm.s32 $0x700;
	[dreg:$0x1c] =	wrdreg s13  }
0x1d: {  	s16 =	simm.s32 $0x1600;
	s17 =	simm.s32 $0x780;
	[dreg:$0x1e] =	wrdreg s15  }
0x1e: {  	s18 =	simm.s32 $0x1680;
	s19 =	simm.s32 $0x800;
	[dreg:$0x1f] =	wrdreg s16  }
0x1f: {  	s20 =	simm.s32 $0x1700;
	s22 =	simm.s32 $0x1780;
	[smem:$0x7F2] =	sst s17  }
0x20: {  	s23 =	simm.s32 $0x900;
	s21 =	simm.s32 $0x6;
	[smem:$0x7F3] =	sst s18  }
0x21: {  	s0 =	simm.s32 $0x1B80;
	s6 =	sadd.s32 s6, s7;
	[smem:$0x7F4] =	sst s19  }
0x22: {  	s7 =	simm.s32 $0x200;
	s9 =	simm.s32 $0x1480;
	[smem:$0x7F5] =	sst s20  }
0x23: {  	s11 =	simm.s32 $0x1000;
	s13 =	simm.s32 $0x2000;
	[smem:$0x7F7] =	sst s22  }
0x24: {  	s15 =	simm.s32 $0x7000;
	s16 =	simm.s32 $0x1;
	[smem:$0x7F8] =	sst s23  }
0x25: {  	s17 =	simm.s32 $0x4;
	s18 =	simm.s32 $0x2;
	[dreg:$0x4] =	wrdreg s6  }
0x26: {  	s24 =	simm.s32 $0x1800;
	s19 =	simm.s32 $0x5;
	[dreg:$0xa] =	wrdreg s7  }
0x27: {  	s25 =	simm.s32 $0x980;
	s20 =	simm.s32 $0x3;
	[dreg:$0x19] =	wrdreg s9  }
0x28: {  	s22 =	simm.s32 $0xA00;
	s23 =	simm.s32 $0x1900;
	[smem:$0x7F9] =	sst s24  }
0x29: {  	s1 =	simm.s32 $0x1B00;
	s6 =	simm.s32 $0x1080;
	[smem:$0x7FA] =	sst s25  }
0x2a: {  	s7 =	simm.s32 $0x580;
	s24 =	simm.s32 $0xA80;
	[dreg:$0x9] =	wrdreg s6  }
0x2b: {  	s6 =	sadd.s32 s14, s12;
	[dreg:$0x18] =	wrdreg s7;
	s12 =	simm.s32 $0x1500  }
0x2c: {  	s25 =	simm.s32 $0x1980;
	s14 =	simm.s32 $0x1580;
	[dreg:$0x1b] =	wrdreg s12  }
0x2d: {  	s9 =	simm.s32 $0x0;
	s7 =	sor.u32 $0x1C07, s10;
	[dreg:$0x1d] =	wrdreg s14  }
0x2e: {  	s10 =	simm.s32 $0x7;
	s6 =	sshrl.u32 s6, $0x3;
	[smem:$0x7FC] =	sst s7  }
0x2f: {  	s5 =	sadd.s32 s6, s5;
	s6 =	sadd.s32 s26, s3;
	s26 =	simm.s32 $0x1880  }
0x30: {  	s12 =	simm.s32 $0x50;
	s5 =	sadd.s32 $0x2CC00, s5;
	[smem:$0x7FB] =	sst s26  }
0x31: {  	s14 =	simm.s32 $0x4800;
	s8 =	sshrl.u32 s6, $0x3;
	[smem:$0x7F0] =	sst s5  }
0x32: {  	s26 =	simm.s32 $0xB00;
	s5 =	simm.s32 $0x1C00;
	[smem:$0x7FD] =	sst s8  }
.LBB2_1:
0x33: {  	s6 =	sld [smem:$0x7EF];
	_ =	sdelay $0x1  }
0x34: {  	[smem:$0x7EE] =	sst s9  }
0x35: {  	[spmem:s8], [sflag:s7] =	dma.local [hbm:s6], $0x2800  }
0x36: {  	_ =	swait.ge [sflag:s10], $0x2800  }
0x37: {  	[sflag:s10] =	ssyncset.done $0x0  }
0x38: {  	[sflag:s10] =	ssyncadd.s32 $0xFFFFD800  }
0x39: {  	[bflag:$0x0] =	sbarrier.arrive $0xFFFF  }
0x3a: {  	s7 =	rddreg [dreg:$0x5]  }
0x3b: {  	s6 =	sadd.s32 $0x0, s7  }
0x3c: {  	[tilespmem:s4], [sflag:$0x7] =	stream.linear.gather [hbm4b:s6+s4], $0xC80, $0x38;
	[tilespmem:$0x1D800] =	vst v63  }
0x3d: {  	_ =	swait.ge [sflag:s10], $0xC80  }
0x3e: {  	s8 =	rddreg [dreg:$0x4];
	[sflag:s10] =	ssyncset.done $0x0  }
0x3f: {  	[sflag:s10] =	ssyncadd.s32 $0xFFFFF380;
	s6 =	sadd.s32 $0x0, s8  }
0x40: {  	[tilespmem:s11], [sflag:$0x7] =	stream.linear.gather [hbm4b:s6+s4], $0xC80, $0x38;
	[tilespmem:$0x1D800] =	vst v63  }
0x41: {  	_ =	swait.ge [sflag:s10], $0xC80  }
0x42: {  	[sflag:s10] =	ssyncset.done $0x0  }
0x43: {  	[sflag:s10] =	ssyncadd.s32 $0xFFFFF380  }
0x44: {  	[tilespmem:s13], [sflag:$0x1] =	stream.indirect.gather [hbm4b:s2+s12], $0x80, s4, s12, $0xb8;
	[tilespmem:$0x1D800] =	vst v63  }
0x45: {  	s9 =	rddreg [dreg:$0x6]  }
0x46: {  	[tilespmem:s14], [sflag:$0x2] =	stream.indirect.gather [hbm4b:s2+s12], $0x80, s9, s12, $0xb8;
	[tilespmem:$0x1D800] =	vst v63  }
0x47: {  	s7 =	rddreg [dreg:$0x7]  }
0x48: {  	[tilespmem:s15], [sflag:$0x3] =	stream.indirect.gather [hbm4b:s2+s12], $0x80, s7, s12, $0xb8;
	[tilespmem:$0x1D800] =	vst v63  }
0x49: {  	_ =	swait.ge [sflag:s16], $0x2800  }
0x4a: {  	[sflag:s16] =	ssyncset.done $0x0  }
0x4b: {  	[sflag:s16] =	ssyncadd.s32 $0xFFFFD800  }
0x4c: {  	[spmem:s3] =	stream.indirect.scatter.add.f32 [tilespmem:s13], [sflag:$0x4], $0x80, s11, s12, $0xb8;
	[tilespmem:$0x1D800] =	vst v63  }
0x4d: {  	_ =	swait.ge [sflag:s17], $0x2800  }
0x4e: {  	[sflag:s17] =	ssyncset.done $0x0  }
0x4f: {  	s9 =	rddreg [dreg:$0x8];
	[sflag:s17] =	ssyncadd.s32 $0xFFFFD800  }
0x50: {  	[tilespmem:s13], [sflag:$0x1] =	stream.indirect.gather [hbm4b:s2+s12], $0x80, s9, s12, $0xb8;
	[tilespmem:$0x1D800] =	vst v63  }
0x51: {  	_ =	swait.ge [sflag:s18], $0x2800  }
0x52: {  	[sflag:s18] =	ssyncset.done $0x0  }
0x53: {  	s7 =	rddreg [dreg:$0x9];
	[sflag:s18] =	ssyncadd.s32 $0xFFFFD800  }
0x54: {  	[spmem:s3] =	stream.indirect.scatter.add.f32 [tilespmem:s14], [sflag:$0x5], $0x80, s7, s12, $0xb8;
	[tilespmem:$0x1D800] =	vst v63  }
0x55: {  	_ =	swait.ge [sflag:s19], $0x2800  }
0x56: {  	[sflag:s19] =	ssyncset.done $0x0  }
0x57: {  	s8 =	rddreg [dreg:$0xa];
	[sflag:s19] =	ssyncadd.s32 $0xFFFFD800  }
0x58: {  	[tilespmem:s14], [sflag:$0x2] =	stream.indirect.gather [hbm4b:s2+s12], $0x80, s8, s12, $0xb8;
	[tilespmem:$0x1D800] =	vst v63  }
0x59: {  	_ =	swait.ge [sflag:s20], $0x2800  }
0x5a: {  	[sflag:s20] =	ssyncset.done $0x0  }
0x5b: {  	s9 =	rddreg [dreg:$0xb];
	[sflag:s20] =	ssyncadd.s32 $0xFFFFD800  }
0x5c: {  	[spmem:s3] =	stream.indirect.scatter.add.f32 [tilespmem:s15], [sflag:$0x6], $0x80, s9, s12, $0xb8;
	[tilespmem:$0x1D800] =	vst v63  }
0x5d: {  	_ =	swait.ge [sflag:s21], $0x2800  }
0x5e: {  	[sflag:s21] =	ssyncset.done $0x0  }
0x5f: {  	s7 =	rddreg [dreg:$0xc];
	[sflag:s21] =	ssyncadd.s32 $0xFFFFD800  }
0x60: {  	[tilespmem:s15], [sflag:$0x3] =	stream.indirect.gather [hbm4b:s2+s12], $0x80, s7, s12, $0xb8;
	[tilespmem:$0x1D800] =	vst v63  }
0x61: {  	_ =	swait.ge [sflag:s16], $0x2800  }
0x62: {  	[sflag:s16] =	ssyncset.done $0x0  }
0x63: {  	s8 =	rddreg [dreg:$0xd];
	[sflag:s16] =	ssyncadd.s32 $0xFFFFD800  }
0x64: {  	[spmem:s3] =	stream.indirect.scatter.add.f32 [tilespmem:s13], [sflag:$0x4], $0x80, s8, s12, $0xb8;
	[tilespmem:$0x1D800] =	vst v63  }
0x65: {  	_ =	swait.ge [sflag:s17], $0x2800  }
0x66: {  	[sflag:s17] =	ssyncset.done $0x0  }
0x67: {  	s9 =	rddreg [dreg:$0xe];
	[sflag:s17] =	ssyncadd.s32 $0xFFFFD800  }
0x68: {  	[tilespmem:s13], [sflag:$0x1] =	stream.indirect.gather [hbm4b:s2+s12], $0x80, s9, s12, $0xb8;
	[tilespmem:$0x1D800] =	vst v63  }
0x69: {  	_ =	swait.ge [sflag:s18], $0x2800  }
0x6a: {  	[sflag:s18] =	ssyncset.done $0x0  }
0x6b: {  	s7 =	rddreg [dreg:$0xf];
	[sflag:s18] =	ssyncadd.s32 $0xFFFFD800  }
0x6c: {  	[spmem:s3] =	stream.indirect.scatter.add.f32 [tilespmem:s14], [sflag:$0x5], $0x80, s7, s12, $0xb8;
	[tilespmem:$0x1D800] =	vst v63  }
0x6d: {  	_ =	swait.ge [sflag:s19], $0x2800  }
0x6e: {  	[sflag:s19] =	ssyncset.done $0x0  }
0x6f: {  	s8 =	rddreg [dreg:$0x10];
	[sflag:s19] =	ssyncadd.s32 $0xFFFFD800  }
0x70: {  	[tilespmem:s14], [sflag:$0x2] =	stream.indirect.gather [hbm4b:s2+s12], $0x80, s8, s12, $0xb8;
	[tilespmem:$0x1D800] =	vst v63  }
0x71: {  	_ =	swait.ge [sflag:s20], $0x2800  }
0x72: {  	[sflag:s20] =	ssyncset.done $0x0  }
0x73: {  	s9 =	rddreg [dreg:$0x11];
	[sflag:s20] =	ssyncadd.s32 $0xFFFFD800  }
0x74: {  	[spmem:s3] =	stream.indirect.scatter.add.f32 [tilespmem:s15], [sflag:$0x6], $0x80, s9, s12, $0xb8;
	[tilespmem:$0x1D800] =	vst v63  }
0x75: {  	_ =	swait.ge [sflag:s21], $0x2800  }
0x76: {  	[sflag:s21] =	ssyncset.done $0x0  }
0x77: {  	s7 =	rddreg [dreg:$0x12];
	[sflag:s21] =	ssyncadd.s32 $0xFFFFD800  }
0x78: {  	[tilespmem:s15], [sflag:$0x3] =	stream.indirect.gather [hbm4b:s2+s12], $0x80, s7, s12, $0xb8;
	[tilespmem:$0x1D800] =	vst v63  }
0x79: {  	_ =	swait.ge [sflag:s16], $0x2800  }
0x7a: {  	[sflag:s16] =	ssyncset.done $0x0  }
0x7b: {  	s8 =	rddreg [dreg:$0x13];
	[sflag:s16] =	ssyncadd.s32 $0xFFFFD800  }
0x7c: {  	[spmem:s3] =	stream.indirect.scatter.add.f32 [tilespmem:s13], [sflag:$0x4], $0x80, s8, s12, $0xb8;
	[tilespmem:$0x1D800] =	vst v63  }
0x7d: {  	_ =	swait.ge [sflag:s17], $0x2800  }
0x7e: {  	[sflag:s17] =	ssyncset.done $0x0  }
0x7f: {  	s9 =	rddreg [dreg:$0x14];
	[sflag:s17] =	ssyncadd.s32 $0xFFFFD800  }
0x80: {  	[tilespmem:s13], [sflag:$0x1] =	stream.indirect.gather [hbm4b:s2+s12], $0x80, s9, s12, $0xb8;
	[tilespmem:$0x1D800] =	vst v63  }
0x81: {  	_ =	swait.ge [sflag:s18], $0x2800  }
0x82: {  	[sflag:s18] =	ssyncset.done $0x0  }
0x83: {  	s7 =	rddreg [dreg:$0x15];
	[sflag:s18] =	ssyncadd.s32 $0xFFFFD800  }
0x84: {  	[spmem:s3] =	stream.indirect.scatter.add.f32 [tilespmem:s14], [sflag:$0x5], $0x80, s7, s12, $0xb8;
	[tilespmem:$0x1D800] =	vst v63  }
0x85: {  	_ =	swait.ge [sflag:s19], $0x2800  }
0x86: {  	[sflag:s19] =	ssyncset.done $0x0  }
0x87: {  	s8 =	rddreg [dreg:$0x16];
	[sflag:s19] =	ssyncadd.s32 $0xFFFFD800  }
0x88: {  	[tilespmem:s14], [sflag:$0x2] =	stream.indirect.gather [hbm4b:s2+s12], $0x80, s8, s12, $0xb8;
	[tilespmem:$0x1D800] =	vst v63  }
0x89: {  	_ =	swait.ge [sflag:s20], $0x2800  }
0x8a: {  	[sflag:s20] =	ssyncset.done $0x0  }
0x8b: {  	s9 =	rddreg [dreg:$0x17];
	[sflag:s20] =	ssyncadd.s32 $0xFFFFD800  }
0x8c: {  	[spmem:s3] =	stream.indirect.scatter.add.f32 [tilespmem:s15], [sflag:$0x6], $0x80, s9, s12, $0xb8;
	[tilespmem:$0x1D800] =	vst v63  }
0x8d: {  	_ =	swait.ge [sflag:s21], $0x2800  }
0x8e: {  	[sflag:s21] =	ssyncset.done $0x0  }
0x8f: {  	s7 =	rddreg [dreg:$0x18];
	[sflag:s21] =	ssyncadd.s32 $0xFFFFD800  }
0x90: {  	[tilespmem:s15], [sflag:$0x3] =	stream.indirect.gather [hbm4b:s2+s12], $0x80, s7, s12, $0xb8;
	[tilespmem:$0x1D800] =	vst v63  }
0x91: {  	_ =	swait.ge [sflag:s16], $0x2800  }
0x92: {  	[sflag:s16] =	ssyncset.done $0x0  }
0x93: {  	s8 =	rddreg [dreg:$0x19];
	[sflag:s16] =	ssyncadd.s32 $0xFFFFD800  }
0x94: {  	[spmem:s3] =	stream.indirect.scatter.add.f32 [tilespmem:s13], [sflag:$0x4], $0x80, s8, s12, $0xb8;
	[tilespmem:$0x1D800] =	vst v63  }
0x95: {  	_ =	swait.ge [sflag:s17], $0x2800  }
0x96: {  	[sflag:s17] =	ssyncset.done $0x0  }
0x97: {  	s9 =	rddreg [dreg:$0x1a];
	[sflag:s17] =	ssyncadd.s32 $0xFFFFD800  }
0x98: {  	[tilespmem:s13], [sflag:$0x1] =	stream.indirect.gather [hbm4b:s2+s12], $0x80, s9, s12, $0xb8;
	[tilespmem:$0x1D800] =	vst v63  }
0x99: {  	_ =	swait.ge [sflag:s18], $0x2800  }
0x9a: {  	[sflag:s18] =	ssyncset.done $0x0  }
0x9b: {  	s7 =	rddreg [dreg:$0x1b];
	[sflag:s18] =	ssyncadd.s32 $0xFFFFD800  }
0x9c: {  	[spmem:s3] =	stream.indirect.scatter.add.f32 [tilespmem:s14], [sflag:$0x5], $0x80, s7, s12, $0xb8;
	[tilespmem:$0x1D800] =	vst v63  }
0x9d: {  	_ =	swait.ge [sflag:s19], $0x2800  }
0x9e: {  	[sflag:s19] =	ssyncset.done $0x0  }
0x9f: {  	s8 =	rddreg [dreg:$0x1c];
	[sflag:s19] =	ssyncadd.s32 $0xFFFFD800  }
0xa0: {  	[tilespmem:s14], [sflag:$0x2] =	stream.indirect.gather [hbm4b:s2+s12], $0x80, s8, s12, $0xb8;
	[tilespmem:$0x1D800] =	vst v63  }
0xa1: {  	_ =	swait.ge [sflag:s20], $0x2800  }
0xa2: {  	[sflag:s20] =	ssyncset.done $0x0  }
0xa3: {  	s9 =	rddreg [dreg:$0x1d];
	[sflag:s20] =	ssyncadd.s32 $0xFFFFD800  }
0xa4: {  	[spmem:s3] =	stream.indirect.scatter.add.f32 [tilespmem:s15], [sflag:$0x6], $0x80, s9, s12, $0xb8;
	[tilespmem:$0x1D800] =	vst v63  }
0xa5: {  	_ =	swait.ge [sflag:s21], $0x2800  }
0xa6: {  	[sflag:s21] =	ssyncset.done $0x0  }
0xa7: {  	s7 =	rddreg [dreg:$0x1e];
	[sflag:s21] =	ssyncadd.s32 $0xFFFFD800  }
0xa8: {  	[tilespmem:s15], [sflag:$0x3] =	stream.indirect.gather [hbm4b:s2+s12], $0x80, s7, s12, $0xb8;
	[tilespmem:$0x1D800] =	vst v63  }
0xa9: {  	_ =	swait.ge [sflag:s16], $0x2800  }
0xaa: {  	[sflag:s16] =	ssyncset.done $0x0  }
0xab: {  	s8 =	rddreg [dreg:$0x1f];
	[sflag:s16] =	ssyncadd.s32 $0xFFFFD800  }
0xac: {  	[spmem:s3] =	stream.indirect.scatter.add.f32 [tilespmem:s13], [sflag:$0x4], $0x80, s8, s12, $0xb8;
	[tilespmem:$0x1D800] =	vst v63  }
0xad: {  	_ =	swait.ge [sflag:s17], $0x2800  }
0xae: {  	s9 =	sld [smem:$0x7F2]  }
0xaf: {  	[sflag:s17] =	ssyncset.done $0x0  }
0xb0: {  	[sflag:s17] =	ssyncadd.s32 $0xFFFFD800  }
0xb1: {  	[tilespmem:s13], [sflag:$0x1] =	stream.indirect.gather [hbm4b:s2+s12], $0x80, s9, s12, $0xb8;
	[tilespmem:$0x1D800] =	vst v63  }
0xb2: {  	_ =	swait.ge [sflag:s18], $0x2800  }
0xb3: {  	s7 =	sld [smem:$0x7F3]  }
0xb4: {  	[sflag:s18] =	ssyncset.done $0x0  }
0xb5: {  	[sflag:s18] =	ssyncadd.s32 $0xFFFFD800  }
0xb6: {  	[spmem:s3] =	stream.indirect.scatter.add.f32 [tilespmem:s14], [sflag:$0x5], $0x80, s7, s12, $0xb8;
	[tilespmem:$0x1D800] =	vst v63  }
0xb7: {  	_ =	swait.ge [sflag:s19], $0x2800  }
0xb8: {  	s8 =	sld [smem:$0x7F4]  }
0xb9: {  	[sflag:s19] =	ssyncset.done $0x0  }
0xba: {  	[sflag:s19] =	ssyncadd.s32 $0xFFFFD800  }
0xbb: {  	[tilespmem:s14], [sflag:$0x2] =	stream.indirect.gather [hbm4b:s2+s12], $0x80, s8, s12, $0xb8;
	[tilespmem:$0x1D800] =	vst v63  }
0xbc: {  	_ =	swait.ge [sflag:s20], $0x2800  }
0xbd: {  	s9 =	sld [smem:$0x7F5]  }
0xbe: {  	[sflag:s20] =	ssyncset.done $0x0  }
0xbf: {  	[sflag:s20] =	ssyncadd.s32 $0xFFFFD800  }
0xc0: {  	[spmem:s3] =	stream.indirect.scatter.add.f32 [tilespmem:s15], [sflag:$0x6], $0x80, s9, s12, $0xb8;
	[tilespmem:$0x1D800] =	vst v63  }
0xc1: {  	_ =	swait.ge [sflag:s21], $0x2800  }
0xc2: {  	s7 =	sld [smem:$0x7F6]  }
0xc3: {  	[sflag:s21] =	ssyncset.done $0x0  }
0xc4: {  	[sflag:s21] =	ssyncadd.s32 $0xFFFFD800  }
0xc5: {  	[tilespmem:s15], [sflag:$0x3] =	stream.indirect.gather [hbm4b:s2+s12], $0x80, s7, s12, $0xb8;
	[tilespmem:$0x1D800] =	vst v63  }
0xc6: {  	_ =	swait.ge [sflag:s16], $0x2800  }
0xc7: {  	s8 =	sld [smem:$0x7F7]  }
0xc8: {  	[sflag:s16] =	ssyncset.done $0x0  }
0xc9: {  	[sflag:s16] =	ssyncadd.s32 $0xFFFFD800  }
0xca: {  	[spmem:s3] =	stream.indirect.scatter.add.f32 [tilespmem:s13], [sflag:$0x4], $0x80, s8, s12, $0xb8;
	[tilespmem:$0x1D800] =	vst v63  }
0xcb: {  	_ =	swait.ge [sflag:s17], $0x2800  }
0xcc: {  	s9 =	sld [smem:$0x7F8]  }
0xcd: {  	[sflag:s17] =	ssyncset.done $0x0  }
0xce: {  	[sflag:s17] =	ssyncadd.s32 $0xFFFFD800  }
0xcf: {  	[tilespmem:s13], [sflag:$0x1] =	stream.indirect.gather [hbm4b:s2+s12], $0x80, s9, s12, $0xb8;
	[tilespmem:$0x1D800] =	vst v63  }
0xd0: {  	_ =	swait.ge [sflag:s18], $0x2800  }
0xd1: {  	s7 =	sld [smem:$0x7F9]  }
0xd2: {  	[sflag:s18] =	ssyncset.done $0x0  }
0xd3: {  	[sflag:s18] =	ssyncadd.s32 $0xFFFFD800  }
0xd4: {  	[spmem:s3] =	stream.indirect.scatter.add.f32 [tilespmem:s14], [sflag:$0x5], $0x80, s7, s12, $0xb8;
	[tilespmem:$0x1D800] =	vst v63  }
0xd5: {  	_ =	swait.ge [sflag:s19], $0x2800  }
0xd6: {  	s8 =	sld [smem:$0x7FA]  }
0xd7: {  	[sflag:s19] =	ssyncset.done $0x0  }
0xd8: {  	[sflag:s19] =	ssyncadd.s32 $0xFFFFD800  }
0xd9: {  	[tilespmem:s14], [sflag:$0x2] =	stream.indirect.gather [hbm4b:s2+s12], $0x80, s8, s12, $0xb8;
	[tilespmem:$0x1D800] =	vst v63  }
0xda: {  	_ =	swait.ge [sflag:s20], $0x2800  }
0xdb: {  	s9 =	sld [smem:$0x7FB]  }
0xdc: {  	[sflag:s20] =	ssyncset.done $0x0  }
0xdd: {  	[sflag:s20] =	ssyncadd.s32 $0xFFFFD800  }
0xde: {  	[spmem:s3] =	stream.indirect.scatter.add.f32 [tilespmem:s15], [sflag:$0x6], $0x80, s9, s12, $0xb8;
	[tilespmem:$0x1D800] =	vst v63  }
0xdf: {  	_ =	swait.ge [sflag:s21], $0x2800  }
0xe0: {  	[sflag:s21] =	ssyncset.done $0x0  }
0xe1: {  	[sflag:s21] =	ssyncadd.s32 $0xFFFFD800  }
0xe2: {  	[tilespmem:s15], [sflag:$0x3] =	stream.indirect.gather [hbm4b:s2+s12], $0x80, s22, s12, $0xb8;
	[tilespmem:$0x1D800] =	vst v63  }
0xe3: {  	_ =	swait.ge [sflag:s16], $0x2800  }
0xe4: {  	[sflag:s16] =	ssyncset.done $0x0  }
0xe5: {  	[sflag:s16] =	ssyncadd.s32 $0xFFFFD800  }
0xe6: {  	[spmem:s3] =	stream.indirect.scatter.add.f32 [tilespmem:s13], [sflag:$0x4], $0x80, s23, s12, $0xb8;
	[tilespmem:$0x1D800] =	vst v63  }
0xe7: {  	_ =	swait.ge [sflag:s17], $0x2800  }
0xe8: {  	[sflag:s17] =	ssyncset.done $0x0  }
0xe9: {  	[sflag:s17] =	ssyncadd.s32 $0xFFFFD800  }
0xea: {  	[tilespmem:s13], [sflag:$0x1] =	stream.indirect.gather [hbm4b:s2+s12], $0x80, s24, s12, $0xb8;
	[tilespmem:$0x1D800] =	vst v63  }
0xeb: {  	_ =	swait.ge [sflag:s18], $0x2800  }
0xec: {  	[sflag:s18] =	ssyncset.done $0x0  }
0xed: {  	[sflag:s18] =	ssyncadd.s32 $0xFFFFD800  }
0xee: {  	[spmem:s3] =	stream.indirect.scatter.add.f32 [tilespmem:s14], [sflag:$0x5], $0x80, s25, s12, $0xb8;
	[tilespmem:$0x1D800] =	vst v63  }
0xef: {  	_ =	swait.ge [sflag:s19], $0x2800  }
0xf0: {  	[sflag:s19] =	ssyncset.done $0x0  }
0xf1: {  	[sflag:s19] =	ssyncadd.s32 $0xFFFFD800  }
0xf2: {  	[tilespmem:s14], [sflag:$0x2] =	stream.indirect.gather [hbm4b:s2+s12], $0x80, s26, s12, $0xb8;
	[tilespmem:$0x1D800] =	vst v63  }
0xf3: {  	_ =	swait.ge [sflag:s20], $0x2800  }
0xf4: {  	[sflag:s20] =	ssyncset.done $0x0  }
0xf5: {  	[sflag:s20] =	ssyncadd.s32 $0xFFFFD800  }
0xf6: {  	[spmem:s3] =	stream.indirect.scatter.add.f32 [tilespmem:s15], [sflag:$0x6], $0x80, s28, s12, $0xb8;
	[tilespmem:$0x1D800] =	vst v63  }
0xf7: {  	_ =	swait.ge [sflag:s21], $0x2800  }
0xf8: {  	[sflag:s21] =	ssyncset.done $0x0  }
0xf9: {  	[sflag:s21] =	ssyncadd.s32 $0xFFFFD800  }
0xfa: {  	[tilespmem:s15], [sflag:$0x3] =	stream.indirect.gather [hbm4b:s2+s12], $0x80, s29, s12, $0xb8;
	[tilespmem:$0x1D800] =	vst v63  }
0xfb: {  	_ =	swait.ge [sflag:s16], $0x2800  }
0xfc: {  	[sflag:s16] =	ssyncset.done $0x0  }
0xfd: {  	[sflag:s16] =	ssyncadd.s32 $0xFFFFD800  }
0xfe: {  	[spmem:s3] =	stream.indirect.scatter.add.f32 [tilespmem:s13], [sflag:$0x4], $0x80, s30, s12, $0xb8;
	[tilespmem:$0x1D800] =	vst v63  }
0xff: {  	_ =	swait.ge [sflag:s17], $0x2800  }
0x100: {  	[sflag:s17] =	ssyncset.done $0x0  }
0x101: {  	[sflag:s17] =	ssyncadd.s32 $0xFFFFD800  }
0x102: {  	[tilespmem:s13], [sflag:$0x1] =	stream.indirect.gather [hbm4b:s2+s12], $0x80, s31, s12, $0xb8;
	[tilespmem:$0x1D800] =	vst v63  }
0x103: {  	_ =	swait.ge [sflag:s18], $0x2800  }
0x104: {  	[sflag:s18] =	ssyncset.done $0x0  }
0x105: {  	[sflag:s18] =	ssyncadd.s32 $0xFFFFD800  }
0x106: {  	[spmem:s3] =	stream.indirect.scatter.add.f32 [tilespmem:s14], [sflag:$0x5], $0x80, s1, s12, $0xb8;
	[tilespmem:$0x1D800] =	vst v63  }
0x107: {  	_ =	swait.ge [sflag:s19], $0x2800  }
0x108: {  	[sflag:s19] =	ssyncset.done $0x0  }
0x109: {  	[sflag:s19] =	ssyncadd.s32 $0xFFFFD800  }
0x10a: {  	_ =	swait.ge [sflag:s20], $0x2800  }
0x10b: {  	[sflag:s20] =	ssyncset.done $0x0  }
0x10c: {  	[sflag:s20] =	ssyncadd.s32 $0xFFFFD800  }
0x10d: {  	[spmem:s3] =	stream.indirect.scatter.add.f32 [tilespmem:s15], [sflag:$0x6], $0x80, s0, s12, $0xb8;
	[tilespmem:$0x1D800] =	vst v63  }
0x10e: {  	_ =	swait.ge [sflag:s21], $0x2800  }
0x10f: {  	[sflag:s21] =	ssyncset.done $0x0  }
0x110: {  	[sflag:s21] =	ssyncadd.s32 $0xFFFFD800  }
0x111: {  	_ =	swait.ge [sflag:s16], $0x2800  }
0x112: {  	[sflag:s16] =	ssyncset.done $0x0  }
0x113: {  	[sflag:s16] =	ssyncadd.s32 $0xFFFFD800  }
0x114: {  	[spmem:s3] =	stream.indirect.scatter.add.f32 [tilespmem:s13], [sflag:$0x4], $0x80, s5, s12, $0xb8;
	[tilespmem:$0x1D800] =	vst v63  }
0x115: {  	s6 =	simm.s32 $0x400;
	_ =	swait.ge [sflag:s17], $0x2800  }
0x116: {  	s8 =	simm.s32 $0x200;
	s9 =	rddreg [dreg:$0x5];
	[sflag:s17] =	ssyncset.done $0x0  }
.LBB2_2:
0x117: {  	[sflag:s17] =	ssyncadd.s32 $0xFFFFD800;
	s9 =	sadd.s32 s8, s9  }
0x118: {  	[tilespmem:s4], [sflag:$0x7] =	stream.linear.gather [hbm4b:s9+s4], $0xC80, $0x38;
	[tilespmem:$0x1D800] =	vst v63  }
0x119: {  	_ =	swait.ge [sflag:s10], $0xC80  }
0x11a: {  	s9 =	rddreg [dreg:$0x4];
	[sflag:s10] =	ssyncset.done $0x0  }
0x11b: {  	[sflag:s10] =	ssyncadd.s32 $0xFFFFF380;
	s9 =	sadd.s32 s8, s9  }
0x11c: {  	[tilespmem:s11], [sflag:$0x7] =	stream.linear.gather [hbm4b:s9+s4], $0xC80, $0x38;
	[tilespmem:$0x1D800] =	vst v63  }
0x11d: {  	_ =	swait.ge [sflag:s10], $0xC80  }
0x11e: {  	[sflag:s10] =	ssyncset.done $0x0  }
0x11f: {  	s7 =	smov.u32 s6;
	[sflag:s10] =	ssyncadd.s32 $0xFFFFF380  }
0x120: {  	[tilespmem:s13], [sflag:$0x1] =	stream.indirect.gather [hbm4b:s2+s12], $0x80, s4, s12, $0xb8;
	[tilespmem:$0x1D800] =	vst v63  }
0x121: {  	s8 =	smov.u32 s7;
	s7 =	rddreg [dreg:$0x6]  }
0x122: {  	[tilespmem:s14], [sflag:$0x2] =	stream.indirect.gather [hbm4b:s2+s12], $0x80, s7, s12, $0xb8;
	[tilespmem:$0x1D800] =	vst v63  }
0x123: {  	s9 =	rddreg [dreg:$0x7]  }
0x124: {  	[tilespmem:s15], [sflag:$0x3] =	stream.indirect.gather [hbm4b:s2+s12], $0x80, s9, s12, $0xb8;
	[tilespmem:$0x1D800] =	vst v63  }
0x125: {  	_ =	swait.ge [sflag:s16], $0x2800  }
0x126: {  	[sflag:s16] =	ssyncset.done $0x0  }
0x127: {  	[sflag:s16] =	ssyncadd.s32 $0xFFFFD800  }
0x128: {  	[spmem:s3] =	stream.indirect.scatter.add.f32 [tilespmem:s13], [sflag:$0x4], $0x80, s11, s12, $0xb8;
	[tilespmem:$0x1D800] =	vst v63  }
0x129: {  	_ =	swait.ge [sflag:s17], $0x2800  }
0x12a: {  	[sflag:s17] =	ssyncset.done $0x0  }
0x12b: {  	s9 =	rddreg [dreg:$0x8];
	[sflag:s17] =	ssyncadd.s32 $0xFFFFD800  }
0x12c: {  	[tilespmem:s13], [sflag:$0x1] =	stream.indirect.gather [hbm4b:s2+s12], $0x80, s9, s12, $0xb8;
	[tilespmem:$0x1D800] =	vst v63  }
0x12d: {  	_ =	swait.ge [sflag:s18], $0x2800  }
0x12e: {  	[sflag:s18] =	ssyncset.done $0x0  }
0x12f: {  	s9 =	rddreg [dreg:$0x9];
	[sflag:s18] =	ssyncadd.s32 $0xFFFFD800  }
0x130: {  	[spmem:s3] =	stream.indirect.scatter.add.f32 [tilespmem:s14], [sflag:$0x5], $0x80, s9, s12, $0xb8;
	[tilespmem:$0x1D800] =	vst v63  }
0x131: {  	_ =	swait.ge [sflag:s19], $0x2800  }
0x132: {  	[sflag:s19] =	ssyncset.done $0x0  }
0x133: {  	s9 =	rddreg [dreg:$0xa];
	[sflag:s19] =	ssyncadd.s32 $0xFFFFD800  }
0x134: {  	[tilespmem:s14], [sflag:$0x2] =	stream.indirect.gather [hbm4b:s2+s12], $0x80, s9, s12, $0xb8;
	[tilespmem:$0x1D800] =	vst v63  }
0x135: {  	_ =	swait.ge [sflag:s20], $0x2800  }
0x136: {  	[sflag:s20] =	ssyncset.done $0x0  }
0x137: {  	s9 =	rddreg [dreg:$0xb];
	[sflag:s20] =	ssyncadd.s32 $0xFFFFD800  }
0x138: {  	[spmem:s3] =	stream.indirect.scatter.add.f32 [tilespmem:s15], [sflag:$0x6], $0x80, s9, s12, $0xb8;
	[tilespmem:$0x1D800] =	vst v63  }
0x139: {  	_ =	swait.ge [sflag:s21], $0x2800  }
0x13a: {  	[sflag:s21] =	ssyncset.done $0x0  }
0x13b: {  	s9 =	rddreg [dreg:$0xc];
	[sflag:s21] =	ssyncadd.s32 $0xFFFFD800  }
0x13c: {  	[tilespmem:s15], [sflag:$0x3] =	stream.indirect.gather [hbm4b:s2+s12], $0x80, s9, s12, $0xb8;
	[tilespmem:$0x1D800] =	vst v63  }
0x13d: {  	_ =	swait.ge [sflag:s16], $0x2800  }
0x13e: {  	[sflag:s16] =	ssyncset.done $0x0  }
0x13f: {  	s9 =	rddreg [dreg:$0xd];
	[sflag:s16] =	ssyncadd.s32 $0xFFFFD800  }
0x140: {  	[spmem:s3] =	stream.indirect.scatter.add.f32 [tilespmem:s13], [sflag:$0x4], $0x80, s9, s12, $0xb8;
	[tilespmem:$0x1D800] =	vst v63  }
0x141: {  	_ =	swait.ge [sflag:s17], $0x2800  }
0x142: {  	[sflag:s17] =	ssyncset.done $0x0  }
0x143: {  	s9 =	rddreg [dreg:$0xe];
	[sflag:s17] =	ssyncadd.s32 $0xFFFFD800  }
0x144: {  	[tilespmem:s13], [sflag:$0x1] =	stream.indirect.gather [hbm4b:s2+s12], $0x80, s9, s12, $0xb8;
	[tilespmem:$0x1D800] =	vst v63  }
0x145: {  	_ =	swait.ge [sflag:s18], $0x2800  }
0x146: {  	[sflag:s18] =	ssyncset.done $0x0  }
0x147: {  	s9 =	rddreg [dreg:$0xf];
	[sflag:s18] =	ssyncadd.s32 $0xFFFFD800  }
0x148: {  	[spmem:s3] =	stream.indirect.scatter.add.f32 [tilespmem:s14], [sflag:$0x5], $0x80, s9, s12, $0xb8;
	[tilespmem:$0x1D800] =	vst v63  }
0x149: {  	_ =	swait.ge [sflag:s19], $0x2800  }
0x14a: {  	[sflag:s19] =	ssyncset.done $0x0  }
0x14b: {  	s9 =	rddreg [dreg:$0x10];
	[sflag:s19] =	ssyncadd.s32 $0xFFFFD800  }
0x14c: {  	[tilespmem:s14], [sflag:$0x2] =	stream.indirect.gather [hbm4b:s2+s12], $0x80, s9, s12, $0xb8;
	[tilespmem:$0x1D800] =	vst v63  }
0x14d: {  	_ =	swait.ge [sflag:s20], $0x2800  }
0x14e: {  	[sflag:s20] =	ssyncset.done $0x0  }
0x14f: {  	s9 =	rddreg [dreg:$0x11];
	[sflag:s20] =	ssyncadd.s32 $0xFFFFD800  }
0x150: {  	[spmem:s3] =	stream.indirect.scatter.add.f32 [tilespmem:s15], [sflag:$0x6], $0x80, s9, s12, $0xb8;
	[tilespmem:$0x1D800] =	vst v63  }
0x151: {  	_ =	swait.ge [sflag:s21], $0x2800  }
0x152: {  	[sflag:s21] =	ssyncset.done $0x0  }
0x153: {  	s9 =	rddreg [dreg:$0x12];
	[sflag:s21] =	ssyncadd.s32 $0xFFFFD800  }
0x154: {  	[tilespmem:s15], [sflag:$0x3] =	stream.indirect.gather [hbm4b:s2+s12], $0x80, s9, s12, $0xb8;
	[tilespmem:$0x1D800] =	vst v63  }
0x155: {  	_ =	swait.ge [sflag:s16], $0x2800  }
0x156: {  	[sflag:s16] =	ssyncset.done $0x0  }
0x157: {  	s9 =	rddreg [dreg:$0x13];
	[sflag:s16] =	ssyncadd.s32 $0xFFFFD800  }
0x158: {  	[spmem:s3] =	stream.indirect.scatter.add.f32 [tilespmem:s13], [sflag:$0x4], $0x80, s9, s12, $0xb8;
	[tilespmem:$0x1D800] =	vst v63  }
0x159: {  	_ =	swait.ge [sflag:s17], $0x2800  }
0x15a: {  	[sflag:s17] =	ssyncset.done $0x0  }
0x15b: {  	s9 =	rddreg [dreg:$0x14];
	[sflag:s17] =	ssyncadd.s32 $0xFFFFD800  }
0x15c: {  	[tilespmem:s13], [sflag:$0x1] =	stream.indirect.gather [hbm4b:s2+s12], $0x80, s9, s12, $0xb8;
	[tilespmem:$0x1D800] =	vst v63  }
0x15d: {  	_ =	swait.ge [sflag:s18], $0x2800  }
0x15e: {  	[sflag:s18] =	ssyncset.done $0x0  }
0x15f: {  	s9 =	rddreg [dreg:$0x15];
	[sflag:s18] =	ssyncadd.s32 $0xFFFFD800  }
0x160: {  	[spmem:s3] =	stream.indirect.scatter.add.f32 [tilespmem:s14], [sflag:$0x5], $0x80, s9, s12, $0xb8;
	[tilespmem:$0x1D800] =	vst v63  }
0x161: {  	_ =	swait.ge [sflag:s19], $0x2800  }
0x162: {  	[sflag:s19] =	ssyncset.done $0x0  }
0x163: {  	s9 =	rddreg [dreg:$0x16];
	[sflag:s19] =	ssyncadd.s32 $0xFFFFD800  }
0x164: {  	[tilespmem:s14], [sflag:$0x2] =	stream.indirect.gather [hbm4b:s2+s12], $0x80, s9, s12, $0xb8;
	[tilespmem:$0x1D800] =	vst v63  }
0x165: {  	_ =	swait.ge [sflag:s20], $0x2800  }
0x166: {  	[sflag:s20] =	ssyncset.done $0x0  }
0x167: {  	s9 =	rddreg [dreg:$0x17];
	[sflag:s20] =	ssyncadd.s32 $0xFFFFD800  }
0x168: {  	[spmem:s3] =	stream.indirect.scatter.add.f32 [tilespmem:s15], [sflag:$0x6], $0x80, s9, s12, $0xb8;
	[tilespmem:$0x1D800] =	vst v63  }
0x169: {  	_ =	swait.ge [sflag:s21], $0x2800  }
0x16a: {  	[sflag:s21] =	ssyncset.done $0x0  }
0x16b: {  	s9 =	rddreg [dreg:$0x18];
	[sflag:s21] =	ssyncadd.s32 $0xFFFFD800  }
0x16c: {  	[tilespmem:s15], [sflag:$0x3] =	stream.indirect.gather [hbm4b:s2+s12], $0x80, s9, s12, $0xb8;
	[tilespmem:$0x1D800] =	vst v63  }
0x16d: {  	_ =	swait.ge [sflag:s16], $0x2800  }
0x16e: {  	[sflag:s16] =	ssyncset.done $0x0  }
0x16f: {  	s9 =	rddreg [dreg:$0x19];
	[sflag:s16] =	ssyncadd.s32 $0xFFFFD800  }
0x170: {  	[spmem:s3] =	stream.indirect.scatter.add.f32 [tilespmem:s13], [sflag:$0x4], $0x80, s9, s12, $0xb8;
	[tilespmem:$0x1D800] =	vst v63  }
0x171: {  	_ =	swait.ge [sflag:s17], $0x2800  }
0x172: {  	[sflag:s17] =	ssyncset.done $0x0  }
0x173: {  	s9 =	rddreg [dreg:$0x1a];
	[sflag:s17] =	ssyncadd.s32 $0xFFFFD800  }
0x174: {  	[tilespmem:s13], [sflag:$0x1] =	stream.indirect.gather [hbm4b:s2+s12], $0x80, s9, s12, $0xb8;
	[tilespmem:$0x1D800] =	vst v63  }
0x175: {  	_ =	swait.ge [sflag:s18], $0x2800  }
0x176: {  	[sflag:s18] =	ssyncset.done $0x0  }
0x177: {  	s9 =	rddreg [dreg:$0x1b];
	[sflag:s18] =	ssyncadd.s32 $0xFFFFD800  }
0x178: {  	[spmem:s3] =	stream.indirect.scatter.add.f32 [tilespmem:s14], [sflag:$0x5], $0x80, s9, s12, $0xb8;
	[tilespmem:$0x1D800] =	vst v63  }
0x179: {  	_ =	swait.ge [sflag:s19], $0x2800  }
0x17a: {  	[sflag:s19] =	ssyncset.done $0x0  }
0x17b: {  	s9 =	rddreg [dreg:$0x1c];
	[sflag:s19] =	ssyncadd.s32 $0xFFFFD800  }
0x17c: {  	[tilespmem:s14], [sflag:$0x2] =	stream.indirect.gather [hbm4b:s2+s12], $0x80, s9, s12, $0xb8;
	[tilespmem:$0x1D800] =	vst v63  }
0x17d: {  	_ =	swait.ge [sflag:s20], $0x2800  }
0x17e: {  	[sflag:s20] =	ssyncset.done $0x0  }
0x17f: {  	s9 =	rddreg [dreg:$0x1d];
	[sflag:s20] =	ssyncadd.s32 $0xFFFFD800  }
0x180: {  	[spmem:s3] =	stream.indirect.scatter.add.f32 [tilespmem:s15], [sflag:$0x6], $0x80, s9, s12, $0xb8;
	[tilespmem:$0x1D800] =	vst v63  }
0x181: {  	_ =	swait.ge [sflag:s21], $0x2800  }
0x182: {  	[sflag:s21] =	ssyncset.done $0x0  }
0x183: {  	s9 =	rddreg [dreg:$0x1e];
	[sflag:s21] =	ssyncadd.s32 $0xFFFFD800  }
0x184: {  	[tilespmem:s15], [sflag:$0x3] =	stream.indirect.gather [hbm4b:s2+s12], $0x80, s9, s12, $0xb8;
	[tilespmem:$0x1D800] =	vst v63  }
0x185: {  	_ =	swait.ge [sflag:s16], $0x2800  }
0x186: {  	[sflag:s16] =	ssyncset.done $0x0  }
0x187: {  	s9 =	rddreg [dreg:$0x1f];
	[sflag:s16] =	ssyncadd.s32 $0xFFFFD800  }
0x188: {  	[spmem:s3] =	stream.indirect.scatter.add.f32 [tilespmem:s13], [sflag:$0x4], $0x80, s9, s12, $0xb8;
	[tilespmem:$0x1D800] =	vst v63  }
0x189: {  	_ =	swait.ge [sflag:s17], $0x2800  }
0x18a: {  	s9 =	sld [smem:$0x7F2]  }
0x18b: {  	[sflag:s17] =	ssyncset.done $0x0  }
0x18c: {  	[sflag:s17] =	ssyncadd.s32 $0xFFFFD800  }
0x18d: {  	[tilespmem:s13], [sflag:$0x1] =	stream.indirect.gather [hbm4b:s2+s12], $0x80, s9, s12, $0xb8;
	[tilespmem:$0x1D800] =	vst v63  }
0x18e: {  	_ =	swait.ge [sflag:s18], $0x2800  }
0x18f: {  	s9 =	sld [smem:$0x7F3]  }
0x190: {  	[sflag:s18] =	ssyncset.done $0x0  }
0x191: {  	[sflag:s18] =	ssyncadd.s32 $0xFFFFD800  }
0x192: {  	[spmem:s3] =	stream.indirect.scatter.add.f32 [tilespmem:s14], [sflag:$0x5], $0x80, s9, s12, $0xb8;
	[tilespmem:$0x1D800] =	vst v63  }
0x193: {  	_ =	swait.ge [sflag:s19], $0x2800  }
0x194: {  	s9 =	sld [smem:$0x7F4]  }
0x195: {  	[sflag:s19] =	ssyncset.done $0x0  }
0x196: {  	[sflag:s19] =	ssyncadd.s32 $0xFFFFD800  }
0x197: {  	[tilespmem:s14], [sflag:$0x2] =	stream.indirect.gather [hbm4b:s2+s12], $0x80, s9, s12, $0xb8;
	[tilespmem:$0x1D800] =	vst v63  }
0x198: {  	_ =	swait.ge [sflag:s20], $0x2800  }
0x199: {  	s9 =	sld [smem:$0x7F5]  }
0x19a: {  	[sflag:s20] =	ssyncset.done $0x0  }
0x19b: {  	[sflag:s20] =	ssyncadd.s32 $0xFFFFD800  }
0x19c: {  	[spmem:s3] =	stream.indirect.scatter.add.f32 [tilespmem:s15], [sflag:$0x6], $0x80, s9, s12, $0xb8;
	[tilespmem:$0x1D800] =	vst v63  }
0x19d: {  	_ =	swait.ge [sflag:s21], $0x2800  }
0x19e: {  	s9 =	sld [smem:$0x7F6]  }
0x19f: {  	[sflag:s21] =	ssyncset.done $0x0  }
0x1a0: {  	[sflag:s21] =	ssyncadd.s32 $0xFFFFD800  }
0x1a1: {  	[tilespmem:s15], [sflag:$0x3] =	stream.indirect.gather [hbm4b:s2+s12], $0x80, s9, s12, $0xb8;
	[tilespmem:$0x1D800] =	vst v63  }
0x1a2: {  	_ =	swait.ge [sflag:s16], $0x2800  }
0x1a3: {  	s9 =	sld [smem:$0x7F7]  }
0x1a4: {  	[sflag:s16] =	ssyncset.done $0x0  }
0x1a5: {  	[sflag:s16] =	ssyncadd.s32 $0xFFFFD800  }
0x1a6: {  	[spmem:s3] =	stream.indirect.scatter.add.f32 [tilespmem:s13], [sflag:$0x4], $0x80, s9, s12, $0xb8;
	[tilespmem:$0x1D800] =	vst v63  }
0x1a7: {  	_ =	swait.ge [sflag:s17], $0x2800  }
0x1a8: {  	s9 =	sld [smem:$0x7F8]  }
0x1a9: {  	[sflag:s17] =	ssyncset.done $0x0  }
0x1aa: {  	[sflag:s17] =	ssyncadd.s32 $0xFFFFD800  }
0x1ab: {  	[tilespmem:s13], [sflag:$0x1] =	stream.indirect.gather [hbm4b:s2+s12], $0x80, s9, s12, $0xb8;
	[tilespmem:$0x1D800] =	vst v63  }
0x1ac: {  	_ =	swait.ge [sflag:s18], $0x2800  }
0x1ad: {  	s9 =	sld [smem:$0x7F9]  }
0x1ae: {  	[sflag:s18] =	ssyncset.done $0x0  }
0x1af: {  	[sflag:s18] =	ssyncadd.s32 $0xFFFFD800  }
0x1b0: {  	[spmem:s3] =	stream.indirect.scatter.add.f32 [tilespmem:s14], [sflag:$0x5], $0x80, s9, s12, $0xb8;
	[tilespmem:$0x1D800] =	vst v63  }
0x1b1: {  	_ =	swait.ge [sflag:s19], $0x2800  }
0x1b2: {  	s9 =	sld [smem:$0x7FA]  }
0x1b3: {  	[sflag:s19] =	ssyncset.done $0x0  }
0x1b4: {  	[sflag:s19] =	ssyncadd.s32 $0xFFFFD800  }
0x1b5: {  	[tilespmem:s14], [sflag:$0x2] =	stream.indirect.gather [hbm4b:s2+s12], $0x80, s9, s12, $0xb8;
	[tilespmem:$0x1D800] =	vst v63  }
0x1b6: {  	_ =	swait.ge [sflag:s20], $0x2800  }
0x1b7: {  	s9 =	sld [smem:$0x7FB]  }
0x1b8: {  	[sflag:s20] =	ssyncset.done $0x0  }
0x1b9: {  	[sflag:s20] =	ssyncadd.s32 $0xFFFFD800  }
0x1ba: {  	[spmem:s3] =	stream.indirect.scatter.add.f32 [tilespmem:s15], [sflag:$0x6], $0x80, s9, s12, $0xb8;
	[tilespmem:$0x1D800] =	vst v63  }
0x1bb: {  	_ =	swait.ge [sflag:s21], $0x2800  }
0x1bc: {  	[sflag:s21] =	ssyncset.done $0x0  }
0x1bd: {  	[sflag:s21] =	ssyncadd.s32 $0xFFFFD800  }
0x1be: {  	[tilespmem:s15], [sflag:$0x3] =	stream.indirect.gather [hbm4b:s2+s12], $0x80, s22, s12, $0xb8;
	[tilespmem:$0x1D800] =	vst v63  }
0x1bf: {  	_ =	swait.ge [sflag:s16], $0x2800  }
0x1c0: {  	[sflag:s16] =	ssyncset.done $0x0  }
0x1c1: {  	[sflag:s16] =	ssyncadd.s32 $0xFFFFD800  }
0x1c2: {  	[spmem:s3] =	stream.indirect.scatter.add.f32 [tilespmem:s13], [sflag:$0x4], $0x80, s23, s12, $0xb8;
	[tilespmem:$0x1D800] =	vst v63  }
0x1c3: {  	_ =	swait.ge [sflag:s17], $0x2800  }
0x1c4: {  	[sflag:s17] =	ssyncset.done $0x0  }
0x1c5: {  	[sflag:s17] =	ssyncadd.s32 $0xFFFFD800  }
0x1c6: {  	[tilespmem:s13], [sflag:$0x1] =	stream.indirect.gather [hbm4b:s2+s12], $0x80, s24, s12, $0xb8;
	[tilespmem:$0x1D800] =	vst v63  }
0x1c7: {  	_ =	swait.ge [sflag:s18], $0x2800  }
0x1c8: {  	[sflag:s18] =	ssyncset.done $0x0  }
0x1c9: {  	[sflag:s18] =	ssyncadd.s32 $0xFFFFD800  }
0x1ca: {  	[spmem:s3] =	stream.indirect.scatter.add.f32 [tilespmem:s14], [sflag:$0x5], $0x80, s25, s12, $0xb8;
	[tilespmem:$0x1D800] =	vst v63  }
0x1cb: {  	_ =	swait.ge [sflag:s19], $0x2800  }
0x1cc: {  	[sflag:s19] =	ssyncset.done $0x0  }
0x1cd: {  	[sflag:s19] =	ssyncadd.s32 $0xFFFFD800  }
0x1ce: {  	[tilespmem:s14], [sflag:$0x2] =	stream.indirect.gather [hbm4b:s2+s12], $0x80, s26, s12, $0xb8;
	[tilespmem:$0x1D800] =	vst v63  }
0x1cf: {  	_ =	swait.ge [sflag:s20], $0x2800  }
0x1d0: {  	[sflag:s20] =	ssyncset.done $0x0  }
0x1d1: {  	[sflag:s20] =	ssyncadd.s32 $0xFFFFD800  }
0x1d2: {  	[spmem:s3] =	stream.indirect.scatter.add.f32 [tilespmem:s15], [sflag:$0x6], $0x80, s28, s12, $0xb8;
	[tilespmem:$0x1D800] =	vst v63  }
0x1d3: {  	_ =	swait.ge [sflag:s21], $0x2800  }
0x1d4: {  	[sflag:s21] =	ssyncset.done $0x0  }
0x1d5: {  	[sflag:s21] =	ssyncadd.s32 $0xFFFFD800  }
0x1d6: {  	[tilespmem:s15], [sflag:$0x3] =	stream.indirect.gather [hbm4b:s2+s12], $0x80, s29, s12, $0xb8;
	[tilespmem:$0x1D800] =	vst v63  }
0x1d7: {  	_ =	swait.ge [sflag:s16], $0x2800  }
0x1d8: {  	[sflag:s16] =	ssyncset.done $0x0  }
0x1d9: {  	[sflag:s16] =	ssyncadd.s32 $0xFFFFD800  }
0x1da: {  	[spmem:s3] =	stream.indirect.scatter.add.f32 [tilespmem:s13], [sflag:$0x4], $0x80, s30, s12, $0xb8;
	[tilespmem:$0x1D800] =	vst v63  }
0x1db: {  	_ =	swait.ge [sflag:s17], $0x2800  }
0x1dc: {  	[sflag:s17] =	ssyncset.done $0x0  }
0x1dd: {  	[sflag:s17] =	ssyncadd.s32 $0xFFFFD800  }
0x1de: {  	[tilespmem:s13], [sflag:$0x1] =	stream.indirect.gather [hbm4b:s2+s12], $0x80, s31, s12, $0xb8;
	[tilespmem:$0x1D800] =	vst v63  }
0x1df: {  	_ =	swait.ge [sflag:s18], $0x2800  }
0x1e0: {  	[sflag:s18] =	ssyncset.done $0x0  }
0x1e1: {  	[sflag:s18] =	ssyncadd.s32 $0xFFFFD800  }
0x1e2: {  	[spmem:s3] =	stream.indirect.scatter.add.f32 [tilespmem:s14], [sflag:$0x5], $0x80, s1, s12, $0xb8;
	[tilespmem:$0x1D800] =	vst v63  }
0x1e3: {  	_ =	swait.ge [sflag:s19], $0x2800  }
0x1e4: {  	[sflag:s19] =	ssyncset.done $0x0  }
0x1e5: {  	[sflag:s19] =	ssyncadd.s32 $0xFFFFD800  }
0x1e6: {  	_ =	swait.ge [sflag:s20], $0x2800  }
0x1e7: {  	[sflag:s20] =	ssyncset.done $0x0  }
0x1e8: {  	[sflag:s20] =	ssyncadd.s32 $0xFFFFD800  }
0x1e9: {  	[spmem:s3] =	stream.indirect.scatter.add.f32 [tilespmem:s15], [sflag:$0x6], $0x80, s0, s12, $0xb8;
	[tilespmem:$0x1D800] =	vst v63  }
0x1ea: {  	_ =	swait.ge [sflag:s21], $0x2800  }
0x1eb: {  	[sflag:s21] =	ssyncset.done $0x0  }
0x1ec: {  	[sflag:s21] =	ssyncadd.s32 $0xFFFFD800  }
0x1ed: {  	p0 =	sne.s32 s6, $0x800;
	_ =	swait.ge [sflag:s16], $0x2800  }
.Ltmp0:
0x1ee: {  	[sflag:s16] =	ssyncset.done $0x0;
	(pc) =	sbr.rel @p0 .LBB2_2-.Ltmp0, $4  }
0x1ef: {  	[sflag:s16] =	ssyncadd.s32 $0xFFFFD800  }
0x1f0: {  	[spmem:s3] =	stream.indirect.scatter.add.f32 [tilespmem:s13], [sflag:$0x4], $0x80, s5, s12, $0xb8;
	[tilespmem:$0x1D800] =	vst v63  }
0x1f1: {  	_ =	swait.ge [sflag:s17], $0x2800  }
0x1f2: {  	s6 =	sadd.s32 $0x200, s6;
	s9 =	rddreg [dreg:$0x5];
	[sflag:s17] =	ssyncset.done $0x0  }
0x1f3: {  	[sflag:s17] =	ssyncadd.s32 $0xFFFFD800;
	s6 =	sadd.s32 s8, s9  }
0x1f4: {  	[tilespmem:s4], [sflag:$0x7] =	stream.linear.gather [hbm4b:s6+s4], $0xC80, $0x38;
	[tilespmem:$0x1D800] =	vst v63  }
0x1f5: {  	_ =	swait.ge [sflag:s10], $0xC80  }
0x1f6: {  	s7 =	rddreg [dreg:$0x4];
	[sflag:s10] =	ssyncset.done $0x0  }
0x1f7: {  	[sflag:s10] =	ssyncadd.s32 $0xFFFFF380;
	s6 =	sadd.s32 s8, s7  }
0x1f8: {  	[tilespmem:s11], [sflag:$0x7] =	stream.linear.gather [hbm4b:s6+s4], $0xC80, $0x38;
	[tilespmem:$0x1D800] =	vst v63  }
0x1f9: {  	_ =	swait.ge [sflag:s10], $0xC80  }
0x1fa: {  	[sflag:s10] =	ssyncset.done $0x0  }
0x1fb: {  	[sflag:s10] =	ssyncadd.s32 $0xFFFFF380  }
0x1fc: {  	[tilespmem:s13], [sflag:$0x1] =	stream.indirect.gather [hbm4b:s2+s12], $0x80, s4, s12, $0xb8;
	[tilespmem:$0x1D800] =	vst v63  }
0x1fd: {  	s9 =	rddreg [dreg:$0x6]  }
0x1fe: {  	[tilespmem:s14], [sflag:$0x2] =	stream.indirect.gather [hbm4b:s2+s12], $0x80, s9, s12, $0xb8;
	[tilespmem:$0x1D800] =	vst v63  }
0x1ff: {  	s7 =	rddreg [dreg:$0x7]  }
0x200: {  	[tilespmem:s15], [sflag:$0x3] =	stream.indirect.gather [hbm4b:s2+s12], $0x80, s7, s12, $0xb8;
	[tilespmem:$0x1D800] =	vst v63  }
0x201: {  	_ =	swait.ge [sflag:s16], $0x2800  }
0x202: {  	[sflag:s16] =	ssyncset.done $0x0  }
0x203: {  	[sflag:s16] =	ssyncadd.s32 $0xFFFFD800  }
0x204: {  	[spmem:s3] =	stream.indirect.scatter.add.f32 [tilespmem:s13], [sflag:$0x4], $0x80, s11, s12, $0xb8;
	[tilespmem:$0x1D800] =	vst v63  }
0x205: {  	_ =	swait.ge [sflag:s17], $0x2800  }
0x206: {  	[sflag:s17] =	ssyncset.done $0x0  }
0x207: {  	s8 =	rddreg [dreg:$0x8];
	[sflag:s17] =	ssyncadd.s32 $0xFFFFD800  }
0x208: {  	[tilespmem:s13], [sflag:$0x1] =	stream.indirect.gather [hbm4b:s2+s12], $0x80, s8, s12, $0xb8;
	[tilespmem:$0x1D800] =	vst v63  }
0x209: {  	_ =	swait.ge [sflag:s18], $0x2800  }
0x20a: {  	[sflag:s18] =	ssyncset.done $0x0  }
0x20b: {  	s9 =	rddreg [dreg:$0x9];
	[sflag:s18] =	ssyncadd.s32 $0xFFFFD800  }
0x20c: {  	[spmem:s3] =	stream.indirect.scatter.add.f32 [tilespmem:s14], [sflag:$0x5], $0x80, s9, s12, $0xb8;
	[tilespmem:$0x1D800] =	vst v63  }
0x20d: {  	_ =	swait.ge [sflag:s19], $0x2800  }
0x20e: {  	[sflag:s19] =	ssyncset.done $0x0  }
0x20f: {  	s7 =	rddreg [dreg:$0xa];
	[sflag:s19] =	ssyncadd.s32 $0xFFFFD800  }
0x210: {  	[tilespmem:s14], [sflag:$0x2] =	stream.indirect.gather [hbm4b:s2+s12], $0x80, s7, s12, $0xb8;
	[tilespmem:$0x1D800] =	vst v63  }
0x211: {  	_ =	swait.ge [sflag:s20], $0x2800  }
0x212: {  	[sflag:s20] =	ssyncset.done $0x0  }
0x213: {  	s8 =	rddreg [dreg:$0xb];
	[sflag:s20] =	ssyncadd.s32 $0xFFFFD800  }
0x214: {  	[spmem:s3] =	stream.indirect.scatter.add.f32 [tilespmem:s15], [sflag:$0x6], $0x80, s8, s12, $0xb8;
	[tilespmem:$0x1D800] =	vst v63  }
0x215: {  	_ =	swait.ge [sflag:s21], $0x2800  }
0x216: {  	[sflag:s21] =	ssyncset.done $0x0  }
0x217: {  	s9 =	rddreg [dreg:$0xc];
	[sflag:s21] =	ssyncadd.s32 $0xFFFFD800  }
0x218: {  	[tilespmem:s15], [sflag:$0x3] =	stream.indirect.gather [hbm4b:s2+s12], $0x80, s9, s12, $0xb8;
	[tilespmem:$0x1D800] =	vst v63  }
0x219: {  	_ =	swait.ge [sflag:s16], $0x2800  }
0x21a: {  	[sflag:s16] =	ssyncset.done $0x0  }
0x21b: {  	s7 =	rddreg [dreg:$0xd];
	[sflag:s16] =	ssyncadd.s32 $0xFFFFD800  }
0x21c: {  	[spmem:s3] =	stream.indirect.scatter.add.f32 [tilespmem:s13], [sflag:$0x4], $0x80, s7, s12, $0xb8;
	[tilespmem:$0x1D800] =	vst v63  }
0x21d: {  	_ =	swait.ge [sflag:s17], $0x2800  }
0x21e: {  	[sflag:s17] =	ssyncset.done $0x0  }
0x21f: {  	s8 =	rddreg [dreg:$0xe];
	[sflag:s17] =	ssyncadd.s32 $0xFFFFD800  }
0x220: {  	[tilespmem:s13], [sflag:$0x1] =	stream.indirect.gather [hbm4b:s2+s12], $0x80, s8, s12, $0xb8;
	[tilespmem:$0x1D800] =	vst v63  }
0x221: {  	_ =	swait.ge [sflag:s18], $0x2800  }
0x222: {  	[sflag:s18] =	ssyncset.done $0x0  }
0x223: {  	s9 =	rddreg [dreg:$0xf];
	[sflag:s18] =	ssyncadd.s32 $0xFFFFD800  }
0x224: {  	[spmem:s3] =	stream.indirect.scatter.add.f32 [tilespmem:s14], [sflag:$0x5], $0x80, s9, s12, $0xb8;
	[tilespmem:$0x1D800] =	vst v63  }
0x225: {  	_ =	swait.ge [sflag:s19], $0x2800  }
0x226: {  	[sflag:s19] =	ssyncset.done $0x0  }
0x227: {  	s7 =	rddreg [dreg:$0x10];
	[sflag:s19] =	ssyncadd.s32 $0xFFFFD800  }
0x228: {  	[tilespmem:s14], [sflag:$0x2] =	stream.indirect.gather [hbm4b:s2+s12], $0x80, s7, s12, $0xb8;
	[tilespmem:$0x1D800] =	vst v63  }
0x229: {  	_ =	swait.ge [sflag:s20], $0x2800  }
0x22a: {  	[sflag:s20] =	ssyncset.done $0x0  }
0x22b: {  	s8 =	rddreg [dreg:$0x11];
	[sflag:s20] =	ssyncadd.s32 $0xFFFFD800  }
0x22c: {  	[spmem:s3] =	stream.indirect.scatter.add.f32 [tilespmem:s15], [sflag:$0x6], $0x80, s8, s12, $0xb8;
	[tilespmem:$0x1D800] =	vst v63  }
0x22d: {  	_ =	swait.ge [sflag:s21], $0x2800  }
0x22e: {  	[sflag:s21] =	ssyncset.done $0x0  }
0x22f: {  	s9 =	rddreg [dreg:$0x12];
	[sflag:s21] =	ssyncadd.s32 $0xFFFFD800  }
0x230: {  	[tilespmem:s15], [sflag:$0x3] =	stream.indirect.gather [hbm4b:s2+s12], $0x80, s9, s12, $0xb8;
	[tilespmem:$0x1D800] =	vst v63  }
0x231: {  	_ =	swait.ge [sflag:s16], $0x2800  }
0x232: {  	[sflag:s16] =	ssyncset.done $0x0  }
0x233: {  	s7 =	rddreg [dreg:$0x13];
	[sflag:s16] =	ssyncadd.s32 $0xFFFFD800  }
0x234: {  	[spmem:s3] =	stream.indirect.scatter.add.f32 [tilespmem:s13], [sflag:$0x4], $0x80, s7, s12, $0xb8;
	[tilespmem:$0x1D800] =	vst v63  }
0x235: {  	_ =	swait.ge [sflag:s17], $0x2800  }
0x236: {  	[sflag:s17] =	ssyncset.done $0x0  }
0x237: {  	s8 =	rddreg [dreg:$0x14];
	[sflag:s17] =	ssyncadd.s32 $0xFFFFD800  }
0x238: {  	[tilespmem:s13], [sflag:$0x1] =	stream.indirect.gather [hbm4b:s2+s12], $0x80, s8, s12, $0xb8;
	[tilespmem:$0x1D800] =	vst v63  }
0x239: {  	_ =	swait.ge [sflag:s18], $0x2800  }
0x23a: {  	[sflag:s18] =	ssyncset.done $0x0  }
0x23b: {  	s9 =	rddreg [dreg:$0x15];
	[sflag:s18] =	ssyncadd.s32 $0xFFFFD800  }
0x23c: {  	[spmem:s3] =	stream.indirect.scatter.add.f32 [tilespmem:s14], [sflag:$0x5], $0x80, s9, s12, $0xb8;
	[tilespmem:$0x1D800] =	vst v63  }
0x23d: {  	_ =	swait.ge [sflag:s19], $0x2800  }
0x23e: {  	[sflag:s19] =	ssyncset.done $0x0  }
0x23f: {  	s7 =	rddreg [dreg:$0x16];
	[sflag:s19] =	ssyncadd.s32 $0xFFFFD800  }
0x240: {  	[tilespmem:s14], [sflag:$0x2] =	stream.indirect.gather [hbm4b:s2+s12], $0x80, s7, s12, $0xb8;
	[tilespmem:$0x1D800] =	vst v63  }
0x241: {  	_ =	swait.ge [sflag:s20], $0x2800  }
0x242: {  	[sflag:s20] =	ssyncset.done $0x0  }
0x243: {  	s8 =	rddreg [dreg:$0x17];
	[sflag:s20] =	ssyncadd.s32 $0xFFFFD800  }
0x244: {  	[spmem:s3] =	stream.indirect.scatter.add.f32 [tilespmem:s15], [sflag:$0x6], $0x80, s8, s12, $0xb8;
	[tilespmem:$0x1D800] =	vst v63  }
0x245: {  	_ =	swait.ge [sflag:s21], $0x2800  }
0x246: {  	[sflag:s21] =	ssyncset.done $0x0  }
0x247: {  	s9 =	rddreg [dreg:$0x18];
	[sflag:s21] =	ssyncadd.s32 $0xFFFFD800  }
0x248: {  	[tilespmem:s15], [sflag:$0x3] =	stream.indirect.gather [hbm4b:s2+s12], $0x80, s9, s12, $0xb8;
	[tilespmem:$0x1D800] =	vst v63  }
0x249: {  	_ =	swait.ge [sflag:s16], $0x2800  }
0x24a: {  	[sflag:s16] =	ssyncset.done $0x0  }
0x24b: {  	s7 =	rddreg [dreg:$0x19];
	[sflag:s16] =	ssyncadd.s32 $0xFFFFD800  }
0x24c: {  	[spmem:s3] =	stream.indirect.scatter.add.f32 [tilespmem:s13], [sflag:$0x4], $0x80, s7, s12, $0xb8;
	[tilespmem:$0x1D800] =	vst v63  }
0x24d: {  	_ =	swait.ge [sflag:s17], $0x2800  }
0x24e: {  	[sflag:s17] =	ssyncset.done $0x0  }
0x24f: {  	s8 =	rddreg [dreg:$0x1a];
	[sflag:s17] =	ssyncadd.s32 $0xFFFFD800  }
0x250: {  	[tilespmem:s13], [sflag:$0x1] =	stream.indirect.gather [hbm4b:s2+s12], $0x80, s8, s12, $0xb8;
	[tilespmem:$0x1D800] =	vst v63  }
0x251: {  	_ =	swait.ge [sflag:s18], $0x2800  }
0x252: {  	[sflag:s18] =	ssyncset.done $0x0  }
0x253: {  	s9 =	rddreg [dreg:$0x1b];
	[sflag:s18] =	ssyncadd.s32 $0xFFFFD800  }
0x254: {  	[spmem:s3] =	stream.indirect.scatter.add.f32 [tilespmem:s14], [sflag:$0x5], $0x80, s9, s12, $0xb8;
	[tilespmem:$0x1D800] =	vst v63  }
0x255: {  	_ =	swait.ge [sflag:s19], $0x2800  }
0x256: {  	[sflag:s19] =	ssyncset.done $0x0  }
0x257: {  	s7 =	rddreg [dreg:$0x1c];
	[sflag:s19] =	ssyncadd.s32 $0xFFFFD800  }
0x258: {  	[tilespmem:s14], [sflag:$0x2] =	stream.indirect.gather [hbm4b:s2+s12], $0x80, s7, s12, $0xb8;
	[tilespmem:$0x1D800] =	vst v63  }
0x259: {  	_ =	swait.ge [sflag:s20], $0x2800  }
0x25a: {  	[sflag:s20] =	ssyncset.done $0x0  }
0x25b: {  	s8 =	rddreg [dreg:$0x1d];
	[sflag:s20] =	ssyncadd.s32 $0xFFFFD800  }
0x25c: {  	[spmem:s3] =	stream.indirect.scatter.add.f32 [tilespmem:s15], [sflag:$0x6], $0x80, s8, s12, $0xb8;
	[tilespmem:$0x1D800] =	vst v63  }
0x25d: {  	_ =	swait.ge [sflag:s21], $0x2800  }
0x25e: {  	[sflag:s21] =	ssyncset.done $0x0  }
0x25f: {  	s9 =	rddreg [dreg:$0x1e];
	[sflag:s21] =	ssyncadd.s32 $0xFFFFD800  }
0x260: {  	[tilespmem:s15], [sflag:$0x3] =	stream.indirect.gather [hbm4b:s2+s12], $0x80, s9, s12, $0xb8;
	[tilespmem:$0x1D800] =	vst v63  }
0x261: {  	_ =	swait.ge [sflag:s16], $0x2800  }
0x262: {  	[sflag:s16] =	ssyncset.done $0x0  }
0x263: {  	s7 =	rddreg [dreg:$0x1f];
	[sflag:s16] =	ssyncadd.s32 $0xFFFFD800  }
0x264: {  	[spmem:s3] =	stream.indirect.scatter.add.f32 [tilespmem:s13], [sflag:$0x4], $0x80, s7, s12, $0xb8;
	[tilespmem:$0x1D800] =	vst v63  }
0x265: {  	_ =	swait.ge [sflag:s17], $0x2800  }
0x266: {  	s8 =	sld [smem:$0x7F2]  }
0x267: {  	[sflag:s17] =	ssyncset.done $0x0  }
0x268: {  	[sflag:s17] =	ssyncadd.s32 $0xFFFFD800  }
0x269: {  	[tilespmem:s13], [sflag:$0x1] =	stream.indirect.gather [hbm4b:s2+s12], $0x80, s8, s12, $0xb8;
	[tilespmem:$0x1D800] =	vst v63  }
0x26a: {  	_ =	swait.ge [sflag:s18], $0x2800  }
0x26b: {  	s9 =	sld [smem:$0x7F3]  }
0x26c: {  	[sflag:s18] =	ssyncset.done $0x0  }
0x26d: {  	[sflag:s18] =	ssyncadd.s32 $0xFFFFD800  }
0x26e: {  	[spmem:s3] =	stream.indirect.scatter.add.f32 [tilespmem:s14], [sflag:$0x5], $0x80, s9, s12, $0xb8;
	[tilespmem:$0x1D800] =	vst v63  }
0x26f: {  	_ =	swait.ge [sflag:s19], $0x2800  }
0x270: {  	s7 =	sld [smem:$0x7F4]  }
0x271: {  	[sflag:s19] =	ssyncset.done $0x0  }
0x272: {  	[sflag:s19] =	ssyncadd.s32 $0xFFFFD800  }
0x273: {  	[tilespmem:s14], [sflag:$0x2] =	stream.indirect.gather [hbm4b:s2+s12], $0x80, s7, s12, $0xb8;
	[tilespmem:$0x1D800] =	vst v63  }
0x274: {  	_ =	swait.ge [sflag:s20], $0x2800  }
0x275: {  	s8 =	sld [smem:$0x7F5]  }
0x276: {  	[sflag:s20] =	ssyncset.done $0x0  }
0x277: {  	[sflag:s20] =	ssyncadd.s32 $0xFFFFD800  }
0x278: {  	[spmem:s3] =	stream.indirect.scatter.add.f32 [tilespmem:s15], [sflag:$0x6], $0x80, s8, s12, $0xb8;
	[tilespmem:$0x1D800] =	vst v63  }
0x279: {  	_ =	swait.ge [sflag:s21], $0x2800  }
0x27a: {  	s9 =	sld [smem:$0x7F6]  }
0x27b: {  	[sflag:s21] =	ssyncset.done $0x0  }
0x27c: {  	[sflag:s21] =	ssyncadd.s32 $0xFFFFD800  }
0x27d: {  	[tilespmem:s15], [sflag:$0x3] =	stream.indirect.gather [hbm4b:s2+s12], $0x80, s9, s12, $0xb8;
	[tilespmem:$0x1D800] =	vst v63  }
0x27e: {  	_ =	swait.ge [sflag:s16], $0x2800  }
0x27f: {  	s7 =	sld [smem:$0x7F7]  }
0x280: {  	[sflag:s16] =	ssyncset.done $0x0  }
0x281: {  	[sflag:s16] =	ssyncadd.s32 $0xFFFFD800  }
0x282: {  	[spmem:s3] =	stream.indirect.scatter.add.f32 [tilespmem:s13], [sflag:$0x4], $0x80, s7, s12, $0xb8;
	[tilespmem:$0x1D800] =	vst v63  }
0x283: {  	_ =	swait.ge [sflag:s17], $0x2800  }
0x284: {  	s8 =	sld [smem:$0x7F8]  }
0x285: {  	[sflag:s17] =	ssyncset.done $0x0  }
0x286: {  	[sflag:s17] =	ssyncadd.s32 $0xFFFFD800  }
0x287: {  	[tilespmem:s13], [sflag:$0x1] =	stream.indirect.gather [hbm4b:s2+s12], $0x80, s8, s12, $0xb8;
	[tilespmem:$0x1D800] =	vst v63  }
0x288: {  	_ =	swait.ge [sflag:s18], $0x2800  }
0x289: {  	s9 =	sld [smem:$0x7F9]  }
0x28a: {  	[sflag:s18] =	ssyncset.done $0x0  }
0x28b: {  	[sflag:s18] =	ssyncadd.s32 $0xFFFFD800  }
0x28c: {  	[spmem:s3] =	stream.indirect.scatter.add.f32 [tilespmem:s14], [sflag:$0x5], $0x80, s9, s12, $0xb8;
	[tilespmem:$0x1D800] =	vst v63  }
0x28d: {  	_ =	swait.ge [sflag:s19], $0x2800  }
0x28e: {  	s7 =	sld [smem:$0x7FA]  }
0x28f: {  	[sflag:s19] =	ssyncset.done $0x0  }
0x290: {  	[sflag:s19] =	ssyncadd.s32 $0xFFFFD800  }
0x291: {  	[tilespmem:s14], [sflag:$0x2] =	stream.indirect.gather [hbm4b:s2+s12], $0x80, s7, s12, $0xb8;
	[tilespmem:$0x1D800] =	vst v63  }
0x292: {  	_ =	swait.ge [sflag:s20], $0x2800  }
0x293: {  	s8 =	sld [smem:$0x7FB]  }
0x294: {  	[sflag:s20] =	ssyncset.done $0x0  }
0x295: {  	[sflag:s20] =	ssyncadd.s32 $0xFFFFD800  }
0x296: {  	[spmem:s3] =	stream.indirect.scatter.add.f32 [tilespmem:s15], [sflag:$0x6], $0x80, s8, s12, $0xb8;
	[tilespmem:$0x1D800] =	vst v63  }
0x297: {  	_ =	swait.ge [sflag:s21], $0x2800  }
0x298: {  	[sflag:s21] =	ssyncset.done $0x0  }
0x299: {  	[sflag:s21] =	ssyncadd.s32 $0xFFFFD800  }
0x29a: {  	[tilespmem:s15], [sflag:$0x3] =	stream.indirect.gather [hbm4b:s2+s12], $0x80, s22, s12, $0xb8;
	[tilespmem:$0x1D800] =	vst v63  }
0x29b: {  	_ =	swait.ge [sflag:s16], $0x2800  }
0x29c: {  	[sflag:s16] =	ssyncset.done $0x0  }
0x29d: {  	[sflag:s16] =	ssyncadd.s32 $0xFFFFD800  }
0x29e: {  	[spmem:s3] =	stream.indirect.scatter.add.f32 [tilespmem:s13], [sflag:$0x4], $0x80, s23, s12, $0xb8;
	[tilespmem:$0x1D800] =	vst v63  }
0x29f: {  	_ =	swait.ge [sflag:s17], $0x2800  }
0x2a0: {  	[sflag:s17] =	ssyncset.done $0x0  }
0x2a1: {  	[sflag:s17] =	ssyncadd.s32 $0xFFFFD800  }
0x2a2: {  	[tilespmem:s13], [sflag:$0x1] =	stream.indirect.gather [hbm4b:s2+s12], $0x80, s24, s12, $0xb8;
	[tilespmem:$0x1D800] =	vst v63  }
0x2a3: {  	_ =	swait.ge [sflag:s18], $0x2800  }
0x2a4: {  	[sflag:s18] =	ssyncset.done $0x0  }
0x2a5: {  	[sflag:s18] =	ssyncadd.s32 $0xFFFFD800  }
0x2a6: {  	[spmem:s3] =	stream.indirect.scatter.add.f32 [tilespmem:s14], [sflag:$0x5], $0x80, s25, s12, $0xb8;
	[tilespmem:$0x1D800] =	vst v63  }
0x2a7: {  	_ =	swait.ge [sflag:s19], $0x2800  }
0x2a8: {  	[sflag:s19] =	ssyncset.done $0x0  }
0x2a9: {  	[sflag:s19] =	ssyncadd.s32 $0xFFFFD800  }
0x2aa: {  	[tilespmem:s14], [sflag:$0x2] =	stream.indirect.gather [hbm4b:s2+s12], $0x80, s26, s12, $0xb8;
	[tilespmem:$0x1D800] =	vst v63  }
0x2ab: {  	_ =	swait.ge [sflag:s20], $0x2800  }
0x2ac: {  	[sflag:s20] =	ssyncset.done $0x0  }
0x2ad: {  	[sflag:s20] =	ssyncadd.s32 $0xFFFFD800  }
0x2ae: {  	[spmem:s3] =	stream.indirect.scatter.add.f32 [tilespmem:s15], [sflag:$0x6], $0x80, s28, s12, $0xb8;
	[tilespmem:$0x1D800] =	vst v63  }
0x2af: {  	_ =	swait.ge [sflag:s21], $0x2800  }
0x2b0: {  	[sflag:s21] =	ssyncset.done $0x0  }
0x2b1: {  	[sflag:s21] =	ssyncadd.s32 $0xFFFFD800  }
0x2b2: {  	[tilespmem:s15], [sflag:$0x3] =	stream.indirect.gather [hbm4b:s2+s12], $0x80, s29, s12, $0xb8;
	[tilespmem:$0x1D800] =	vst v63  }
0x2b3: {  	_ =	swait.ge [sflag:s16], $0x2800  }
0x2b4: {  	[sflag:s16] =	ssyncset.done $0x0  }
0x2b5: {  	[sflag:s16] =	ssyncadd.s32 $0xFFFFD800  }
0x2b6: {  	[spmem:s3] =	stream.indirect.scatter.add.f32 [tilespmem:s13], [sflag:$0x4], $0x80, s30, s12, $0xb8;
	[tilespmem:$0x1D800] =	vst v63  }
0x2b7: {  	_ =	swait.ge [sflag:s17], $0x2800  }
0x2b8: {  	[sflag:s17] =	ssyncset.done $0x0  }
0x2b9: {  	[sflag:s17] =	ssyncadd.s32 $0xFFFFD800  }
0x2ba: {  	[tilespmem:s13], [sflag:$0x1] =	stream.indirect.gather [hbm4b:s2+s12], $0x80, s31, s12, $0xb8;
	[tilespmem:$0x1D800] =	vst v63  }
0x2bb: {  	_ =	swait.ge [sflag:s18], $0x2800  }
0x2bc: {  	[sflag:s18] =	ssyncset.done $0x0  }
0x2bd: {  	[sflag:s18] =	ssyncadd.s32 $0xFFFFD800  }
0x2be: {  	[spmem:s3] =	stream.indirect.scatter.add.f32 [tilespmem:s14], [sflag:$0x5], $0x80, s1, s12, $0xb8;
	[tilespmem:$0x1D800] =	vst v63  }
0x2bf: {  	_ =	swait.ge [sflag:s19], $0x2800  }
0x2c0: {  	[sflag:s19] =	ssyncset.done $0x0  }
0x2c1: {  	[sflag:s19] =	ssyncadd.s32 $0xFFFFD800  }
0x2c2: {  	_ =	swait.ge [sflag:s20], $0x2800  }
0x2c3: {  	[sflag:s20] =	ssyncset.done $0x0  }
0x2c4: {  	[sflag:s20] =	ssyncadd.s32 $0xFFFFD800  }
0x2c5: {  	[spmem:s3] =	stream.indirect.scatter.add.f32 [tilespmem:s15], [sflag:$0x6], $0x80, s0, s12, $0xb8;
	[tilespmem:$0x1D800] =	vst v63  }
0x2c6: {  	_ =	swait.ge [sflag:s21], $0x2800  }
0x2c7: {  	[sflag:s21] =	ssyncset.done $0x0  }
0x2c8: {  	[sflag:s21] =	ssyncadd.s32 $0xFFFFD800  }
0x2c9: {  	_ =	swait.ge [sflag:s16], $0x2800  }
0x2ca: {  	[sflag:s16] =	ssyncset.done $0x0  }
0x2cb: {  	[sflag:s16] =	ssyncadd.s32 $0xFFFFD800  }
0x2cc: {  	[spmem:s3] =	stream.indirect.scatter.add.f32 [tilespmem:s13], [sflag:$0x4], $0x80, s5, s12, $0xb8;
	[tilespmem:$0x1D800] =	vst v63  }
0x2cd: {  	_ =	swait.ge [sflag:s17], $0x2800  }
0x2ce: {  	[sflag:s17] =	ssyncset.done $0x0  }
0x2cf: {  	[sflag:s17] =	ssyncadd.s32 $0xFFFFD800  }
0x2d0: {  	[bflag:$0x0] =	sbarrier.arrive $0xFFFF  }
0x2d1: {  	s7 =	sld [smem:$0x7FC]  }
0x2d2: {  	s9 =	sld [smem:$0x7F0]  }
0x2d3: {  	s8 =	sld [smem:$0x7FD];
	_ =	sdelay $0x2  }
0x2d4: {  	[hbm:s9], [sflag:s7] =	dma.local [spmem:s8], $0x2800  }
0x2d5: {  	_ =	swait.ge [sflag:s10], $0x2800  }
0x2d6: {  	s6 =	sld [smem:$0x7EE];
	_ =	sdelay $0x2  }
0x2d7: {  	s9 =	sadd.s32 $0x1, s6;
	s6 =	sld [smem:$0x7F1];
	_ =	sdelay $0x2  }
0x2d8: {  	p0 =	sne.s32 s9, s6  }
.Ltmp1:
0x2d9: {  	_ = 	snop;
	(pc) =	sbr.rel @p0 .LBB2_1-.Ltmp1, $3  }
0x2da: {  	_ =	sdelay $0x1  }
0x2db: {  	[sflag:s10] =	ssyncset.done $0x0  }
0x2dc: {  	[sflag:s10] =	ssyncadd.s32 $0xFFFFD800  }
0x2dd: {  	_ =	sfence.sel $0x180000  }
0x2de: {  	[bflag:$0x0] =	sbarrier.arrive $0xFFFF  }
0x2df: {  	_ =	strace $0x9000004D  }
0x2e0: {  	s0 =	stileid.u32;
	[bflag:$0x2] =	sbarrier.arrive $0xFFFF  }
0x2e1: {  	p0 =	sne.s32 s0, $0x0;
	s0 =	rddreg [dreg:$0x3]  }
0x2e2: {  	s0 =	sadd.s32 @!p0 $0x100000, s0  }
0x2e3: {  	[sflag:s0] =	ssyncadd.tile.s32 @!p0 $0x1;
	_ =	shalt  }
.Lfunc_end2:
_tile_overlayer_lowered:
.L_overlay_start_2:
0x2e4: {  	(tag) =	ssettag $0x2  }
0x2e5: {  	s0 =	rddreg [dreg:$0x0];
	s2 =	stileid.u32  }
0x2e6: {  	s1 =	rddreg [dreg:$0x1];
	p0 =	sne.s32 s2, $0x0  }
0x2e7: {  	s3 =	rddreg [dreg:$0x2];
	[bflag:$0x3] =	sbarrier.arrive $0xFFFF;
	s2 =	simm.s32 @!p0 $0x1C07  }
0x2e8: {  	[timem:s3], [sflag:s2] =	dma.local @!p0 [hbm:s0], s1  }
0x2e9: {  	s0 =	simm.s32 @!p0 $0x7  }
0x2ea: {  	_ =	swait.ge @!p0 [sflag:s0], s1  }
0x2eb: {  	s1 =	ssub.s32 @!p0 $0x0, s1;
	[sflag:s0] =	ssyncset.done @!p0 $0x0  }
0x2ec: {  	[sflag:s0] =	ssyncadd.s32 @!p0 s1  }
0x2ed: {  	[bflag:$0x3] =	sbarrier.arrive $0xFFFF  }
0x2ee: {  	_ =	shalt  }

// kernel: kernel.8.cloned.1.call-start
scs
__scs_entry_jumppad:
0x0: {  	(pc) =	sbr.rel $0x88, $3  }
0x1: {  	(tag) =	ssettag $0x0;
	lr =	simm.s32 $0x1  }
0x2: {  	[smem:$0x3F9B] =	sst lr;
	_ =	strace $0xD0000000  }
0x3: {  	_ = 	snop  }
0x4: {  	_ = 	snop  }
0x5: {  	_ = 	snop  }
0x6: {  	_ = 	snop  }
0x7: {  	_ = 	snop  }
__scs_overlays_trampoline_lowered:
0x8: {  	[smem:$0x3FAA] =	sst s0  }
0x9: {  	[smem:$0x3FAB] =	sst s1  }
0xa: {  	[smem:$0x3FAC] =	sst s2  }
0xb: {  	[smem:$0x3FAD] =	sst s3  }
0xc: {  	[smem:$0x3FAE] =	sst s4  }
0xd: {  	[smem:$0x3FAF] =	sst s5  }
0xe: {  	[smem:$0x3FB0] =	sst s6  }
0xf: {  	[smem:$0x3FB1] =	sst s7  }
0x10: {  	[smem:$0x3FB2] =	sst s8  }
0x11: {  	[smem:$0x3FB3] =	sst s9;
	s0 =	simm.s32 @!p0 $0x0  }
0x12: {  	s1 =	sld [smem:$0x3F99];
	s0 =	simm.s32 @p0 $0x1  }
0x13: {  	[smem:$0x3FB4] =	sst s0;
	s0 =	simm.s32 @!p1 $0x0  }
0x14: {  	s2 =	sld [smem:$0x3F98];
	s0 =	simm.s32 @p1 $0x1  }
0x15: {  	[smem:$0x3FB5] =	sst s0;
	s0 =	simm.s32 @!p2 $0x0  }
0x16: {  	s3 =	sld [smem:$0x3FDB];
	s0 =	simm.s32 @p2 $0x1  }
0x17: {  	s4 =	simm.s32 $0x1BF5;
	[smem:$0x3FB7] =	sst s0  }
0x18: {  	s0 =	sld [smem:$0x3F9A];
	_ =	swait.ge [sflag:s4], $0x0  }
0x19: {  	s7 =	sld [smem:$0x3F9B]  }
0x1a: {  	s8 =	sadd.s32 $0xFFFFE003, lr  }
0x1b: {  	s9 =	sadd.s32 $0xFFFFFEF7, lr;
	s5 =	simm.s32 $0xFFFFFFFF;
	p2 =	slt.u32 s8, $0xFFFFF086  }
0x1c: {  	p1 =	slt.u32 s9, $0xF7A;
	s5 =	simm.s32 @!p2 $0x0  }
0x1d: {  	s5 =	simm.s32 @p1 $0x1;
	p0 =	seq.s32 s7, s2  }
0x1e: {  	s7 =	smul.u32 @!p0 $0xF7A, s2;
	p2 =	seq.s32 @!p0 s5, $0x0  }
0x1f: {  	s9 =	smul.u32 $0xF7A, s1;
	s8 =	simm.s32 @!p0 $0x1BF5;
	p2 =	por !p2, p0  }
0x20: {  	[sflag:s8] =	ssyncset.s32 @!p0 $0xFFFFF086;
	s6 =	sadd.s32 @!p0 s3, s7;
	s7 =	simm.s32 @!p0 $0x108  }
0x21: {  	s3 =	sadd.s32 s3, s9;
	s6 =	sadd.s32 @!p0 $0x88, s6;
	s7 =	simm.s32 @p2 $0x1082  }
0x22: {  	[simem:s7], [sflag:s8] =	dma.local @!p0 [hbm:s6], $0xF7A  }
0x23: {  	s9 =	sor.u32 $0xD0000000, s2;
	s6 =	simm.s32 $0x108;
	_ =	swait.ge @!p0 [sflag:s8], $0x0  }
0x24: {  	s3 =	sadd.s32 $0x88, s3;
	s6 =	simm.s32 @!p1 $0x1082;
	[sflag:s4] =	ssyncset.s32 $0xFFFFF086  }
0x25: {  	[simem:s6], [sflag:s4] =	dma.local [hbm:s3], $0xF7A  }
0x26: {  	[smem:$0x3F9B] =	sst s1;
	(tag) =	ssettag s2;
	_ =	strace s9  }
0x27: {  	s1 =	sld [smem:$0x3FAB]  }
0x28: {  	s2 =	sld [smem:$0x3FAC]  }
0x29: {  	s4 =	sld [smem:$0x3FAE]  }
0x2a: {  	p0 =	seq.s32 s5, $0x0;
	s5 =	sld [smem:$0x3FAF]  }
0x2b: {  	s6 =	sld [smem:$0x3FB0]  }
0x2c: {  	s7 =	sld [smem:$0x3FB1]  }
0x2d: {  	s3 =	simm.s32 $0x108;
	s8 =	sld [smem:$0x3FB2]  }
0x2e: {  	s3 =	simm.s32 @!p0 $0x1082;
	s9 =	sld [smem:$0x3FB3]  }
0x2f: {  	lr =	sadd.s32 s0, s3;
	s0 =	sld [smem:$0x3FAA]  }
0x30: {  	s3 =	sld [smem:$0x3FAD]  }
0x31: {  	[smem:$0x3FB6] =	sst s10  }
0x32: {  	s10 =	sld [smem:$0x3FB4];
	_ =	sdelay $0x3  }
0x33: {  	p0 =	seq.s32 s10, $0x1;
	s10 =	sld [smem:$0x3FB6];
	_ =	sdelay $0x3  }
0x34: {  	[smem:$0x3FB6] =	sst s10  }
0x35: {  	s10 =	sld [smem:$0x3FB5];
	_ =	sdelay $0x3  }
0x36: {  	p1 =	seq.s32 s10, $0x1;
	s10 =	sld [smem:$0x3FB6];
	_ =	sdelay $0x3  }
0x37: {  	[smem:$0x3FB6] =	sst s10  }
0x38: {  	s10 =	sld [smem:$0x3FB7]  }
0x39: {  	_ = 	snop;
	(pc) =	sbr.ind lr, $3  }
0x3a: {  	_ = 	snop  }
0x3b: {  	_ = 	snop  }
0x3c: {  	p2 =	seq.s32 s10, $0x1;
	s10 =	sld [smem:$0x3FB6]  }
0x3d: {  	_ =	shalt  }
0x3e: {  	_ =	shalt  }
0x3f: {  	_ =	shalt  }
0x40: {  	_ =	shalt  }
0x41: {  	_ =	shalt  }
0x42: {  	_ =	shalt  }
0x43: {  	_ =	shalt  }
0x44: {  	_ =	shalt  }
0x45: {  	_ =	shalt  }
0x46: {  	_ =	shalt  }
0x47: {  	_ =	shalt  }
0x48: {  	_ =	shalt  }
0x49: {  	_ =	shalt  }
0x4a: {  	_ =	shalt  }
0x4b: {  	_ =	shalt  }
0x4c: {  	_ =	shalt  }
0x4d: {  	_ =	shalt  }
0x4e: {  	_ =	shalt  }
0x4f: {  	_ =	shalt  }
0x50: {  	_ =	shalt  }
0x51: {  	_ =	shalt  }
0x52: {  	_ =	shalt  }
0x53: {  	_ =	shalt  }
0x54: {  	_ =	shalt  }
0x55: {  	_ =	shalt  }
0x56: {  	_ =	shalt  }
0x57: {  	_ =	shalt  }
0x58: {  	_ =	shalt  }
0x59: {  	_ =	shalt  }
0x5a: {  	_ =	shalt  }
0x5b: {  	_ =	shalt  }
0x5c: {  	_ =	shalt  }
0x5d: {  	_ =	shalt  }
0x5e: {  	_ =	shalt  }
0x5f: {  	_ =	shalt  }
0x60: {  	_ =	shalt  }
0x61: {  	_ =	shalt  }
0x62: {  	_ =	shalt  }
0x63: {  	_ =	shalt  }
0x64: {  	_ =	shalt  }
0x65: {  	_ =	shalt  }
0x66: {  	_ =	shalt  }
0x67: {  	_ =	shalt  }
0x68: {  	_ =	shalt  }
0x69: {  	_ =	shalt  }
0x6a: {  	_ =	shalt  }
0x6b: {  	_ =	shalt  }
0x6c: {  	_ =	shalt  }
0x6d: {  	_ =	shalt  }
0x6e: {  	_ =	shalt  }
0x6f: {  	_ =	shalt  }
0x70: {  	_ =	shalt  }
0x71: {  	_ =	shalt  }
0x72: {  	_ =	shalt  }
0x73: {  	_ =	shalt  }
0x74: {  	_ =	shalt  }
0x75: {  	_ =	shalt  }
0x76: {  	_ =	shalt  }
0x77: {  	_ =	shalt  }
0x78: {  	_ =	shalt  }
0x79: {  	_ =	shalt  }
0x7a: {  	_ =	shalt  }
0x7b: {  	_ =	shalt  }
0x7c: {  	_ =	shalt  }
0x7d: {  	_ =	shalt  }
0x7e: {  	_ =	shalt  }
0x7f: {  	_ =	shalt  }
0x80: {  	_ =	shalt  }
0x81: {  	_ =	shalt  }
0x82: {  	_ =	shalt  }
0x83: {  	_ =	shalt  }
0x84: {  	_ =	shalt  }
0x85: {  	_ =	shalt  }
0x86: {  	_ =	shalt  }
0x87: {  	_ =	shalt  }
.Lfunc_end0:
.L_simem_size_0:
called_computation_lowered:
.L_overlay_start_0:
0x88: {  	s2 =	sld [smem:$0x3FD9]  }
0x89: {  	s3 =	sld [smem:$0x3FFE];
	_ =	sdelay $0x1  }
0x8a: {  	s1 =	srdreg.scid  }
0x8b: {  	s0 =	sand.u32 $0x1, s1  }
0x8c: {  	s17 =	sshll.u32 s0, $0xA;
	s2 =	sadd.s32 s3, s2  }
0x8d: {  	s2 =	sadd.s32 s2, s17  }
0x8e: {  	[smem:$0x3FC2] =	sst s2  }
0x8f: {  	_ = 	snop  }
0x90: {  	s2 =	sld [smem:$0x3FD0];
	(tm) =	ssettm $0x1  }
0x91: {  	s18 =	sld [smem:$0x3FFB];
	_ =	sdelay $0x3  }
0x92: {  	_ =	strace s18  }
0x93: {  	s3 =	sld [smem:$0x3FFC];
	_ =	sdelay $0x3  }
0x94: {  	_ =	strace s3  }
0x95: {  	s3 =	sld [smem:$0x3FFD];
	_ =	sdelay $0x3  }
0x96: {  	_ =	strace s3  }
0x97: {  	_ =	strace $0x8FFFFFFF  }
0x98: {  	s19 =	sld [smem:$0x3FDB];
	_ =	sdelay $0x1  }
0x99: {  	s4 =	simm.s32 $_scs_section_size  }
0x9a: {  	s5 =	simm.s32 $_size__tile_overlayer_lowered;
	s6 =	simm.s32 $_tile_overlayer_lowered  }
0x9b: {  	s22 =	simm.s32 $0x1BFF;
	s21 =	sshll.u32 s6, $0x1;
	s3 =	sadd.s32 s4, s19  }
0x9c: {  	s7 =	simm.s32 $0x0;
	s20 =	sshll.u32 s5, $0x1;
	s5 =	sadd.s32 s21, s3  }
0x9d: {  	[timem:s7], [sflag:s22] =	dma.local [hbm:s5], s20  }
0x9e: {  	_ =	swait.ge [sflag:s22], s20  }
0x9f: {  	s4 =	ssub.s32 $0x0, s20;
	[sflag:s22] =	ssyncset.done $0x0  }
0xa0: {  	[sflag:s22] =	ssyncadd.s32 s4;
	_ =	sdelay $0x1  }
0xa1: {  	s23 =	simm.s32 $0x1B8B  }
0xa2: {  	_ =	swait.ge [sflag:s23], $0x1  }
0xa3: {  	[sflag:s23] =	ssyncset.done $0x0  }
0xa4: {  	s25 =	simm.s32 $0x1B8E;
	s24 =	sld [smem:$0x3FFE];
	[sflag:s23] =	ssyncadd.s32 $0xFFFFFFFF  }
0xa5: {  	s26 =	simm.s32 $execute0_lowered;
	[smem:$0x3FD2] =	sst s25  }
0xa6: {  	s5 =	sshll.u32 s26, $0x1;
	_ =	strace $0x80000046;
	[dreg:$0x1] =	wrdreg $0xFFFFFFFF  }
0xa7: {  	s28 =	simm.s32 $_size_execute0_lowered;
	s3 =	sadd.s32 s3, s5;
	[dreg:$0x0] =	wrdreg $0x0  }
0xa8: {  	s5 =	sshll.u32 s28, $0x1;
	[dreg:$0x2] =	wrdreg s3  }
0xa9: {  	[dreg:$0x3] =	wrdreg s5  }
0xaa: {  	[dreg:$0x4] =	wrdreg $0xC0  }
0xab: {  	_ =	task [dreg:s7], $0x5FFFF  }
0xac: {  	[dreg:$0x1] =	wrdreg $0xFFFFFFFF  }
0xad: {  	[dreg:$0x0] =	wrdreg $0x60  }
0xae: {  	[dreg:$0x2] =	wrdreg s24  }
0xaf: {  	[dreg:$0x3] =	wrdreg s2  }
0xb0: {  	[dreg:$0x4] =	wrdreg $0x53000  }
0xb1: {  	[dreg:$0x5] =	wrdreg $0x9  }
0xb2: {  	_ =	task.clear_ibuf [dreg:s7], $0x6FFFF;
	_ =	strace $0x90000046  }
0xb3: {  	s29 =	simm.s32 $0x9;
	_ =	strace $0x80000048  }
0xb4: {  	_ =	swait.ge [sflag:s29], $0x1  }
0xb5: {  	[sflag:s29] =	ssyncadd.s32 $0xFFFFFFFF  }
0xb6: {  	_ =	strace $0x90000048  }
0xb7: {  	_ =	sfence  }
0xb8: {  	s30 =	sld [smem:$0x0];
	_ =	sdelay $0x2  }
0xb9: {  	s31 =	sshll.u32 s1, $0xD;
	s1 =	sshrl.u32 s1, $0x2  }
0xba: {  	s3 =	sand.u32 $0x4000, s31;
	s1 =	sadd.s32 s1, s30  }
0xbb: {  	s0 =	sor.u32 s3, s0;
	s1 =	sshll.u32 s1, $0x11  }
0xbc: {  	s0 =	sor.u32 s1, s0  }
0xbd: {  	s0 =	sadd.s32 $0x8F2B, s0  }
0xbe: {  	[sflag:s0] =	ssyncadd.remote.s32 $0x1  }
0xbf: {  	_ =	sfence.sel $0xFFFF  }
0xc0: {  	[dreg:$0x0] =	wrdreg $0xFFFFFFFF;
	(pc) =	sbr.abs _section_cstart, $3  }
0xc1: {  	[dreg:$0x1] =	wrdreg $0xFFFFFFFF  }
0xc2: {  	_ =	task.clear_ibuf [dreg:s7], $0x2FFFF;
	_ =	strace $0x9FFFFFFF  }
0xc3: {  	(tm) =	ssettm $0x7FFFFFFF  }
tec
execute0_lowered:
.L_overlay_start_1:
0x0: {  	(tag) =	ssettag $0x1  }
0x1: {  	s4 =	rddreg [dreg:$0x0]  }
0x2: {  	s6 =	rddreg [dreg:$0x1]  }
0x3: {  	s0 =	srdreg.scid;
	s2 =	rddreg [dreg:$0x2]  }
0x4: {  	s1 =	stileid.u32;
	s3 =	simm.s32 $0x0;
	s13 =	simm.s32 $0x2000  }
0x5: {  	s14 =	simm.s32 $0x3000;
	s15 =	simm.s32 $0x4000;
	s16 =	simm.s32 $0x1  }
0x6: {  	s17 =	simm.s32 $0x5080;
	s18 =	simm.s32 $0x50;
	s19 =	simm.s32 $0x5000  }
0x7: {  	s22 =	simm.s32 $0x20;
	s23 =	simm.s32 $0x10;
	s24 =	simm.s32 $0x0  }
0x8: {  	s5 =	sand.u32 $0x1, s0;
	s0 =	rddreg [dreg:$0x3];
	s10 =	smul.u32 $0x500, s1  }
0x9: {  	[smem:$0x7FF] =	sst s3;
	s11 =	smul.u32 $0xA00, s1;
	s20 =	sshll.u32 s1, $0x6  }
0xa: {  	s7 =	sshll.u32 s5, $0x4;
	s8 =	ssub.s32 $0x2, s5;
	_ =	strace $0x80000047  }
0xb: {  	s5 =	sshll.u32 s5, $0x7;
	s20 =	sor.u32 $0x1C01, s20;
	s7 =	sor.u32 s1, s7  }
0xc: {  	s9 =	sshrl.u32 s8, $0x1;
	s5 =	sor.u32 s5, s10;
	s7 =	smul.u32 $0x5000, s7  }
0xd: {  	s30 =	sshrl.u32 s11, $0x2;
	s8 =	ssub.s32 s8, s9;
	s31 =	sshrl.u32 s5, $0x3  }
0xe: {  	s5 =	sadd.s32 s30, s2;
	s6 =	sadd.s32 s6, s31;
	s7 =	sshrl.u32 s7, $0x3  }
0xf: {  	s21 =	sshrl.u32 s5, $0x3;
	s12 =	sadd.s32 s4, s7;
	s7 =	smax.u32 s8, $0x1  }
0x10: {  	s4 =	sadd.s32 $0x16400, s12;
	s8 =	sadd.s32 $0x16600, s12;
	s9 =	sadd.s32 $0x16800, s12  }
0x11: {  	v0 =	vimm.f32 $1.000000000e+00;
	v1 =	vimm.f32 $0.0e+00;
	s10 =	sadd.s32 $0x16A00, s12;
	s11 =	sadd.s32 $0x16C00, s12;
	s12 =	simm.s32 $0x1000  }
.LBB2_1:
0x12: {  	[tilespmem:s3], [sflag:$0x1] =	stream.linear.gather [hbm4b:s4+s3], $0xC80, $0x38;
	[tilespmem:$0x5580] =	vst v63  }
0x13: {  	_ = 	snop  }
0x14: {  	[tilespmem:s12], [sflag:$0x1] =	stream.linear.gather [hbm4b:s8+s3], $0xC80, $0x38;
	[tilespmem:$0x5580] =	vst v63  }
0x15: {  	_ = 	snop  }
0x16: {  	[tilespmem:s13], [sflag:$0x1] =	stream.linear.gather [hbm4b:s9+s3], $0xC80, $0x38;
	[tilespmem:$0x5580] =	vst v63  }
0x17: {  	_ = 	snop  }
0x18: {  	[tilespmem:s14], [sflag:$0x1] =	stream.linear.gather [hbm4b:s10+s3], $0xC80, $0x38;
	[tilespmem:$0x5580] =	vst v63  }
0x19: {  	_ = 	snop  }
0x1a: {  	[tilespmem:s15], [sflag:$0x1] =	stream.linear.gather [hbm4b:s11+s3], $0xC80, $0x38;
	[tilespmem:$0x5580] =	vst v63  }
0x1b: {  	_ =	swait.ge [sflag:s16], $0x3E80  }
0x1c: {  	[sflag:s16] =	ssyncset.done $0x0  }
0x1d: {  	[sflag:s16] =	ssyncadd.s32 $0xFFFFC180  }
0x1e: {  	[tilespmem:$0x5000] =	vst v0  }
0x1f: {  	[tilespmem:$0x5010] =	vst v0  }
0x20: {  	[tilespmem:$0x5020] =	vst v0  }
0x21: {  	[tilespmem:$0x5030] =	vst v0  }
0x22: {  	[tilespmem:$0x5040] =	vst v0  }
0x23: {  	[tilespmem:$0x5080] =	vst v1  }
0x24: {  	[tilespmem:$0x5090] =	vst v1  }
0x25: {  	[tilespmem:$0x50A0] =	vst v1  }
0x26: {  	[tilespmem:$0x50B0] =	vst v1  }
0x27: {  	[tilespmem:$0x50C0] =	vst v1  }
0x28: {  	[tilespmem:$0x50D0] =	vst v1  }
0x29: {  	[tilespmem:$0x50E0] =	vst v1  }
0x2a: {  	[tilespmem:$0x50F0] =	vst v1  }
0x2b: {  	[tilespmem:$0x5100] =	vst v1  }
0x2c: {  	[tilespmem:$0x5110] =	vst v1  }
0x2d: {  	[tilespmem:$0x5120] =	vst v1  }
0x2e: {  	[tilespmem:$0x5130] =	vst v1  }
0x2f: {  	[tilespmem:$0x5140] =	vst v1  }
0x30: {  	[tilespmem:$0x5150] =	vst v1  }
0x31: {  	[tilespmem:$0x5160] =	vst v1  }
0x32: {  	[tilespmem:$0x5170] =	vst v1  }
0x33: {  	[tilespmem:$0x5180] =	vst v1  }
0x34: {  	[tilespmem:$0x5190] =	vst v1  }
0x35: {  	[tilespmem:$0x51A0] =	vst v1  }
0x36: {  	[tilespmem:$0x51B0] =	vst v1  }
0x37: {  	[tilespmem:$0x51C0] =	vst v1  }
0x38: {  	[tilespmem:$0x51D0] =	vst v1  }
0x39: {  	[tilespmem:$0x51E0] =	vst v1  }
0x3a: {  	[tilespmem:$0x51F0] =	vst v1  }
0x3b: {  	[tilespmem:$0x5200] =	vst v1  }
0x3c: {  	[tilespmem:$0x5210] =	vst v1  }
0x3d: {  	[tilespmem:$0x5220] =	vst v1  }
0x3e: {  	[tilespmem:$0x5230] =	vst v1  }
0x3f: {  	[tilespmem:$0x5240] =	vst v1  }
0x40: {  	[tilespmem:$0x5250] =	vst v1  }
0x41: {  	[tilespmem:$0x5260] =	vst v1  }
0x42: {  	[tilespmem:$0x5270] =	vst v1  }
0x43: {  	[tilespmem:$0x5280] =	vst v1  }
0x44: {  	[tilespmem:$0x5290] =	vst v1  }
0x45: {  	[tilespmem:$0x52A0] =	vst v1  }
0x46: {  	s26 =	smul.u32 $0x29, s3;
	[tilespmem:$0x52B0] =	vst v1  }
0x47: {  	[tilespmem:$0x52C0] =	vst v1  }
0x48: {  	s25 =	sshrl.u32 s26, $0xA;
	[tilespmem:$0x52D0] =	vst v1  }
0x49: {  	s25 =	sand.u32 $0x3F, s25;
	[tilespmem:$0x52E0] =	vst v1  }
0x4a: {  	s26 =	sshll.u32 s26, $0x2;
	s28 =	smul.u32 $0x19, s25;
	s25 =	simm.s32 $0x1;
	[tilespmem:$0x52F0] =	vst v1  }
0x4b: {  	[spmem:s5] =	stream.linear.scatter [tilespmem:s17], [sflag:$0x1], $0x280, $0x38;
	[tilespmem:$0x5580] =	vst v63  }
0x4c: {  	s29 =	ssub.s32 $0x0, s28;
	s28 =	smul.u32 $0x29, s25;
	_ =	swait.ge [sflag:s16], $0x280  }
0x4d: {  	s26 =	sand.u32 $0x3F000, s26;
	s29 =	sand.u32 $0xFF, s29;
	[sflag:s16] =	ssyncset.done $0x0  }
0x4e: {  	s29 =	sshll.u32 s29, $0x7;
	s30 =	sshrl.u32 s28, $0xA;
	[sflag:s16] =	ssyncadd.s32 $0xFFFFFD80  }
0x4f: {  	s26 =	sor.u32 s29, s26;
	s31 =	sand.u32 $0x3F, s30;
	[bflag:$0x0] =	sbarrier.arrive $0xFFFF  }
0x50: {  	[spmem:s2] =	stream.indirect.scatter.add.f32 [tilespmem:s19], [sflag:$0x1], $0x1, s26, s18, $0xb8;
	[tilespmem:$0x5580] =	vst v63  }
0x51: {  	s29 =	smul.u32 $0x19, s31;
	s26 =	simm.s32 $0x2  }
.LBB2_2:
0x52: {  	s30 =	smul.u32 $0x29, s26  }
0x53: {  	p0 =	sne.s32 s26, $0x7C;
	s28 =	sshll.u32 s28, $0x2  }
0x54: {  	s29 =	ssub.s32 s25, s29;
	s25 =	smov.u32 s26;
	s31 =	sshrl.u32 s30, $0xA  }
.Ltmp0:
0x55: {  	s29 =	sand.u32 $0xFF, s29;
	_ =	swait.ge [sflag:s16], $0x50;
	(pc) =	sbr.rel @p0 .LBB2_2-.Ltmp0, $4  }
0x56: {  	s28 =	sand.u32 $0x3F000, s28;
	s29 =	sshll.u32 s29, $0x7;
	[sflag:s16] =	ssyncset.done $0x0  }
0x57: {  	s31 =	sand.u32 $0x3F, s31;
	s28 =	sor.u32 s29, s28;
	[sflag:s16] =	ssyncadd.s32 $0xFFFFFFB0  }
0x58: {  	[spmem:s2] =	stream.indirect.scatter.add.f32 [tilespmem:s19], [sflag:$0x1], $0x1, s28, s18, $0xb8;
	[tilespmem:$0x5580] =	vst v63  }
0x59: {  	s26 =	sadd.s32 $0x1, s26;
	s29 =	smul.u32 $0x19, s31;
	s28 =	smov.u32 s30  }
0x5a: {  	_ = 	snop  }
0x5b: {  	s25 =	ssub.s32 s25, s29  }
0x5c: {  	s26 =	sshll.u32 s28, $0x2;
	_ =	swait.ge [sflag:s16], $0x50;
	s25 =	sand.u32 $0xFF, s25  }
0x5d: {  	s26 =	sand.u32 $0x3F000, s26;
	[sflag:s16] =	ssyncset.done $0x0;
	s25 =	sshll.u32 s25, $0x7  }
0x5e: {  	[sflag:s16] =	ssyncadd.s32 $0xFFFFFFB0;
	s25 =	sor.u32 s25, s26  }
0x5f: {  	[spmem:s2] =	stream.indirect.scatter.add.f32 [tilespmem:s19], [sflag:$0x1], $0x1, s25, s18, $0xb8;
	[tilespmem:$0x5580] =	vst v63  }
0x60: {  	_ =	swait.ge [sflag:s16], $0x50  }
0x61: {  	s24 =	sadd.s32 $0x1, s24;
	[sflag:s16] =	ssyncset.done $0x0  }
0x62: {  	p0 =	sne.s32 s24, s7;
	[sflag:s16] =	ssyncadd.s32 $0xFFFFFFB0  }
.Ltmp1:
0x63: {  	[bflag:$0x0] =	sbarrier.arrive $0xFFFF;
	(pc) =	sbr.rel @p0 .LBB2_1-.Ltmp1, $4  }
0x64: {  	[hbm:s6@s22], [sflag:s20] =	dma.strided [spmem:s21@s23], $0x50, s16, $0x10   }
0x65: {  	_ =	swait.ge [sflag:s16], $0x50  }
0x66: {  	[sflag:s16] =	ssyncset.done $0x0  }
0x67: {  	[sflag:s16] =	ssyncadd.s32 $0xFFFFFFB0  }
0x68: {  	_ =	sfence.sel $0x180000  }
0x69: {  	[bflag:$0x0] =	sbarrier.arrive $0xFFFF  }
0x6a: {  	p0 =	sne.s32 s1, $0x0;
	_ =	strace $0x90000047  }
0x6b: {  	s0 =	sadd.s32 @!p0 $0x100000, s0;
	[bflag:$0x2] =	sbarrier.arrive $0xFFFF  }
0x6c: {  	[sflag:s0] =	ssyncadd.tile.s32 @!p0 $0x1;
	_ =	shalt  }
.Lfunc_end2:
_tile_overlayer_lowered:
.L_overlay_start_2:
0x6d: {  	(tag) =	ssettag $0x2  }
0x6e: {  	s0 =	rddreg [dreg:$0x0];
	s2 =	stileid.u32  }
0x6f: {  	s1 =	rddreg [dreg:$0x1];
	p0 =	sne.s32 s2, $0x0  }
0x70: {  	s3 =	rddreg [dreg:$0x2];
	[bflag:$0x3] =	sbarrier.arrive $0xFFFF;
	s2 =	simm.s32 @!p0 $0x1C01  }
0x71: {  	[timem:s3], [sflag:s2] =	dma.local @!p0 [hbm:s0], s1  }
0x72: {  	s0 =	simm.s32 @!p0 $0x1  }
0x73: {  	_ =	swait.ge @!p0 [sflag:s0], s1  }
0x74: {  	s1 =	ssub.s32 @!p0 $0x0, s1;
	[sflag:s0] =	ssyncset.done @!p0 $0x0  }
0x75: {  	[sflag:s0] =	ssyncadd.s32 @!p0 s1  }
0x76: {  	[bflag:$0x3] =	sbarrier.arrive $0xFFFF  }
0x77: {  	_ =	shalt  }

</sc_bundles>
